<compile_context>
chip_gen: v7x
topology: tpu7x:2x2x1
jax: 0.10.2.dev20260603
libtpu: 0.0.44.dev20260713+nightly
codegen_flags: <defaults>
</compile_context>

<pallas_src>
import functools

import jax
import jax.numpy as jnp
from jax import lax
from jax.experimental import pallas as pl
from jax.experimental.pallas import tpu as pltpu
from jax.experimental.pallas import tpu_sc as plsc

N_NODES = 10000
N_EDGES = 320000
DIM = 128

NC = 2
NS = 16
NW = NC * NS

NP = 10240
EB = 128
EP = 327680
NB = EP // (NW * EB)
CH = 40
RPT = NP // NS

_MESH = plsc.VectorSubcoreMesh(
    core_axis_name="c", subcore_axis_name="s", num_cores=NC, num_subcores=NS
)
_SC_PARAMS = pltpu.CompilerParams(needs_layout_passes=False)


@functools.partial(
    pl.kernel,
    out_type=jax.ShapeDtypeStruct((NW * NP,), jnp.float32),
    mesh=_MESH,
    scratch_types=[
        pltpu.VMEM((NB, EB), jnp.int32),
        pltpu.VMEM((NP,), jnp.float32),
    ],
    compiler_params=_SC_PARAMS,
)
def _deg_kernel(dst_hbm, out_hbm, dst_v, deg_v):
    c = lax.axis_index("c")
    s = lax.axis_index("s")
    wid = c * NS + s
    pltpu.sync_copy(dst_hbm.at[wid], dst_v)

    def zero_body(r, _):
        deg_v[pl.ds(r * 16, 16)] = jnp.zeros((16,), jnp.float32)
        return 0

    lax.fori_loop(0, NP // 16, zero_body, 0, unroll=False)

    ones = jnp.ones((16,), jnp.float32)

    def body(r, _):
        for k in range(EB // 16):
            idx = dst_v[r, pl.ds(k * 16, 16)]
            plsc.addupdate_scatter(deg_v, [idx], ones)
        return 0

    lax.fori_loop(0, NB, body, 0, unroll=False)
    pltpu.sync_copy(deg_v, out_hbm.at[pl.ds(wid * NP, NP)])


@functools.partial(
    pl.kernel,
    out_type=jax.ShapeDtypeStruct((NC, NP, DIM), jnp.float32),
    mesh=_MESH,
    scratch_types=[
        pltpu.VMEM((CH, EB), jnp.int32),
        pltpu.VMEM((CH, EB), jnp.int32),
        pltpu.VMEM((EB, DIM), jnp.float32),
        pltpu.VMEM((EB, DIM), jnp.float32),
        pltpu.VMEM_SHARED((NP, DIM), jnp.float32),
        pltpu.SemaphoreType.DMA,
        pltpu.SemaphoreType.DMA,
        pltpu.SemaphoreType.DMA,
    ],
    compiler_params=_SC_PARAMS,
)
def _agg_kernel(hp_hbm, src_hbm, dst_hbm, out_hbm,
                src_v, dst_v, rows0, rows1, acc, sg0, sg1, sz):
    c = lax.axis_index("c")
    s = lax.axis_index("s")
    wid = c * NS + s

    pltpu.async_copy(src_hbm.at[wid, pl.ds(0, CH)], src_v, sg0)
    pltpu.async_copy(dst_hbm.at[wid, pl.ds(0, CH)], dst_v, sg1)

    def zero_body(r, _):
        for k in range(DIM // 16):
            rows0[r, pl.ds(k * 16, 16)] = jnp.zeros((16,), jnp.float32)
        return 0

    lax.fori_loop(0, EB, zero_body, 0, unroll=False)
    for q in range(RPT // EB):
        pltpu.async_copy(rows0, acc.at[pl.ds(s * RPT + q * EB, EB)], sz)
    for q in range(RPT // EB):
        pltpu.make_async_copy(rows0, acc.at[pl.ds(s * RPT + q * EB, EB)],
                              sz).wait()
    pltpu.make_async_copy(src_hbm.at[wid, pl.ds(0, CH)], src_v, sg0).wait()
    pltpu.make_async_copy(dst_hbm.at[wid, pl.ds(0, CH)], dst_v, sg1).wait()
    plsc.subcore_barrier()

    for q in range(NB // CH):
        if q > 0:
            pltpu.sync_copy(src_hbm.at[wid, pl.ds(q * CH, CH)], src_v)
            pltpu.sync_copy(dst_hbm.at[wid, pl.ds(q * CH, CH)], dst_v)
        pltpu.async_copy(hp_hbm.at[src_v.at[0]], rows0, sg0)

        def body(j, _):
            even = j % 2 == 0

            @pl.when(jnp.logical_and(even, j + 1 < CH))
            def _():
                pltpu.async_copy(hp_hbm.at[src_v.at[j + 1]], rows1, sg1)

            @pl.when(jnp.logical_and(jnp.logical_not(even), j + 1 < CH))
            def _():
                pltpu.async_copy(hp_hbm.at[src_v.at[j + 1]], rows0, sg0)

            @pl.when(even)
            def _():
                pltpu.make_async_copy(
                    hp_hbm.at[src_v.at[j]], rows0, sg0).wait()
                pltpu.sync_copy(rows0, acc.at[dst_v.at[j]], add=True)

            @pl.when(jnp.logical_not(even))
            def _():
                pltpu.make_async_copy(
                    hp_hbm.at[src_v.at[j]], rows1, sg1).wait()
                pltpu.sync_copy(rows1, acc.at[dst_v.at[j]], add=True)

            return 0

        lax.fori_loop(0, CH, body, 0, unroll=False)

    plsc.subcore_barrier()
    pltpu.sync_copy(acc.at[pl.ds(s * RPT, RPT)],
                    out_hbm.at[c, pl.ds(s * RPT, RPT)])


_RB = 640


def _prep_body(x_ref, w_ref, degp_ref, hp_ref, dis_ref):
    deg = jnp.sum(degp_ref[...], axis=0) + 1.0
    dis = lax.rsqrt(deg)[:, None]
    h = jnp.dot(x_ref[...], w_ref[...], preferred_element_type=jnp.float32)
    hp_ref[...] = h * dis
    dis_ref[...] = dis


def _prep_tc(x, w, degp):
    grid = (NP // _RB,)
    return pl.pallas_call(
        _prep_body,
        grid=grid,
        in_specs=[
            pl.BlockSpec((_RB, DIM), lambda i: (i, 0)),
            pl.BlockSpec((DIM, DIM), lambda i: (0, 0)),
            pl.BlockSpec((NW, _RB), lambda i: (0, i)),
        ],
        out_specs=[
            pl.BlockSpec((_RB, DIM), lambda i: (i, 0)),
            pl.BlockSpec((_RB, 1), lambda i: (i, 0)),
        ],
        out_shape=[
            jax.ShapeDtypeStruct((NP, DIM), jnp.float32),
            jax.ShapeDtypeStruct((NP, 1), jnp.float32),
        ],
    )(x, w, degp)


def _mid_body(p_ref, hp_ref, dis_ref, b_ref, w_ref, out_ref):
    z = (p_ref[0] + p_ref[1] + hp_ref[...]) * dis_ref[...] + b_ref[...]
    x2 = jnp.maximum(z, 0.0)
    h2 = jnp.dot(x2, w_ref[...], preferred_element_type=jnp.float32)
    out_ref[...] = h2 * dis_ref[...]


def _mid_tc(p, hp, dis, b, w):
    grid = (NP // _RB,)
    return pl.pallas_call(
        _mid_body,
        grid=grid,
        in_specs=[
            pl.BlockSpec((NC, _RB, DIM), lambda i: (0, i, 0)),
            pl.BlockSpec((_RB, DIM), lambda i: (i, 0)),
            pl.BlockSpec((_RB, 1), lambda i: (i, 0)),
            pl.BlockSpec((1, DIM), lambda i: (0, 0)),
            pl.BlockSpec((DIM, DIM), lambda i: (0, 0)),
        ],
        out_specs=pl.BlockSpec((_RB, DIM), lambda i: (i, 0)),
        out_shape=jax.ShapeDtypeStruct((NP, DIM), jnp.float32),
    )(p, hp, dis, b, w)


def _fin_body(p_ref, hp_ref, dis_ref, b_ref, out_ref):
    out_ref[...] = (p_ref[0] + p_ref[1] + hp_ref[...]) * dis_ref[...] \
        + b_ref[...]


_FB = 1000


def _fin_tc(p, hp, dis, b):
    grid = (N_NODES // _FB,)
    return pl.pallas_call(
        _fin_body,
        grid=grid,
        in_specs=[
            pl.BlockSpec((NC, _FB, DIM), lambda i: (0, i, 0)),
            pl.BlockSpec((_FB, DIM), lambda i: (i, 0)),
            pl.BlockSpec((_FB, 1), lambda i: (i, 0)),
            pl.BlockSpec((1, DIM), lambda i: (0, 0)),
        ],
        out_specs=pl.BlockSpec((_FB, DIM), lambda i: (i, 0)),
        out_shape=jax.ShapeDtypeStruct((N_NODES, DIM), jnp.float32),
    )(p, hp, dis, b)


@jax.jit
def kernel(x, edge_index, W1, b1, W2, b2):
    pad = N_NODES + jnp.arange(EP - N_EDGES, dtype=jnp.int32) % (NP - N_NODES)
    src = jnp.concatenate([edge_index[0].astype(jnp.int32), pad])
    dst = jnp.concatenate([edge_index[1].astype(jnp.int32), pad])
    src3d = src.reshape(NW, NB, EB)
    dst3d = dst.reshape(NW, NB, EB)
    xp = jnp.pad(x, ((0, NP - N_NODES), (0, 0)))

    degp = _deg_kernel(dst3d).reshape(NW, NP)
    hp1, dis = _prep_tc(xp, W1, degp)
    p1 = _agg_kernel(hp1, src3d, dst3d)
    hp2 = _mid_tc(p1, hp1, dis, b1.reshape(1, DIM), W2)
    p2 = _agg_kernel(hp2, src3d, dst3d)
    return _fin_tc(p2, hp2, dis, b2.reshape(1, DIM))

# --- scband reference (transcript-rebuilt; emitter-appended) ---
"""Pipeline reference for scband-gcn-69767448756417 (READ-ONLY COPY).

The authoritative reference and input builder live on the scoring server;
editing this copy changes nothing except your own understanding.
"""

import jax, jax.numpy as jnp
import numpy as np

N_NODES = 10000
N_EDGES = 320000
IN_DIM = 128
HID_DIM = 128
OUT_DIM = 128


def setup_inputs(seed: int = 0) -> dict:
    key = jax.random.key(seed)
    k1, k2, k3, k4, k5, k6 = jax.random.split(key, 6)
    x = jax.random.normal(k1, (N_NODES, IN_DIM), dtype=jnp.float32)
    edge_index = jax.random.randint(k2, (2, N_EDGES), 0, N_NODES, dtype=jnp.int64)
    # Glorot-style init for GCNConv weights
    W1 = jax.random.normal(k3, (IN_DIM, HID_DIM), dtype=jnp.float32) * (1.0 / np.sqrt(IN_DIM))
    b1 = jnp.zeros((HID_DIM,), dtype=jnp.float32)
    W2 = jax.random.normal(k4, (HID_DIM, OUT_DIM), dtype=jnp.float32) * (1.0 / np.sqrt(HID_DIM))
    b2 = jnp.zeros((OUT_DIM,), dtype=jnp.float32)
    return {"x": x, "edge_index": edge_index, "W1": W1, "b1": b1, "W2": W2, "b2": b2}


def gcn_conv(x, edge_index, W, b):
    # Faithful PyG GCNConv: add self-loops, symmetric normalization, linear, scatter-add aggregate
    N = x.shape[0]
    loop = jnp.arange(N, dtype=edge_index.dtype)
    src = jnp.concatenate([edge_index[0], loop])
    dst = jnp.concatenate([edge_index[1], loop])
    deg = jnp.zeros((N,), dtype=x.dtype).at[dst].add(jnp.ones_like(dst, dtype=x.dtype))
    deg_inv_sqrt = jnp.where(deg > 0, 1.0 / jnp.sqrt(deg), 0.0)
    norm = deg_inv_sqrt[src] * deg_inv_sqrt[dst]
    h = x @ W  # linear transform first (standard GCNConv ordering)
    msg = h[src] * norm[:, None]  # gather + scale
    out = jnp.zeros((N, W.shape[1]), dtype=x.dtype).at[dst].add(msg)  # scatter-add
    return out + b


def reference(x, edge_index, W1, b1, W2, b2):
    h = gcn_conv(x, edge_index, W1, b1)
    h = jax.nn.relu(h)
    out = gcn_conv(h, edge_index, W2, b2)
    return out

if __name__ == "__main__":
    import jax
    _d = setup_inputs()
    print(jax.jit(kernel)(*tuple(_d.values())))

</pallas_src>

<mosaic_0001>
#map = affine_map<(d0, d1) -> (0, 0, 0)>
#map1 = affine_map<(d0, d1) -> (0)>
module attributes {stable_mosaic.version = 14 : i64} {
  func.func @_deg_kernel(%arg0: i32, %arg1: i32, %arg2: memref<32x80x128xi32, #tpu.memory_space<hbm>>, %arg3: memref<327680xf32, #tpu.memory_space<hbm>>, %arg4: memref<80x128xi32, #tpu.memory_space<vmem>>, %arg5: memref<10240xf32, #tpu.memory_space<vmem>>) attributes {dimension_semantics = [#tpu.dimension_semantics<core_parallel>, #tpu.dimension_semantics<subcore_parallel>], iteration_bounds = array<i64: 2, 16>, scalar_prefetch = 0 : i64, scratch_operands = 2 : i64, tpu.core_type = #tpu.core_type<sc_vector_subcore>, window_params = [{transform_indices = #map}, {transform_indices = #map1}]} {
    %mul3A = arith.constant 16 : i32
    %mul3A_0 = arith.muli %arg0, %mul3A : i32
    %add3A = arith.addi %mul3A_0, %arg1 : i32
    "tpu.region"() ({
      %run_scoped3A = tpu.sem_alloc : memref<!tpu.dma_semaphore, #tpu.memory_space<semaphore_mem>>
      %dma_start3A = arith.constant 0 : i32
      %dma_start3A_17 = arith.constant 0 : i32
      %dma_start3A_18 = tpu.memref_slice %arg2[%add3A, %dma_start3A, %dma_start3A_17] : memref<32x80x128xi32, #tpu.memory_space<hbm>> -> memref<1x80x128xi32, #tpu.memory_space<hbm>>
      %dma_start3A_19 = tpu.memref_squeeze %dma_start3A_18 : memref<1x80x128xi32, #tpu.memory_space<hbm>> -> memref<80x128xi32, #tpu.memory_space<hbm>>
      %dma_start3A_20 = arith.constant 0 : i32
      %dma_start3A_21 = arith.constant 0 : i32
      %dma_start3A_22 = tpu.memref_slice %arg2[%add3A, %dma_start3A_20, %dma_start3A_21] : memref<32x80x128xi32, #tpu.memory_space<hbm>> -> memref<1x80x128xi32, #tpu.memory_space<hbm>>
      %dma_start3A_23 = tpu.memref_squeeze %dma_start3A_22 : memref<1x80x128xi32, #tpu.memory_space<hbm>> -> memref<80x128xi32, #tpu.memory_space<hbm>>
      tpu.enqueue_dma source(%dma_start3A_23 : memref<80x128xi32, #tpu.memory_space<hbm>>) target(%arg4 : memref<80x128xi32, #tpu.memory_space<vmem>>) target_semaphore(%run_scoped3A : memref<!tpu.dma_semaphore, #tpu.memory_space<semaphore_mem>>)
      %dma_wait3A = arith.constant 0 : i32
      %dma_wait3A_24 = arith.constant 0 : i32
      %dma_wait3A_25 = tpu.memref_slice %arg2[%add3A, %dma_wait3A, %dma_wait3A_24] : memref<32x80x128xi32, #tpu.memory_space<hbm>> -> memref<1x80x128xi32, #tpu.memory_space<hbm>>
      %dma_wait3A_26 = tpu.memref_squeeze %dma_wait3A_25 : memref<1x80x128xi32, #tpu.memory_space<hbm>> -> memref<80x128xi32, #tpu.memory_space<hbm>>
      %dma_wait3A_27 = arith.constant 0 : i32
      %dma_wait3A_28 = arith.constant 0 : i32
      %dma_wait3A_29 = tpu.memref_slice %arg2[%add3A, %dma_wait3A_27, %dma_wait3A_28] : memref<32x80x128xi32, #tpu.memory_space<hbm>> -> memref<1x80x128xi32, #tpu.memory_space<hbm>>
      %dma_wait3A_30 = tpu.memref_squeeze %dma_wait3A_29 : memref<1x80x128xi32, #tpu.memory_space<hbm>> -> memref<80x128xi32, #tpu.memory_space<hbm>>
      tpu.wait_dma2 semaphore(%run_scoped3A : memref<!tpu.dma_semaphore, #tpu.memory_space<semaphore_mem>>) src(%dma_wait3A_30 : memref<80x128xi32, #tpu.memory_space<hbm>>) dst(%arg4 : memref<80x128xi32, #tpu.memory_space<vmem>>)
      tpu.yield
    }) : () -> ()
    %scan3A = arith.constant 0 : i32
    %scan3A_1 = arith.constant 0 : i32
    %scan3A_2 = arith.constant 640 : i32
    %scan3A_3 = arith.addi %scan3A_1, %scan3A_2 : i32
    %scan3A_4 = arith.constant 1 : i32
    %scan3A_5 = scf.for %scan3A_17 = %scan3A_1 to %scan3A_3 step %scan3A_4 iter_args(%scan3A_18 = %scan3A) -> (i32)  : i32 {
      %broadcast_in_dim3A_19 = arith.constant 0.000000e+00 : f32
      %broadcast_in_dim3A_20 = vector.broadcast %broadcast_in_dim3A_19 : f32 to vector<16xf32>
      %mul3A_21 = arith.constant 16 : i32
      %mul3A_22 = arith.muli %scan3A_17, %mul3A_21 : i32
      %swap3A = arith.index_cast %mul3A_22 : i32 to index
      %swap3A_23 = tpu.vector_load %arg5[%swap3A] {strides = array<i32>} : memref<10240xf32, #tpu.memory_space<vmem>>, vector<16xf32>,
      tpu.vector_store %arg5[%swap3A], %broadcast_in_dim3A_20 {strides = array<i32>} : memref<10240xf32, #tpu.memory_space<vmem>>, vector<16xf32>,
      %scan3A_24 = arith.constant 0 : i32
      scf.yield %scan3A_24 : i32
    }
    %scan3A_6 = arith.constant 640 : i32
    %broadcast_in_dim3A = arith.constant 1.000000e+00 : f32
    %broadcast_in_dim3A_7 = vector.broadcast %broadcast_in_dim3A : f32 to vector<16xf32>
    %scan3A_8 = arith.constant 0 : i32
    %scan3A_9 = arith.constant 0 : i32
    %scan3A_10 = arith.constant 80 : i32
    %scan3A_11 = arith.addi %scan3A_9, %scan3A_10 : i32
    %scan3A_12 = arith.constant 1 : i32
    %scan3A_13 = scf.for %scan3A_17 = %scan3A_9 to %scan3A_11 step %scan3A_12 iter_args(%scan3A_18 = %scan3A_8) -> (i32)  : i32 {
      %get3A = arith.index_cast %scan3A_17 : i32 to index
      %get3A_19 = arith.constant 0 : index
      %get3A_20 = tpu.vector_load %arg4[%get3A, %get3A_19] {strides = array<i32>} : memref<80x128xi32, #tpu.memory_space<vmem>>, vector<16xi32>,
      tpu.vector_store_idx %arg5[%get3A_20], %broadcast_in_dim3A_7 {add = true} : memref<10240xf32, #tpu.memory_space<vmem>>[vector<16xi32>], vector<16xf32>,
      %get3A_21 = arith.index_cast %scan3A_17 : i32 to index
      %get3A_22 = arith.constant 16 : index
      %get3A_23 = tpu.vector_load %arg4[%get3A_21, %get3A_22] {strides = array<i32>} : memref<80x128xi32, #tpu.memory_space<vmem>>, vector<16xi32>,
      tpu.vector_store_idx %arg5[%get3A_23], %broadcast_in_dim3A_7 {add = true} : memref<10240xf32, #tpu.memory_space<vmem>>[vector<16xi32>], vector<16xf32>,
      %get3A_24 = arith.index_cast %scan3A_17 : i32 to index
      %get3A_25 = arith.constant 32 : index
      %get3A_26 = tpu.vector_load %arg4[%get3A_24, %get3A_25] {strides = array<i32>} : memref<80x128xi32, #tpu.memory_space<vmem>>, vector<16xi32>,
      tpu.vector_store_idx %arg5[%get3A_26], %broadcast_in_dim3A_7 {add = true} : memref<10240xf32, #tpu.memory_space<vmem>>[vector<16xi32>], vector<16xf32>,
      %get3A_27 = arith.index_cast %scan3A_17 : i32 to index
      %get3A_28 = arith.constant 48 : index
      %get3A_29 = tpu.vector_load %arg4[%get3A_27, %get3A_28] {strides = array<i32>} : memref<80x128xi32, #tpu.memory_space<vmem>>, vector<16xi32>,
      tpu.vector_store_idx %arg5[%get3A_29], %broadcast_in_dim3A_7 {add = true} : memref<10240xf32, #tpu.memory_space<vmem>>[vector<16xi32>], vector<16xf32>,
      %get3A_30 = arith.index_cast %scan3A_17 : i32 to index
      %get3A_31 = arith.constant 64 : index
      %get3A_32 = tpu.vector_load %arg4[%get3A_30, %get3A_31] {strides = array<i32>} : memref<80x128xi32, #tpu.memory_space<vmem>>, vector<16xi32>,
      tpu.vector_store_idx %arg5[%get3A_32], %broadcast_in_dim3A_7 {add = true} : memref<10240xf32, #tpu.memory_space<vmem>>[vector<16xi32>], vector<16xf32>,
      %get3A_33 = arith.index_cast %scan3A_17 : i32 to index
      %get3A_34 = arith.constant 80 : index
      %get3A_35 = tpu.vector_load %arg4[%get3A_33, %get3A_34] {strides = array<i32>} : memref<80x128xi32, #tpu.memory_space<vmem>>, vector<16xi32>,
      tpu.vector_store_idx %arg5[%get3A_35], %broadcast_in_dim3A_7 {add = true} : memref<10240xf32, #tpu.memory_space<vmem>>[vector<16xi32>], vector<16xf32>,
      %get3A_36 = arith.index_cast %scan3A_17 : i32 to index
      %get3A_37 = arith.constant 96 : index
      %get3A_38 = tpu.vector_load %arg4[%get3A_36, %get3A_37] {strides = array<i32>} : memref<80x128xi32, #tpu.memory_space<vmem>>, vector<16xi32>,
      tpu.vector_store_idx %arg5[%get3A_38], %broadcast_in_dim3A_7 {add = true} : memref<10240xf32, #tpu.memory_space<vmem>>[vector<16xi32>], vector<16xf32>,
      %get3A_39 = arith.index_cast %scan3A_17 : i32 to index
      %get3A_40 = arith.constant 112 : index
      %get3A_41 = tpu.vector_load %arg4[%get3A_39, %get3A_40] {strides = array<i32>} : memref<80x128xi32, #tpu.memory_space<vmem>>, vector<16xi32>,
      tpu.vector_store_idx %arg5[%get3A_41], %broadcast_in_dim3A_7 {add = true} : memref<10240xf32, #tpu.memory_space<vmem>>[vector<16xi32>], vector<16xf32>,
      %scan3A_42 = arith.constant 0 : i32
      scf.yield %scan3A_42 : i32
    }
    %scan3A_14 = arith.constant 80 : i32
    %mul3A_15 = arith.constant 10240 : i32
    %mul3A_16 = arith.muli %add3A, %mul3A_15 : i32
    "tpu.region"() ({
      %run_scoped3A = tpu.sem_alloc : memref<!tpu.dma_semaphore, #tpu.memory_space<semaphore_mem>>
      %dma_start3A = tpu.memref_slice %arg3[%mul3A_16] : memref<327680xf32, #tpu.memory_space<hbm>> -> memref<10240xf32, #tpu.memory_space<hbm>>
      %dma_start3A_17 = tpu.memref_slice %arg3[%mul3A_16] : memref<327680xf32, #tpu.memory_space<hbm>> -> memref<10240xf32, #tpu.memory_space<hbm>>
      tpu.enqueue_dma source(%arg5 : memref<10240xf32, #tpu.memory_space<vmem>>) target(%dma_start3A_17 : memref<10240xf32, #tpu.memory_space<hbm>>) target_semaphore(%run_scoped3A : memref<!tpu.dma_semaphore, #tpu.memory_space<semaphore_mem>>)
      %dma_wait3A = tpu.memref_slice %arg3[%mul3A_16] : memref<327680xf32, #tpu.memory_space<hbm>> -> memref<10240xf32, #tpu.memory_space<hbm>>
      %dma_wait3A_18 = tpu.memref_slice %arg3[%mul3A_16] : memref<327680xf32, #tpu.memory_space<hbm>> -> memref<10240xf32, #tpu.memory_space<hbm>>
      tpu.wait_dma2 semaphore(%run_scoped3A : memref<!tpu.dma_semaphore, #tpu.memory_space<semaphore_mem>>) src(%arg5 : memref<10240xf32, #tpu.memory_space<vmem>>) dst(%dma_wait3A_18 : memref<10240xf32, #tpu.memory_space<hbm>>)
      tpu.yield
    }) : () -> ()
    return
  }
}

#map = affine_map<(d0, d1) -> (0, 0)>
#map1 = affine_map<(d0, d1) -> (0, 0, 0)>
module attributes {stable_mosaic.version = 14 : i64} {
  func.func @_agg_kernel(%arg0: i32, %arg1: i32, %arg2: memref<10240x128xf32, #tpu.memory_space<hbm>>, %arg3: memref<32x80x128xi32, #tpu.memory_space<hbm>>, %arg4: memref<32x80x128xi32, #tpu.memory_space<hbm>>, %arg5: memref<2x10240x128xf32, #tpu.memory_space<hbm>>, %arg6: memref<40x128xi32, #tpu.memory_space<vmem>>, %arg7: memref<40x128xi32, #tpu.memory_space<vmem>>, %arg8: memref<128x128xf32, #tpu.memory_space<vmem>>, %arg9: memref<128x128xf32, #tpu.memory_space<vmem>>, %arg10: memref<10240x128xf32, #tpu.memory_space<vmem_shared>>, %arg11: memref<!tpu.dma_semaphore, #tpu.memory_space<semaphore_mem>>, %arg12: memref<!tpu.dma_semaphore, #tpu.memory_space<semaphore_mem>>, %arg13: memref<!tpu.dma_semaphore, #tpu.memory_space<semaphore_mem>>) attributes {dimension_semantics = [#tpu.dimension_semantics<core_parallel>, #tpu.dimension_semantics<subcore_parallel>], iteration_bounds = array<i64: 2, 16>, scalar_prefetch = 0 : i64, scratch_operands = 8 : i64, tpu.core_type = #tpu.core_type<sc_vector_subcore>, window_params = [{transform_indices = #map}, {transform_indices = #map1}, {transform_indices = #map1}, {transform_indices = #map1}]} {
    %mul3A = arith.constant 16 : i32
    %mul3A_0 = arith.muli %arg0, %mul3A : i32
    %add3A = arith.addi %mul3A_0, %arg1 : i32
    %dma_start3A = arith.constant 0 : i32
    %dma_start3A_1 = arith.constant 0 : i32
    %dma_start3A_2 = tpu.memref_slice %arg3[%add3A, %dma_start3A, %dma_start3A_1] : memref<32x80x128xi32, #tpu.memory_space<hbm>> -> memref<1x40x128xi32, #tpu.memory_space<hbm>>
    %dma_start3A_3 = tpu.memref_squeeze %dma_start3A_2 : memref<1x40x128xi32, #tpu.memory_space<hbm>> -> memref<40x128xi32, #tpu.memory_space<hbm>>
    %dma_start3A_4 = arith.constant 0 : i32
    %dma_start3A_5 = arith.constant 0 : i32
    %dma_start3A_6 = tpu.memref_slice %arg3[%add3A, %dma_start3A_4, %dma_start3A_5] : memref<32x80x128xi32, #tpu.memory_space<hbm>> -> memref<1x40x128xi32, #tpu.memory_space<hbm>>
    %dma_start3A_7 = tpu.memref_squeeze %dma_start3A_6 : memref<1x40x128xi32, #tpu.memory_space<hbm>> -> memref<40x128xi32, #tpu.memory_space<hbm>>
    tpu.enqueue_dma source(%dma_start3A_7 : memref<40x128xi32, #tpu.memory_space<hbm>>) target(%arg6 : memref<40x128xi32, #tpu.memory_space<vmem>>) target_semaphore(%arg11 : memref<!tpu.dma_semaphore, #tpu.memory_space<semaphore_mem>>)
    %dma_start3A_8 = arith.constant 0 : i32
    %dma_start3A_9 = arith.constant 0 : i32
    %dma_start3A_10 = tpu.memref_slice %arg4[%add3A, %dma_start3A_8, %dma_start3A_9] : memref<32x80x128xi32, #tpu.memory_space<hbm>> -> memref<1x40x128xi32, #tpu.memory_space<hbm>>
    %dma_start3A_11 = tpu.memref_squeeze %dma_start3A_10 : memref<1x40x128xi32, #tpu.memory_space<hbm>> -> memref<40x128xi32, #tpu.memory_space<hbm>>
    %dma_start3A_12 = arith.constant 0 : i32
    %dma_start3A_13 = arith.constant 0 : i32
    %dma_start3A_14 = tpu.memref_slice %arg4[%add3A, %dma_start3A_12, %dma_start3A_13] : memref<32x80x128xi32, #tpu.memory_space<hbm>> -> memref<1x40x128xi32, #tpu.memory_space<hbm>>
    %dma_start3A_15 = tpu.memref_squeeze %dma_start3A_14 : memref<1x40x128xi32, #tpu.memory_space<hbm>> -> memref<40x128xi32, #tpu.memory_space<hbm>>
    tpu.enqueue_dma source(%dma_start3A_15 : memref<40x128xi32, #tpu.memory_space<hbm>>) target(%arg7 : memref<40x128xi32, #tpu.memory_space<vmem>>) target_semaphore(%arg12 : memref<!tpu.dma_semaphore, #tpu.memory_space<semaphore_mem>>)
    %scan3A = arith.constant 0 : i32
    %scan3A_16 = arith.constant 0 : i32
    %scan3A_17 = arith.constant 128 : i32
    %scan3A_18 = arith.addi %scan3A_16, %scan3A_17 : i32
    %scan3A_19 = arith.constant 1 : i32
    %scan3A_20 = scf.for %scan3A_150 = %scan3A_16 to %scan3A_18 step %scan3A_19 iter_args(%scan3A_151 = %scan3A) -> (i32)  : i32 {
      %broadcast_in_dim3A = arith.constant 0.000000e+00 : f32
      %broadcast_in_dim3A_152 = vector.broadcast %broadcast_in_dim3A : f32 to vector<16xf32>
      %swap3A = arith.index_cast %scan3A_150 : i32 to index
      %swap3A_153 = arith.constant 0 : index
      %swap3A_154 = tpu.vector_load %arg8[%swap3A, %swap3A_153] {strides = array<i32>} : memref<128x128xf32, #tpu.memory_space<vmem>>, vector<16xf32>,
      tpu.vector_store %arg8[%swap3A, %swap3A_153], %broadcast_in_dim3A_152 {strides = array<i32>} : memref<128x128xf32, #tpu.memory_space<vmem>>, vector<16xf32>,
      %broadcast_in_dim3A_155 = arith.constant 0.000000e+00 : f32
      %broadcast_in_dim3A_156 = vector.broadcast %broadcast_in_dim3A_155 : f32 to vector<16xf32>
      %swap3A_157 = arith.index_cast %scan3A_150 : i32 to index
      %swap3A_158 = arith.constant 16 : index
      %swap3A_159 = tpu.vector_load %arg8[%swap3A_157, %swap3A_158] {strides = array<i32>} : memref<128x128xf32, #tpu.memory_space<vmem>>, vector<16xf32>,
      tpu.vector_store %arg8[%swap3A_157, %swap3A_158], %broadcast_in_dim3A_156 {strides = array<i32>} : memref<128x128xf32, #tpu.memory_space<vmem>>, vector<16xf32>,
      %broadcast_in_dim3A_160 = arith.constant 0.000000e+00 : f32
      %broadcast_in_dim3A_161 = vector.broadcast %broadcast_in_dim3A_160 : f32 to vector<16xf32>
      %swap3A_162 = arith.index_cast %scan3A_150 : i32 to index
      %swap3A_163 = arith.constant 32 : index
      %swap3A_164 = tpu.vector_load %arg8[%swap3A_162, %swap3A_163] {strides = array<i32>} : memref<128x128xf32, #tpu.memory_space<vmem>>, vector<16xf32>,
      tpu.vector_store %arg8[%swap3A_162, %swap3A_163], %broadcast_in_dim3A_161 {strides = array<i32>} : memref<128x128xf32, #tpu.memory_space<vmem>>, vector<16xf32>,
      %broadcast_in_dim3A_165 = arith.constant 0.000000e+00 : f32
      %broadcast_in_dim3A_166 = vector.broadcast %broadcast_in_dim3A_165 : f32 to vector<16xf32>
      %swap3A_167 = arith.index_cast %scan3A_150 : i32 to index
      %swap3A_168 = arith.constant 48 : index
      %swap3A_169 = tpu.vector_load %arg8[%swap3A_167, %swap3A_168] {strides = array<i32>} : memref<128x128xf32, #tpu.memory_space<vmem>>, vector<16xf32>,
      tpu.vector_store %arg8[%swap3A_167, %swap3A_168], %broadcast_in_dim3A_166 {strides = array<i32>} : memref<128x128xf32, #tpu.memory_space<vmem>>, vector<16xf32>,
      %broadcast_in_dim3A_170 = arith.constant 0.000000e+00 : f32
      %broadcast_in_dim3A_171 = vector.broadcast %broadcast_in_dim3A_170 : f32 to vector<16xf32>
      %swap3A_172 = arith.index_cast %scan3A_150 : i32 to index
      %swap3A_173 = arith.constant 64 : index
      %swap3A_174 = tpu.vector_load %arg8[%swap3A_172, %swap3A_173] {strides = array<i32>} : memref<128x128xf32, #tpu.memory_space<vmem>>, vector<16xf32>,
      tpu.vector_store %arg8[%swap3A_172, %swap3A_173], %broadcast_in_dim3A_171 {strides = array<i32>} : memref<128x128xf32, #tpu.memory_space<vmem>>, vector<16xf32>,
      %broadcast_in_dim3A_175 = arith.constant 0.000000e+00 : f32
      %broadcast_in_dim3A_176 = vector.broadcast %broadcast_in_dim3A_175 : f32 to vector<16xf32>
      %swap3A_177 = arith.index_cast %scan3A_150 : i32 to index
      %swap3A_178 = arith.constant 80 : index
      %swap3A_179 = tpu.vector_load %arg8[%swap3A_177, %swap3A_178] {strides = array<i32>} : memref<128x128xf32, #tpu.memory_space<vmem>>, vector<16xf32>,
      tpu.vector_store %arg8[%swap3A_177, %swap3A_178], %broadcast_in_dim3A_176 {strides = array<i32>} : memref<128x128xf32, #tpu.memory_space<vmem>>, vector<16xf32>,
      %broadcast_in_dim3A_180 = arith.constant 0.000000e+00 : f32
      %broadcast_in_dim3A_181 = vector.broadcast %broadcast_in_dim3A_180 : f32 to vector<16xf32>
      %swap3A_182 = arith.index_cast %scan3A_150 : i32 to index
      %swap3A_183 = arith.constant 96 : index
      %swap3A_184 = tpu.vector_load %arg8[%swap3A_182, %swap3A_183] {strides = array<i32>} : memref<128x128xf32, #tpu.memory_space<vmem>>, vector<16xf32>,
      tpu.vector_store %arg8[%swap3A_182, %swap3A_183], %broadcast_in_dim3A_181 {strides = array<i32>} : memref<128x128xf32, #tpu.memory_space<vmem>>, vector<16xf32>,
      %broadcast_in_dim3A_185 = arith.constant 0.000000e+00 : f32
      %broadcast_in_dim3A_186 = vector.broadcast %broadcast_in_dim3A_185 : f32 to vector<16xf32>
      %swap3A_187 = arith.index_cast %scan3A_150 : i32 to index
      %swap3A_188 = arith.constant 112 : index
      %swap3A_189 = tpu.vector_load %arg8[%swap3A_187, %swap3A_188] {strides = array<i32>} : memref<128x128xf32, #tpu.memory_space<vmem>>, vector<16xf32>,
      tpu.vector_store %arg8[%swap3A_187, %swap3A_188], %broadcast_in_dim3A_186 {strides = array<i32>} : memref<128x128xf32, #tpu.memory_space<vmem>>, vector<16xf32>,
      %scan3A_190 = arith.constant 0 : i32
      scf.yield %scan3A_190 : i32
    }
    %scan3A_21 = arith.constant 128 : i32
    %mul3A_22 = arith.constant 640 : i32
    %mul3A_23 = arith.muli %arg1, %mul3A_22 : i32
    %add3A_24 = arith.constant 0 : i32
    %add3A_25 = arith.addi %mul3A_23, %add3A_24 : i32
    %dma_start3A_26 = arith.constant 0 : i32
    %dma_start3A_27 = tpu.memref_slice %arg10[%add3A_25, %dma_start3A_26] : memref<10240x128xf32, #tpu.memory_space<vmem_shared>> -> memref<128x128xf32, #tpu.memory_space<vmem_shared>>
    %dma_start3A_28 = arith.constant 0 : i32
    %dma_start3A_29 = tpu.memref_slice %arg10[%add3A_25, %dma_start3A_28] : memref<10240x128xf32, #tpu.memory_space<vmem_shared>> -> memref<128x128xf32, #tpu.memory_space<vmem_shared>>
    tpu.enqueue_dma source(%arg8 : memref<128x128xf32, #tpu.memory_space<vmem>>) target(%dma_start3A_29 : memref<128x128xf32, #tpu.memory_space<vmem_shared>>) target_semaphore(%arg13 : memref<!tpu.dma_semaphore, #tpu.memory_space<semaphore_mem>>)
    %mul3A_30 = arith.constant 640 : i32
    %mul3A_31 = arith.muli %arg1, %mul3A_30 : i32
    %add3A_32 = arith.constant 128 : i32
    %add3A_33 = arith.addi %mul3A_31, %add3A_32 : i32
    %dma_start3A_34 = arith.constant 0 : i32
    %dma_start3A_35 = tpu.memref_slice %arg10[%add3A_33, %dma_start3A_34] : memref<10240x128xf32, #tpu.memory_space<vmem_shared>> -> memref<128x128xf32, #tpu.memory_space<vmem_shared>>
    %dma_start3A_36 = arith.constant 0 : i32
    %dma_start3A_37 = tpu.memref_slice %arg10[%add3A_33, %dma_start3A_36] : memref<10240x128xf32, #tpu.memory_space<vmem_shared>> -> memref<128x128xf32, #tpu.memory_space<vmem_shared>>
    tpu.enqueue_dma source(%arg8 : memref<128x128xf32, #tpu.memory_space<vmem>>) target(%dma_start3A_37 : memref<128x128xf32, #tpu.memory_space<vmem_shared>>) target_semaphore(%arg13 : memref<!tpu.dma_semaphore, #tpu.memory_space<semaphore_mem>>)
    %mul3A_38 = arith.constant 640 : i32
    %mul3A_39 = arith.muli %arg1, %mul3A_38 : i32
    %add3A_40 = arith.constant 256 : i32
    %add3A_41 = arith.addi %mul3A_39, %add3A_40 : i32
    %dma_start3A_42 = arith.constant 0 : i32
    %dma_start3A_43 = tpu.memref_slice %arg10[%add3A_41, %dma_start3A_42] : memref<10240x128xf32, #tpu.memory_space<vmem_shared>> -> memref<128x128xf32, #tpu.memory_space<vmem_shared>>
    %dma_start3A_44 = arith.constant 0 : i32
    %dma_start3A_45 = tpu.memref_slice %arg10[%add3A_41, %dma_start3A_44] : memref<10240x128xf32, #tpu.memory_space<vmem_shared>> -> memref<128x128xf32, #tpu.memory_space<vmem_shared>>
    tpu.enqueue_dma source(%arg8 : memref<128x128xf32, #tpu.memory_space<vmem>>) target(%dma_start3A_45 : memref<128x128xf32, #tpu.memory_space<vmem_shared>>) target_semaphore(%arg13 : memref<!tpu.dma_semaphore, #tpu.memory_space<semaphore_mem>>)
    %mul3A_46 = arith.constant 640 : i32
    %mul3A_47 = arith.muli %arg1, %mul3A_46 : i32
    %add3A_48 = arith.constant 384 : i32
    %add3A_49 = arith.addi %mul3A_47, %add3A_48 : i32
    %dma_start3A_50 = arith.constant 0 : i32
    %dma_start3A_51 = tpu.memref_slice %arg10[%add3A_49, %dma_start3A_50] : memref<10240x128xf32, #tpu.memory_space<vmem_shared>> -> memref<128x128xf32, #tpu.memory_space<vmem_shared>>
    %dma_start3A_52 = arith.constant 0 : i32
    %dma_start3A_53 = tpu.memref_slice %arg10[%add3A_49, %dma_start3A_52] : memref<10240x128xf32, #tpu.memory_space<vmem_shared>> -> memref<128x128xf32, #tpu.memory_space<vmem_shared>>
    tpu.enqueue_dma source(%arg8 : memref<128x128xf32, #tpu.memory_space<vmem>>) target(%dma_start3A_53 : memref<128x128xf32, #tpu.memory_space<vmem_shared>>) target_semaphore(%arg13 : memref<!tpu.dma_semaphore, #tpu.memory_space<semaphore_mem>>)
    %mul3A_54 = arith.constant 640 : i32
    %mul3A_55 = arith.muli %arg1, %mul3A_54 : i32
    %add3A_56 = arith.constant 512 : i32
    %add3A_57 = arith.addi %mul3A_55, %add3A_56 : i32
    %dma_start3A_58 = arith.constant 0 : i32
    %dma_start3A_59 = tpu.memref_slice %arg10[%add3A_57, %dma_start3A_58] : memref<10240x128xf32, #tpu.memory_space<vmem_shared>> -> memref<128x128xf32, #tpu.memory_space<vmem_shared>>
    %dma_start3A_60 = arith.constant 0 : i32
    %dma_start3A_61 = tpu.memref_slice %arg10[%add3A_57, %dma_start3A_60] : memref<10240x128xf32, #tpu.memory_space<vmem_shared>> -> memref<128x128xf32, #tpu.memory_space<vmem_shared>>
    tpu.enqueue_dma source(%arg8 : memref<128x128xf32, #tpu.memory_space<vmem>>) target(%dma_start3A_61 : memref<128x128xf32, #tpu.memory_space<vmem_shared>>) target_semaphore(%arg13 : memref<!tpu.dma_semaphore, #tpu.memory_space<semaphore_mem>>)
    %mul3A_62 = arith.constant 640 : i32
    %mul3A_63 = arith.muli %arg1, %mul3A_62 : i32
    %add3A_64 = arith.constant 0 : i32
    %add3A_65 = arith.addi %mul3A_63, %add3A_64 : i32
    %dma_wait3A = arith.constant 0 : i32
    %dma_wait3A_66 = tpu.memref_slice %arg10[%add3A_65, %dma_wait3A] : memref<10240x128xf32, #tpu.memory_space<vmem_shared>> -> memref<128x128xf32, #tpu.memory_space<vmem_shared>>
    %dma_wait3A_67 = arith.constant 0 : i32
    %dma_wait3A_68 = tpu.memref_slice %arg10[%add3A_65, %dma_wait3A_67] : memref<10240x128xf32, #tpu.memory_space<vmem_shared>> -> memref<128x128xf32, #tpu.memory_space<vmem_shared>>
    tpu.wait_dma2 semaphore(%arg13 : memref<!tpu.dma_semaphore, #tpu.memory_space<semaphore_mem>>) src(%arg8 : memref<128x128xf32, #tpu.memory_space<vmem>>) dst(%dma_wait3A_68 : memref<128x128xf32, #tpu.memory_space<vmem_shared>>)
    %mul3A_69 = arith.constant 640 : i32
    %mul3A_70 = arith.muli %arg1, %mul3A_69 : i32
    %add3A_71 = arith.constant 128 : i32
    %add3A_72 = arith.addi %mul3A_70, %add3A_71 : i32
    %dma_wait3A_73 = arith.constant 0 : i32
    %dma_wait3A_74 = tpu.memref_slice %arg10[%add3A_72, %dma_wait3A_73] : memref<10240x128xf32, #tpu.memory_space<vmem_shared>> -> memref<128x128xf32, #tpu.memory_space<vmem_shared>>
    %dma_wait3A_75 = arith.constant 0 : i32
    %dma_wait3A_76 = tpu.memref_slice %arg10[%add3A_72, %dma_wait3A_75] : memref<10240x128xf32, #tpu.memory_space<vmem_shared>> -> memref<128x128xf32, #tpu.memory_space<vmem_shared>>
    tpu.wait_dma2 semaphore(%arg13 : memref<!tpu.dma_semaphore, #tpu.memory_space<semaphore_mem>>) src(%arg8 : memref<128x128xf32, #tpu.memory_space<vmem>>) dst(%dma_wait3A_76 : memref<128x128xf32, #tpu.memory_space<vmem_shared>>)
    %mul3A_77 = arith.constant 640 : i32
    %mul3A_78 = arith.muli %arg1, %mul3A_77 : i32
    %add3A_79 = arith.constant 256 : i32
    %add3A_80 = arith.addi %mul3A_78, %add3A_79 : i32
    %dma_wait3A_81 = arith.constant 0 : i32
    %dma_wait3A_82 = tpu.memref_slice %arg10[%add3A_80, %dma_wait3A_81] : memref<10240x128xf32, #tpu.memory_space<vmem_shared>> -> memref<128x128xf32, #tpu.memory_space<vmem_shared>>
    %dma_wait3A_83 = arith.constant 0 : i32
    %dma_wait3A_84 = tpu.memref_slice %arg10[%add3A_80, %dma_wait3A_83] : memref<10240x128xf32, #tpu.memory_space<vmem_shared>> -> memref<128x128xf32, #tpu.memory_space<vmem_shared>>
    tpu.wait_dma2 semaphore(%arg13 : memref<!tpu.dma_semaphore, #tpu.memory_space<semaphore_mem>>) src(%arg8 : memref<128x128xf32, #tpu.memory_space<vmem>>) dst(%dma_wait3A_84 : memref<128x128xf32, #tpu.memory_space<vmem_shared>>)
    %mul3A_85 = arith.constant 640 : i32
    %mul3A_86 = arith.muli %arg1, %mul3A_85 : i32
    %add3A_87 = arith.constant 384 : i32
    %add3A_88 = arith.addi %mul3A_86, %add3A_87 : i32
    %dma_wait3A_89 = arith.constant 0 : i32
    %dma_wait3A_90 = tpu.memref_slice %arg10[%add3A_88, %dma_wait3A_89] : memref<10240x128xf32, #tpu.memory_space<vmem_shared>> -> memref<128x128xf32, #tpu.memory_space<vmem_shared>>
    %dma_wait3A_91 = arith.constant 0 : i32
    %dma_wait3A_92 = tpu.memref_slice %arg10[%add3A_88, %dma_wait3A_91] : memref<10240x128xf32, #tpu.memory_space<vmem_shared>> -> memref<128x128xf32, #tpu.memory_space<vmem_shared>>
    tpu.wait_dma2 semaphore(%arg13 : memref<!tpu.dma_semaphore, #tpu.memory_space<semaphore_mem>>) src(%arg8 : memref<128x128xf32, #tpu.memory_space<vmem>>) dst(%dma_wait3A_92 : memref<128x128xf32, #tpu.memory_space<vmem_shared>>)
    %mul3A_93 = arith.constant 640 : i32
    %mul3A_94 = arith.muli %arg1, %mul3A_93 : i32
    %add3A_95 = arith.constant 512 : i32
    %add3A_96 = arith.addi %mul3A_94, %add3A_95 : i32
    %dma_wait3A_97 = arith.constant 0 : i32
    %dma_wait3A_98 = tpu.memref_slice %arg10[%add3A_96, %dma_wait3A_97] : memref<10240x128xf32, #tpu.memory_space<vmem_shared>> -> memref<128x128xf32, #tpu.memory_space<vmem_shared>>
    %dma_wait3A_99 = arith.constant 0 : i32
    %dma_wait3A_100 = tpu.memref_slice %arg10[%add3A_96, %dma_wait3A_99] : memref<10240x128xf32, #tpu.memory_space<vmem_shared>> -> memref<128x128xf32, #tpu.memory_space<vmem_shared>>
    tpu.wait_dma2 semaphore(%arg13 : memref<!tpu.dma_semaphore, #tpu.memory_space<semaphore_mem>>) src(%arg8 : memref<128x128xf32, #tpu.memory_space<vmem>>) dst(%dma_wait3A_100 : memref<128x128xf32, #tpu.memory_space<vmem_shared>>)
    %dma_wait3A_101 = arith.constant 0 : i32
    %dma_wait3A_102 = arith.constant 0 : i32
    %dma_wait3A_103 = tpu.memref_slice %arg3[%add3A, %dma_wait3A_101, %dma_wait3A_102] : memref<32x80x128xi32, #tpu.memory_space<hbm>> -> memref<1x40x128xi32, #tpu.memory_space<hbm>>
    %dma_wait3A_104 = tpu.memref_squeeze %dma_wait3A_103 : memref<1x40x128xi32, #tpu.memory_space<hbm>> -> memref<40x128xi32, #tpu.memory_space<hbm>>
    %dma_wait3A_105 = arith.constant 0 : i32
    %dma_wait3A_106 = arith.constant 0 : i32
    %dma_wait3A_107 = tpu.memref_slice %arg3[%add3A, %dma_wait3A_105, %dma_wait3A_106] : memref<32x80x128xi32, #tpu.memory_space<hbm>> -> memref<1x40x128xi32, #tpu.memory_space<hbm>>
    %dma_wait3A_108 = tpu.memref_squeeze %dma_wait3A_107 : memref<1x40x128xi32, #tpu.memory_space<hbm>> -> memref<40x128xi32, #tpu.memory_space<hbm>>
    tpu.wait_dma2 semaphore(%arg11 : memref<!tpu.dma_semaphore, #tpu.memory_space<semaphore_mem>>) src(%dma_wait3A_108 : memref<40x128xi32, #tpu.memory_space<hbm>>) dst(%arg6 : memref<40x128xi32, #tpu.memory_space<vmem>>)
    %dma_wait3A_109 = arith.constant 0 : i32
    %dma_wait3A_110 = arith.constant 0 : i32
    %dma_wait3A_111 = tpu.memref_slice %arg4[%add3A, %dma_wait3A_109, %dma_wait3A_110] : memref<32x80x128xi32, #tpu.memory_space<hbm>> -> memref<1x40x128xi32, #tpu.memory_space<hbm>>
    %dma_wait3A_112 = tpu.memref_squeeze %dma_wait3A_111 : memref<1x40x128xi32, #tpu.memory_space<hbm>> -> memref<40x128xi32, #tpu.memory_space<hbm>>
    %dma_wait3A_113 = arith.constant 0 : i32
    %dma_wait3A_114 = arith.constant 0 : i32
    %dma_wait3A_115 = tpu.memref_slice %arg4[%add3A, %dma_wait3A_113, %dma_wait3A_114] : memref<32x80x128xi32, #tpu.memory_space<hbm>> -> memref<1x40x128xi32, #tpu.memory_space<hbm>>
    %dma_wait3A_116 = tpu.memref_squeeze %dma_wait3A_115 : memref<1x40x128xi32, #tpu.memory_space<hbm>> -> memref<40x128xi32, #tpu.memory_space<hbm>>
    tpu.wait_dma2 semaphore(%arg12 : memref<!tpu.dma_semaphore, #tpu.memory_space<semaphore_mem>>) src(%dma_wait3A_116 : memref<40x128xi32, #tpu.memory_space<hbm>>) dst(%arg7 : memref<40x128xi32, #tpu.memory_space<vmem>>)
    %barrier3A = arith.constant 0 : index
    tpu.barrier barrier_id(%barrier3A)
    %dma_start3A_117 = arith.constant 0 : i32
    %dma_start3A_118 = arith.constant 0 : i32
    %dma_start3A_119 = tpu.memref_slice %arg6[%dma_start3A_117, %dma_start3A_118] : memref<40x128xi32, #tpu.memory_space<vmem>> -> memref<1x128xi32, #tpu.memory_space<vmem>>
    %dma_start3A_120 = tpu.memref_squeeze %dma_start3A_119 : memref<1x128xi32, #tpu.memory_space<vmem>> -> memref<128xi32, #tpu.memory_space<vmem>>
    %dma_start3A_121 = arith.constant 0 : i32
    %dma_start3A_122 = arith.constant 0 : i32
    %dma_start3A_123 = tpu.memref_slice %arg2[%dma_start3A_121, %dma_start3A_122] : memref<10240x128xf32, #tpu.memory_space<hbm>> -> memref<10240x128xf32, #tpu.memory_space<hbm>>
    tpu.enqueue_indirect_dma source(%dma_start3A_123 : memref<10240x128xf32, #tpu.memory_space<hbm>>) target(%arg8 : memref<128x128xf32, #tpu.memory_space<vmem>>) offsets(%dma_start3A_120 : memref<128xi32, #tpu.memory_space<vmem>>) semaphore(%arg11 : memref<!tpu.dma_semaphore, #tpu.memory_space<semaphore_mem>>)
    %scan3A_124 = arith.constant 0 : i32
    %scan3A_125 = arith.constant 0 : i32
    %scan3A_126 = arith.constant 40 : i32
    %scan3A_127 = arith.addi %scan3A_125, %scan3A_126 : i32
    %scan3A_128 = arith.constant 1 : i32
    %scan3A_129 = scf.for %scan3A_150 = %scan3A_125 to %scan3A_127 step %scan3A_128 iter_args(%scan3A_151 = %scan3A_124) -> (i32)  : i32 {
      %jit3A = arith.constant 2 : i32
      %eq3A = arith.constant 0 : i32
      %eq3A_152 = arith.cmpi eq, %jit3A, %eq3A : i32
      %jit3A_153 = arith.constant 1 : i32
      %select_n3A = arith.select %eq3A_152, %jit3A_153, %jit3A : i32
      %rem3A = arith.remsi %scan3A_150, %select_n3A : i32
      %ne3A = arith.constant 0 : i32
      %ne3A_154 = arith.cmpi ne, %rem3A, %ne3A : i32
      %lt3A = arith.constant 0 : i32
      %lt3A_155 = arith.cmpi slt, %rem3A, %lt3A : i32
      %lt3A_156 = arith.constant 0 : i32
      %lt3A_157 = arith.cmpi slt, %select_n3A, %lt3A_156 : i32
      %ne3A_158 = arith.xori %lt3A_155, %lt3A_157 : i1
      %and3A = arith.andi %ne3A_158, %ne3A_154 : i1
      %add3A_159 = arith.addi %rem3A, %select_n3A : i32
      %select_n3A_160 = arith.select %and3A, %add3A_159, %rem3A : i32
      %eq3A_161 = arith.constant 0 : i32
      %eq3A_162 = arith.cmpi eq, %select_n3A_160, %eq3A_161 : i32
      %add3A_163 = arith.constant 1 : i32
      %add3A_164 = arith.addi %scan3A_150, %add3A_163 : i32
      %lt3A_165 = arith.constant 40 : i32
      %lt3A_166 = arith.cmpi slt, %add3A_164, %lt3A_165 : i32
      %and3A_167 = arith.andi %eq3A_162, %lt3A_166 : i1
      %convert_element_type3A = arith.extui %and3A_167 : i1 to i32
      %cond3A = arith.constant 0 : i32
      %cond3A_168 = arith.cmpi ne, %convert_element_type3A, %cond3A : i32
      scf.if %cond3A_168 {
        %add3A_187 = arith.constant 1 : i32
        %add3A_188 = arith.addi %scan3A_150, %add3A_187 : i32
        %dma_start3A_189 = arith.constant 0 : i32
        %dma_start3A_190 = tpu.memref_slice %arg6[%add3A_188, %dma_start3A_189] : memref<40x128xi32, #tpu.memory_space<vmem>> -> memref<1x128xi32, #tpu.memory_space<vmem>>
        %dma_start3A_191 = tpu.memref_squeeze %dma_start3A_190 : memref<1x128xi32, #tpu.memory_space<vmem>> -> memref<128xi32, #tpu.memory_space<vmem>>
        %dma_start3A_192 = arith.constant 0 : i32
        %dma_start3A_193 = arith.constant 0 : i32
        %dma_start3A_194 = tpu.memref_slice %arg2[%dma_start3A_192, %dma_start3A_193] : memref<10240x128xf32, #tpu.memory_space<hbm>> -> memref<10240x128xf32, #tpu.memory_space<hbm>>
        tpu.enqueue_indirect_dma source(%dma_start3A_194 : memref<10240x128xf32, #tpu.memory_space<hbm>>) target(%arg9 : memref<128x128xf32, #tpu.memory_space<vmem>>) offsets(%dma_start3A_191 : memref<128xi32, #tpu.memory_space<vmem>>) semaphore(%arg12 : memref<!tpu.dma_semaphore, #tpu.memory_space<semaphore_mem>>)
      } else {
      }
      %not3A = arith.constant true
      %not3A_169 = arith.xori %eq3A_162, %not3A : i1
      %add3A_170 = arith.constant 1 : i32
      %add3A_171 = arith.addi %scan3A_150, %add3A_170 : i32
      %lt3A_172 = arith.constant 40 : i32
      %lt3A_173 = arith.cmpi slt, %add3A_171, %lt3A_172 : i32
      %and3A_174 = arith.andi %not3A_169, %lt3A_173 : i1
      %convert_element_type3A_175 = arith.extui %and3A_174 : i1 to i32
      %cond3A_176 = arith.constant 0 : i32
      %cond3A_177 = arith.cmpi ne, %convert_element_type3A_175, %cond3A_176 : i32
      scf.if %cond3A_177 {
        %add3A_187 = arith.constant 1 : i32
        %add3A_188 = arith.addi %scan3A_150, %add3A_187 : i32
        %dma_start3A_189 = arith.constant 0 : i32
        %dma_start3A_190 = tpu.memref_slice %arg6[%add3A_188, %dma_start3A_189] : memref<40x128xi32, #tpu.memory_space<vmem>> -> memref<1x128xi32, #tpu.memory_space<vmem>>
        %dma_start3A_191 = tpu.memref_squeeze %dma_start3A_190 : memref<1x128xi32, #tpu.memory_space<vmem>> -> memref<128xi32, #tpu.memory_space<vmem>>
        %dma_start3A_192 = arith.constant 0 : i32
        %dma_start3A_193 = arith.constant 0 : i32
        %dma_start3A_194 = tpu.memref_slice %arg2[%dma_start3A_192, %dma_start3A_193] : memref<10240x128xf32, #tpu.memory_space<hbm>> -> memref<10240x128xf32, #tpu.memory_space<hbm>>
        tpu.enqueue_indirect_dma source(%dma_start3A_194 : memref<10240x128xf32, #tpu.memory_space<hbm>>) target(%arg8 : memref<128x128xf32, #tpu.memory_space<vmem>>) offsets(%dma_start3A_191 : memref<128xi32, #tpu.memory_space<vmem>>) semaphore(%arg11 : memref<!tpu.dma_semaphore, #tpu.memory_space<semaphore_mem>>)
      } else {
      }
      %convert_element_type3A_178 = arith.extui %eq3A_162 : i1 to i32
      %cond3A_179 = arith.constant 0 : i32
      %cond3A_180 = arith.cmpi ne, %convert_element_type3A_178, %cond3A_179 : i32
      scf.if %cond3A_180 {
        %dma_wait3A_187 = arith.constant 0 : i32
        %dma_wait3A_188 = tpu.memref_slice %arg6[%scan3A_150, %dma_wait3A_187] : memref<40x128xi32, #tpu.memory_space<vmem>> -> memref<1x128xi32, #tpu.memory_space<vmem>>
        %dma_wait3A_189 = tpu.memref_squeeze %dma_wait3A_188 : memref<1x128xi32, #tpu.memory_space<vmem>> -> memref<128xi32, #tpu.memory_space<vmem>>
        %dma_wait3A_190 = arith.constant 0 : i32
        %dma_wait3A_191 = arith.constant 0 : i32
        %dma_wait3A_192 = tpu.memref_slice %arg2[%dma_wait3A_190, %dma_wait3A_191] : memref<10240x128xf32, #tpu.memory_space<hbm>> -> memref<10240x128xf32, #tpu.memory_space<hbm>>
        tpu.wait_indirect_dma semaphore(%arg11 : memref<!tpu.dma_semaphore, #tpu.memory_space<semaphore_mem>>) src(%dma_wait3A_192 : memref<10240x128xf32, #tpu.memory_space<hbm>>) dst(%arg8 : memref<128x128xf32, #tpu.memory_space<vmem>>)
        "tpu.region"() ({
          %run_scoped3A = tpu.sem_alloc : memref<!tpu.dma_semaphore, #tpu.memory_space<semaphore_mem>>
          %dma_start3A_193 = arith.constant 0 : i32
          %dma_start3A_194 = tpu.memref_slice %arg7[%scan3A_150, %dma_start3A_193] : memref<40x128xi32, #tpu.memory_space<vmem>> -> memref<1x128xi32, #tpu.memory_space<vmem>>
          %dma_start3A_195 = tpu.memref_squeeze %dma_start3A_194 : memref<1x128xi32, #tpu.memory_space<vmem>> -> memref<128xi32, #tpu.memory_space<vmem>>
          %dma_start3A_196 = arith.constant 0 : i32
          %dma_start3A_197 = arith.constant 0 : i32
          %dma_start3A_198 = tpu.memref_slice %arg10[%dma_start3A_196, %dma_start3A_197] : memref<10240x128xf32, #tpu.memory_space<vmem_shared>> -> memref<10240x128xf32, #tpu.memory_space<vmem_shared>>
          tpu.enqueue_indirect_dma source(%arg8 : memref<128x128xf32, #tpu.memory_space<vmem>>) target(%dma_start3A_198 : memref<10240x128xf32, #tpu.memory_space<vmem_shared>>) offsets(%dma_start3A_195 : memref<128xi32, #tpu.memory_space<vmem>>) semaphore(%run_scoped3A : memref<!tpu.dma_semaphore, #tpu.memory_space<semaphore_mem>>) {add = true}
          %dma_wait3A_199 = arith.constant 0 : i32
          %dma_wait3A_200 = tpu.memref_slice %arg7[%scan3A_150, %dma_wait3A_199] : memref<40x128xi32, #tpu.memory_space<vmem>> -> memref<1x128xi32, #tpu.memory_space<vmem>>
          %dma_wait3A_201 = tpu.memref_squeeze %dma_wait3A_200 : memref<1x128xi32, #tpu.memory_space<vmem>> -> memref<128xi32, #tpu.memory_space<vmem>>
          %dma_wait3A_202 = arith.constant 0 : i32
          %dma_wait3A_203 = arith.constant 0 : i32
          %dma_wait3A_204 = tpu.memref_slice %arg10[%dma_wait3A_202, %dma_wait3A_203] : memref<10240x128xf32, #tpu.memory_space<vmem_shared>> -> memref<10240x128xf32, #tpu.memory_space<vmem_shared>>
          tpu.wait_indirect_dma semaphore(%run_scoped3A : memref<!tpu.dma_semaphore, #tpu.memory_space<semaphore_mem>>) src(%arg8 : memref<128x128xf32, #tpu.memory_space<vmem>>) dst(%dma_wait3A_204 : memref<10240x128xf32, #tpu.memory_space<vmem_shared>>)
          tpu.yield
        }) : () -> ()
      } else {
      }
      %not3A_181 = arith.constant true
      %not3A_182 = arith.xori %eq3A_162, %not3A_181 : i1
      %convert_element_type3A_183 = arith.extui %not3A_182 : i1 to i32
      %cond3A_184 = arith.constant 0 : i32
      %cond3A_185 = arith.cmpi ne, %convert_element_type3A_183, %cond3A_184 : i32
      scf.if %cond3A_185 {
        %dma_wait3A_187 = arith.constant 0 : i32
        %dma_wait3A_188 = tpu.memref_slice %arg6[%scan3A_150, %dma_wait3A_187] : memref<40x128xi32, #tpu.memory_space<vmem>> -> memref<1x128xi32, #tpu.memory_space<vmem>>
        %dma_wait3A_189 = tpu.memref_squeeze %dma_wait3A_188 : memref<1x128xi32, #tpu.memory_space<vmem>> -> memref<128xi32, #tpu.memory_space<vmem>>
        %dma_wait3A_190 = arith.constant 0 : i32
        %dma_wait3A_191 = arith.constant 0 : i32
        %dma_wait3A_192 = tpu.memref_slice %arg2[%dma_wait3A_190, %dma_wait3A_191] : memref<10240x128xf32, #tpu.memory_space<hbm>> -> memref<10240x128xf32, #tpu.memory_space<hbm>>
        tpu.wait_indirect_dma semaphore(%arg12 : memref<!tpu.dma_semaphore, #tpu.memory_space<semaphore_mem>>) src(%dma_wait3A_192 : memref<10240x128xf32, #tpu.memory_space<hbm>>) dst(%arg9 : memref<128x128xf32, #tpu.memory_space<vmem>>)
        "tpu.region"() ({
          %run_scoped3A = tpu.sem_alloc : memref<!tpu.dma_semaphore, #tpu.memory_space<semaphore_mem>>
          %dma_start3A_193 = arith.constant 0 : i32
          %dma_start3A_194 = tpu.memref_slice %arg7[%scan3A_150, %dma_start3A_193] : memref<40x128xi32, #tpu.memory_space<vmem>> -> memref<1x128xi32, #tpu.memory_space<vmem>>
          %dma_start3A_195 = tpu.memref_squeeze %dma_start3A_194 : memref<1x128xi32, #tpu.memory_space<vmem>> -> memref<128xi32, #tpu.memory_space<vmem>>
          %dma_start3A_196 = arith.constant 0 : i32
          %dma_start3A_197 = arith.constant 0 : i32
          %dma_start3A_198 = tpu.memref_slice %arg10[%dma_start3A_196, %dma_start3A_197] : memref<10240x128xf32, #tpu.memory_space<vmem_shared>> -> memref<10240x128xf32, #tpu.memory_space<vmem_shared>>
          tpu.enqueue_indirect_dma source(%arg9 : memref<128x128xf32, #tpu.memory_space<vmem>>) target(%dma_start3A_198 : memref<10240x128xf32, #tpu.memory_space<vmem_shared>>) offsets(%dma_start3A_195 : memref<128xi32, #tpu.memory_space<vmem>>) semaphore(%run_scoped3A : memref<!tpu.dma_semaphore, #tpu.memory_space<semaphore_mem>>) {add = true}
          %dma_wait3A_199 = arith.constant 0 : i32
          %dma_wait3A_200 = tpu.memref_slice %arg7[%scan3A_150, %dma_wait3A_199] : memref<40x128xi32, #tpu.memory_space<vmem>> -> memref<1x128xi32, #tpu.memory_space<vmem>>
          %dma_wait3A_201 = tpu.memref_squeeze %dma_wait3A_200 : memref<1x128xi32, #tpu.memory_space<vmem>> -> memref<128xi32, #tpu.memory_space<vmem>>
          %dma_wait3A_202 = arith.constant 0 : i32
          %dma_wait3A_203 = arith.constant 0 : i32
          %dma_wait3A_204 = tpu.memref_slice %arg10[%dma_wait3A_202, %dma_wait3A_203] : memref<10240x128xf32, #tpu.memory_space<vmem_shared>> -> memref<10240x128xf32, #tpu.memory_space<vmem_shared>>
          tpu.wait_indirect_dma semaphore(%run_scoped3A : memref<!tpu.dma_semaphore, #tpu.memory_space<semaphore_mem>>) src(%arg9 : memref<128x128xf32, #tpu.memory_space<vmem>>) dst(%dma_wait3A_204 : memref<10240x128xf32, #tpu.memory_space<vmem_shared>>)
          tpu.yield
        }) : () -> ()
      } else {
      }
      %scan3A_186 = arith.constant 0 : i32
      scf.yield %scan3A_186 : i32
    }
    %scan3A_130 = arith.constant 40 : i32
    "tpu.region"() ({
      %run_scoped3A = tpu.sem_alloc : memref<!tpu.dma_semaphore, #tpu.memory_space<semaphore_mem>>
      %dma_start3A_150 = arith.constant 40 : i32
      %dma_start3A_151 = arith.constant 0 : i32
      %dma_start3A_152 = tpu.memref_slice %arg3[%add3A, %dma_start3A_150, %dma_start3A_151] : memref<32x80x128xi32, #tpu.memory_space<hbm>> -> memref<1x40x128xi32, #tpu.memory_space<hbm>>
      %dma_start3A_153 = tpu.memref_squeeze %dma_start3A_152 : memref<1x40x128xi32, #tpu.memory_space<hbm>> -> memref<40x128xi32, #tpu.memory_space<hbm>>
      %dma_start3A_154 = arith.constant 40 : i32
      %dma_start3A_155 = arith.constant 0 : i32
      %dma_start3A_156 = tpu.memref_slice %arg3[%add3A, %dma_start3A_154, %dma_start3A_155] : memref<32x80x128xi32, #tpu.memory_space<hbm>> -> memref<1x40x128xi32, #tpu.memory_space<hbm>>
      %dma_start3A_157 = tpu.memref_squeeze %dma_start3A_156 : memref<1x40x128xi32, #tpu.memory_space<hbm>> -> memref<40x128xi32, #tpu.memory_space<hbm>>
      tpu.enqueue_dma source(%dma_start3A_157 : memref<40x128xi32, #tpu.memory_space<hbm>>) target(%arg6 : memref<40x128xi32, #tpu.memory_space<vmem>>) target_semaphore(%run_scoped3A : memref<!tpu.dma_semaphore, #tpu.memory_space<semaphore_mem>>)
      %dma_wait3A_158 = arith.constant 40 : i32
      %dma_wait3A_159 = arith.constant 0 : i32
      %dma_wait3A_160 = tpu.memref_slice %arg3[%add3A, %dma_wait3A_158, %dma_wait3A_159] : memref<32x80x128xi32, #tpu.memory_space<hbm>> -> memref<1x40x128xi32, #tpu.memory_space<hbm>>
      %dma_wait3A_161 = tpu.memref_squeeze %dma_wait3A_160 : memref<1x40x128xi32, #tpu.memory_space<hbm>> -> memref<40x128xi32, #tpu.memory_space<hbm>>
      %dma_wait3A_162 = arith.constant 40 : i32
      %dma_wait3A_163 = arith.constant 0 : i32
      %dma_wait3A_164 = tpu.memref_slice %arg3[%add3A, %dma_wait3A_162, %dma_wait3A_163] : memref<32x80x128xi32, #tpu.memory_space<hbm>> -> memref<1x40x128xi32, #tpu.memory_space<hbm>>
      %dma_wait3A_165 = tpu.memref_squeeze %dma_wait3A_164 : memref<1x40x128xi32, #tpu.memory_space<hbm>> -> memref<40x128xi32, #tpu.memory_space<hbm>>
      tpu.wait_dma2 semaphore(%run_scoped3A : memref<!tpu.dma_semaphore, #tpu.memory_space<semaphore_mem>>) src(%dma_wait3A_165 : memref<40x128xi32, #tpu.memory_space<hbm>>) dst(%arg6 : memref<40x128xi32, #tpu.memory_space<vmem>>)
      tpu.yield
    }) : () -> ()
    "tpu.region"() ({
      %run_scoped3A = tpu.sem_alloc : memref<!tpu.dma_semaphore, #tpu.memory_space<semaphore_mem>>
      %dma_start3A_150 = arith.constant 40 : i32
      %dma_start3A_151 = arith.constant 0 : i32
      %dma_start3A_152 = tpu.memref_slice %arg4[%add3A, %dma_start3A_150, %dma_start3A_151] : memref<32x80x128xi32, #tpu.memory_space<hbm>> -> memref<1x40x128xi32, #tpu.memory_space<hbm>>
      %dma_start3A_153 = tpu.memref_squeeze %dma_start3A_152 : memref<1x40x128xi32, #tpu.memory_space<hbm>> -> memref<40x128xi32, #tpu.memory_space<hbm>>
      %dma_start3A_154 = arith.constant 40 : i32
      %dma_start3A_155 = arith.constant 0 : i32
      %dma_start3A_156 = tpu.memref_slice %arg4[%add3A, %dma_start3A_154, %dma_start3A_155] : memref<32x80x128xi32, #tpu.memory_space<hbm>> -> memref<1x40x128xi32, #tpu.memory_space<hbm>>
      %dma_start3A_157 = tpu.memref_squeeze %dma_start3A_156 : memref<1x40x128xi32, #tpu.memory_space<hbm>> -> memref<40x128xi32, #tpu.memory_space<hbm>>
      tpu.enqueue_dma source(%dma_start3A_157 : memref<40x128xi32, #tpu.memory_space<hbm>>) target(%arg7 : memref<40x128xi32, #tpu.memory_space<vmem>>) target_semaphore(%run_scoped3A : memref<!tpu.dma_semaphore, #tpu.memory_space<semaphore_mem>>)
      %dma_wait3A_158 = arith.constant 40 : i32
      %dma_wait3A_159 = arith.constant 0 : i32
      %dma_wait3A_160 = tpu.memref_slice %arg4[%add3A, %dma_wait3A_158, %dma_wait3A_159] : memref<32x80x128xi32, #tpu.memory_space<hbm>> -> memref<1x40x128xi32, #tpu.memory_space<hbm>>
      %dma_wait3A_161 = tpu.memref_squeeze %dma_wait3A_160 : memref<1x40x128xi32, #tpu.memory_space<hbm>> -> memref<40x128xi32, #tpu.memory_space<hbm>>
      %dma_wait3A_162 = arith.constant 40 : i32
      %dma_wait3A_163 = arith.constant 0 : i32
      %dma_wait3A_164 = tpu.memref_slice %arg4[%add3A, %dma_wait3A_162, %dma_wait3A_163] : memref<32x80x128xi32, #tpu.memory_space<hbm>> -> memref<1x40x128xi32, #tpu.memory_space<hbm>>
      %dma_wait3A_165 = tpu.memref_squeeze %dma_wait3A_164 : memref<1x40x128xi32, #tpu.memory_space<hbm>> -> memref<40x128xi32, #tpu.memory_space<hbm>>
      tpu.wait_dma2 semaphore(%run_scoped3A : memref<!tpu.dma_semaphore, #tpu.memory_space<semaphore_mem>>) src(%dma_wait3A_165 : memref<40x128xi32, #tpu.memory_space<hbm>>) dst(%arg7 : memref<40x128xi32, #tpu.memory_space<vmem>>)
      tpu.yield
    }) : () -> ()
    %dma_start3A_131 = arith.constant 0 : i32
    %dma_start3A_132 = arith.constant 0 : i32
    %dma_start3A_133 = tpu.memref_slice %arg6[%dma_start3A_131, %dma_start3A_132] : memref<40x128xi32, #tpu.memory_space<vmem>> -> memref<1x128xi32, #tpu.memory_space<vmem>>
    %dma_start3A_134 = tpu.memref_squeeze %dma_start3A_133 : memref<1x128xi32, #tpu.memory_space<vmem>> -> memref<128xi32, #tpu.memory_space<vmem>>
    %dma_start3A_135 = arith.constant 0 : i32
    %dma_start3A_136 = arith.constant 0 : i32
    %dma_start3A_137 = tpu.memref_slice %arg2[%dma_start3A_135, %dma_start3A_136] : memref<10240x128xf32, #tpu.memory_space<hbm>> -> memref<10240x128xf32, #tpu.memory_space<hbm>>
    tpu.enqueue_indirect_dma source(%dma_start3A_137 : memref<10240x128xf32, #tpu.memory_space<hbm>>) target(%arg8 : memref<128x128xf32, #tpu.memory_space<vmem>>) offsets(%dma_start3A_134 : memref<128xi32, #tpu.memory_space<vmem>>) semaphore(%arg11 : memref<!tpu.dma_semaphore, #tpu.memory_space<semaphore_mem>>)
    %scan3A_138 = arith.constant 0 : i32
    %scan3A_139 = arith.constant 0 : i32
    %scan3A_140 = arith.constant 40 : i32
    %scan3A_141 = arith.addi %scan3A_139, %scan3A_140 : i32
    %scan3A_142 = arith.constant 1 : i32
    %scan3A_143 = scf.for %scan3A_150 = %scan3A_139 to %scan3A_141 step %scan3A_142 iter_args(%scan3A_151 = %scan3A_138) -> (i32)  : i32 {
      %jit3A = arith.constant 2 : i32
      %eq3A = arith.constant 0 : i32
      %eq3A_152 = arith.cmpi eq, %jit3A, %eq3A : i32
      %jit3A_153 = arith.constant 1 : i32
      %select_n3A = arith.select %eq3A_152, %jit3A_153, %jit3A : i32
      %rem3A = arith.remsi %scan3A_150, %select_n3A : i32
      %ne3A = arith.constant 0 : i32
      %ne3A_154 = arith.cmpi ne, %rem3A, %ne3A : i32
      %lt3A = arith.constant 0 : i32
      %lt3A_155 = arith.cmpi slt, %rem3A, %lt3A : i32
      %lt3A_156 = arith.constant 0 : i32
      %lt3A_157 = arith.cmpi slt, %select_n3A, %lt3A_156 : i32
      %ne3A_158 = arith.xori %lt3A_155, %lt3A_157 : i1
      %and3A = arith.andi %ne3A_158, %ne3A_154 : i1
      %add3A_159 = arith.addi %rem3A, %select_n3A : i32
      %select_n3A_160 = arith.select %and3A, %add3A_159, %rem3A : i32
      %eq3A_161 = arith.constant 0 : i32
      %eq3A_162 = arith.cmpi eq, %select_n3A_160, %eq3A_161 : i32
      %add3A_163 = arith.constant 1 : i32
      %add3A_164 = arith.addi %scan3A_150, %add3A_163 : i32
      %lt3A_165 = arith.constant 40 : i32
      %lt3A_166 = arith.cmpi slt, %add3A_164, %lt3A_165 : i32
      %and3A_167 = arith.andi %eq3A_162, %lt3A_166 : i1
      %convert_element_type3A = arith.extui %and3A_167 : i1 to i32
      %cond3A = arith.constant 0 : i32
      %cond3A_168 = arith.cmpi ne, %convert_element_type3A, %cond3A : i32
      scf.if %cond3A_168 {
        %add3A_187 = arith.constant 1 : i32
        %add3A_188 = arith.addi %scan3A_150, %add3A_187 : i32
        %dma_start3A_189 = arith.constant 0 : i32
        %dma_start3A_190 = tpu.memref_slice %arg6[%add3A_188, %dma_start3A_189] : memref<40x128xi32, #tpu.memory_space<vmem>> -> memref<1x128xi32, #tpu.memory_space<vmem>>
        %dma_start3A_191 = tpu.memref_squeeze %dma_start3A_190 : memref<1x128xi32, #tpu.memory_space<vmem>> -> memref<128xi32, #tpu.memory_space<vmem>>
        %dma_start3A_192 = arith.constant 0 : i32
        %dma_start3A_193 = arith.constant 0 : i32
        %dma_start3A_194 = tpu.memref_slice %arg2[%dma_start3A_192, %dma_start3A_193] : memref<10240x128xf32, #tpu.memory_space<hbm>> -> memref<10240x128xf32, #tpu.memory_space<hbm>>
        tpu.enqueue_indirect_dma source(%dma_start3A_194 : memref<10240x128xf32, #tpu.memory_space<hbm>>) target(%arg9 : memref<128x128xf32, #tpu.memory_space<vmem>>) offsets(%dma_start3A_191 : memref<128xi32, #tpu.memory_space<vmem>>) semaphore(%arg12 : memref<!tpu.dma_semaphore, #tpu.memory_space<semaphore_mem>>)
      } else {
      }
      %not3A = arith.constant true
      %not3A_169 = arith.xori %eq3A_162, %not3A : i1
      %add3A_170 = arith.constant 1 : i32
      %add3A_171 = arith.addi %scan3A_150, %add3A_170 : i32
      %lt3A_172 = arith.constant 40 : i32
      %lt3A_173 = arith.cmpi slt, %add3A_171, %lt3A_172 : i32
      %and3A_174 = arith.andi %not3A_169, %lt3A_173 : i1
      %convert_element_type3A_175 = arith.extui %and3A_174 : i1 to i32
      %cond3A_176 = arith.constant 0 : i32
      %cond3A_177 = arith.cmpi ne, %convert_element_type3A_175, %cond3A_176 : i32
      scf.if %cond3A_177 {
        %add3A_187 = arith.constant 1 : i32
        %add3A_188 = arith.addi %scan3A_150, %add3A_187 : i32
        %dma_start3A_189 = arith.constant 0 : i32
        %dma_start3A_190 = tpu.memref_slice %arg6[%add3A_188, %dma_start3A_189] : memref<40x128xi32, #tpu.memory_space<vmem>> -> memref<1x128xi32, #tpu.memory_space<vmem>>
        %dma_start3A_191 = tpu.memref_squeeze %dma_start3A_190 : memref<1x128xi32, #tpu.memory_space<vmem>> -> memref<128xi32, #tpu.memory_space<vmem>>
        %dma_start3A_192 = arith.constant 0 : i32
        %dma_start3A_193 = arith.constant 0 : i32
        %dma_start3A_194 = tpu.memref_slice %arg2[%dma_start3A_192, %dma_start3A_193] : memref<10240x128xf32, #tpu.memory_space<hbm>> -> memref<10240x128xf32, #tpu.memory_space<hbm>>
        tpu.enqueue_indirect_dma source(%dma_start3A_194 : memref<10240x128xf32, #tpu.memory_space<hbm>>) target(%arg8 : memref<128x128xf32, #tpu.memory_space<vmem>>) offsets(%dma_start3A_191 : memref<128xi32, #tpu.memory_space<vmem>>) semaphore(%arg11 : memref<!tpu.dma_semaphore, #tpu.memory_space<semaphore_mem>>)
      } else {
      }
      %convert_element_type3A_178 = arith.extui %eq3A_162 : i1 to i32
      %cond3A_179 = arith.constant 0 : i32
      %cond3A_180 = arith.cmpi ne, %convert_element_type3A_178, %cond3A_179 : i32
      scf.if %cond3A_180 {
        %dma_wait3A_187 = arith.constant 0 : i32
        %dma_wait3A_188 = tpu.memref_slice %arg6[%scan3A_150, %dma_wait3A_187] : memref<40x128xi32, #tpu.memory_space<vmem>> -> memref<1x128xi32, #tpu.memory_space<vmem>>
        %dma_wait3A_189 = tpu.memref_squeeze %dma_wait3A_188 : memref<1x128xi32, #tpu.memory_space<vmem>> -> memref<128xi32, #tpu.memory_space<vmem>>
        %dma_wait3A_190 = arith.constant 0 : i32
        %dma_wait3A_191 = arith.constant 0 : i32
        %dma_wait3A_192 = tpu.memref_slice %arg2[%dma_wait3A_190, %dma_wait3A_191] : memref<10240x128xf32, #tpu.memory_space<hbm>> -> memref<10240x128xf32, #tpu.memory_space<hbm>>
        tpu.wait_indirect_dma semaphore(%arg11 : memref<!tpu.dma_semaphore, #tpu.memory_space<semaphore_mem>>) src(%dma_wait3A_192 : memref<10240x128xf32, #tpu.memory_space<hbm>>) dst(%arg8 : memref<128x128xf32, #tpu.memory_space<vmem>>)
        "tpu.region"() ({
          %run_scoped3A = tpu.sem_alloc : memref<!tpu.dma_semaphore, #tpu.memory_space<semaphore_mem>>
          %dma_start3A_193 = arith.constant 0 : i32
          %dma_start3A_194 = tpu.memref_slice %arg7[%scan3A_150, %dma_start3A_193] : memref<40x128xi32, #tpu.memory_space<vmem>> -> memref<1x128xi32, #tpu.memory_space<vmem>>
          %dma_start3A_195 = tpu.memref_squeeze %dma_start3A_194 : memref<1x128xi32, #tpu.memory_space<vmem>> -> memref<128xi32, #tpu.memory_space<vmem>>
          %dma_start3A_196 = arith.constant 0 : i32
          %dma_start3A_197 = arith.constant 0 : i32
          %dma_start3A_198 = tpu.memref_slice %arg10[%dma_start3A_196, %dma_start3A_197] : memref<10240x128xf32, #tpu.memory_space<vmem_shared>> -> memref<10240x128xf32, #tpu.memory_space<vmem_shared>>
          tpu.enqueue_indirect_dma source(%arg8 : memref<128x128xf32, #tpu.memory_space<vmem>>) target(%dma_start3A_198 : memref<10240x128xf32, #tpu.memory_space<vmem_shared>>) offsets(%dma_start3A_195 : memref<128xi32, #tpu.memory_space<vmem>>) semaphore(%run_scoped3A : memref<!tpu.dma_semaphore, #tpu.memory_space<semaphore_mem>>) {add = true}
          %dma_wait3A_199 = arith.constant 0 : i32
          %dma_wait3A_200 = tpu.memref_slice %arg7[%scan3A_150, %dma_wait3A_199] : memref<40x128xi32, #tpu.memory_space<vmem>> -> memref<1x128xi32, #tpu.memory_space<vmem>>
          %dma_wait3A_201 = tpu.memref_squeeze %dma_wait3A_200 : memref<1x128xi32, #tpu.memory_space<vmem>> -> memref<128xi32, #tpu.memory_space<vmem>>
          %dma_wait3A_202 = arith.constant 0 : i32
          %dma_wait3A_203 = arith.constant 0 : i32
          %dma_wait3A_204 = tpu.memref_slice %arg10[%dma_wait3A_202, %dma_wait3A_203] : memref<10240x128xf32, #tpu.memory_space<vmem_shared>> -> memref<10240x128xf32, #tpu.memory_space<vmem_shared>>
          tpu.wait_indirect_dma semaphore(%run_scoped3A : memref<!tpu.dma_semaphore, #tpu.memory_space<semaphore_mem>>) src(%arg8 : memref<128x128xf32, #tpu.memory_space<vmem>>) dst(%dma_wait3A_204 : memref<10240x128xf32, #tpu.memory_space<vmem_shared>>)
          tpu.yield
        }) : () -> ()
      } else {
      }
      %not3A_181 = arith.constant true
      %not3A_182 = arith.xori %eq3A_162, %not3A_181 : i1
      %convert_element_type3A_183 = arith.extui %not3A_182 : i1 to i32
      %cond3A_184 = arith.constant 0 : i32
      %cond3A_185 = arith.cmpi ne, %convert_element_type3A_183, %cond3A_184 : i32
      scf.if %cond3A_185 {
        %dma_wait3A_187 = arith.constant 0 : i32
        %dma_wait3A_188 = tpu.memref_slice %arg6[%scan3A_150, %dma_wait3A_187] : memref<40x128xi32, #tpu.memory_space<vmem>> -> memref<1x128xi32, #tpu.memory_space<vmem>>
        %dma_wait3A_189 = tpu.memref_squeeze %dma_wait3A_188 : memref<1x128xi32, #tpu.memory_space<vmem>> -> memref<128xi32, #tpu.memory_space<vmem>>
        %dma_wait3A_190 = arith.constant 0 : i32
        %dma_wait3A_191 = arith.constant 0 : i32
        %dma_wait3A_192 = tpu.memref_slice %arg2[%dma_wait3A_190, %dma_wait3A_191] : memref<10240x128xf32, #tpu.memory_space<hbm>> -> memref<10240x128xf32, #tpu.memory_space<hbm>>
        tpu.wait_indirect_dma semaphore(%arg12 : memref<!tpu.dma_semaphore, #tpu.memory_space<semaphore_mem>>) src(%dma_wait3A_192 : memref<10240x128xf32, #tpu.memory_space<hbm>>) dst(%arg9 : memref<128x128xf32, #tpu.memory_space<vmem>>)
        "tpu.region"() ({
          %run_scoped3A = tpu.sem_alloc : memref<!tpu.dma_semaphore, #tpu.memory_space<semaphore_mem>>
          %dma_start3A_193 = arith.constant 0 : i32
          %dma_start3A_194 = tpu.memref_slice %arg7[%scan3A_150, %dma_start3A_193] : memref<40x128xi32, #tpu.memory_space<vmem>> -> memref<1x128xi32, #tpu.memory_space<vmem>>
          %dma_start3A_195 = tpu.memref_squeeze %dma_start3A_194 : memref<1x128xi32, #tpu.memory_space<vmem>> -> memref<128xi32, #tpu.memory_space<vmem>>
          %dma_start3A_196 = arith.constant 0 : i32
          %dma_start3A_197 = arith.constant 0 : i32
          %dma_start3A_198 = tpu.memref_slice %arg10[%dma_start3A_196, %dma_start3A_197] : memref<10240x128xf32, #tpu.memory_space<vmem_shared>> -> memref<10240x128xf32, #tpu.memory_space<vmem_shared>>
          tpu.enqueue_indirect_dma source(%arg9 : memref<128x128xf32, #tpu.memory_space<vmem>>) target(%dma_start3A_198 : memref<10240x128xf32, #tpu.memory_space<vmem_shared>>) offsets(%dma_start3A_195 : memref<128xi32, #tpu.memory_space<vmem>>) semaphore(%run_scoped3A : memref<!tpu.dma_semaphore, #tpu.memory_space<semaphore_mem>>) {add = true}
          %dma_wait3A_199 = arith.constant 0 : i32
          %dma_wait3A_200 = tpu.memref_slice %arg7[%scan3A_150, %dma_wait3A_199] : memref<40x128xi32, #tpu.memory_space<vmem>> -> memref<1x128xi32, #tpu.memory_space<vmem>>
          %dma_wait3A_201 = tpu.memref_squeeze %dma_wait3A_200 : memref<1x128xi32, #tpu.memory_space<vmem>> -> memref<128xi32, #tpu.memory_space<vmem>>
          %dma_wait3A_202 = arith.constant 0 : i32
          %dma_wait3A_203 = arith.constant 0 : i32
          %dma_wait3A_204 = tpu.memref_slice %arg10[%dma_wait3A_202, %dma_wait3A_203] : memref<10240x128xf32, #tpu.memory_space<vmem_shared>> -> memref<10240x128xf32, #tpu.memory_space<vmem_shared>>
          tpu.wait_indirect_dma semaphore(%run_scoped3A : memref<!tpu.dma_semaphore, #tpu.memory_space<semaphore_mem>>) src(%arg9 : memref<128x128xf32, #tpu.memory_space<vmem>>) dst(%dma_wait3A_204 : memref<10240x128xf32, #tpu.memory_space<vmem_shared>>)
          tpu.yield
        }) : () -> ()
      } else {
      }
      %scan3A_186 = arith.constant 0 : i32
      scf.yield %scan3A_186 : i32
    }
    %scan3A_144 = arith.constant 40 : i32
    %barrier3A_145 = arith.constant 0 : index
    tpu.barrier barrier_id(%barrier3A_145)
    %mul3A_146 = arith.constant 640 : i32
    %mul3A_147 = arith.muli %arg1, %mul3A_146 : i32
    %mul3A_148 = arith.constant 640 : i32
    %mul3A_149 = arith.muli %arg1, %mul3A_148 : i32
    "tpu.region"() ({
      %run_scoped3A = tpu.sem_alloc : memref<!tpu.dma_semaphore, #tpu.memory_space<semaphore_mem>>
      %dma_start3A_150 = arith.constant 0 : i32
      %dma_start3A_151 = tpu.memref_slice %arg5[%arg0, %mul3A_149, %dma_start3A_150] : memref<2x10240x128xf32, #tpu.memory_space<hbm>> -> memref<1x640x128xf32, #tpu.memory_space<hbm>>
      %dma_start3A_152 = tpu.memref_squeeze %dma_start3A_151 : memref<1x640x128xf32, #tpu.memory_space<hbm>> -> memref<640x128xf32, #tpu.memory_space<hbm>>
      %dma_start3A_153 = arith.constant 0 : i32
      %dma_start3A_154 = tpu.memref_slice %arg10[%mul3A_147, %dma_start3A_153] : memref<10240x128xf32, #tpu.memory_space<vmem_shared>> -> memref<640x128xf32, #tpu.memory_space<vmem_shared>>
      tpu.enqueue_dma source(%dma_start3A_154 : memref<640x128xf32, #tpu.memory_space<vmem_shared>>) target(%dma_start3A_152 : memref<640x128xf32, #tpu.memory_space<hbm>>) target_semaphore(%run_scoped3A : memref<!tpu.dma_semaphore, #tpu.memory_space<semaphore_mem>>)
      %dma_wait3A_155 = arith.constant 0 : i32
      %dma_wait3A_156 = tpu.memref_slice %arg5[%arg0, %mul3A_149, %dma_wait3A_155] : memref<2x10240x128xf32, #tpu.memory_space<hbm>> -> memref<1x640x128xf32, #tpu.memory_space<hbm>>
      %dma_wait3A_157 = tpu.memref_squeeze %dma_wait3A_156 : memref<1x640x128xf32, #tpu.memory_space<hbm>> -> memref<640x128xf32, #tpu.memory_space<hbm>>
      %dma_wait3A_158 = arith.constant 0 : i32
      %dma_wait3A_159 = tpu.memref_slice %arg10[%mul3A_147, %dma_wait3A_158] : memref<10240x128xf32, #tpu.memory_space<vmem_shared>> -> memref<640x128xf32, #tpu.memory_space<vmem_shared>>
      tpu.wait_dma2 semaphore(%run_scoped3A : memref<!tpu.dma_semaphore, #tpu.memory_space<semaphore_mem>>) src(%dma_wait3A_159 : memref<640x128xf32, #tpu.memory_space<vmem_shared>>) dst(%dma_wait3A_157 : memref<640x128xf32, #tpu.memory_space<hbm>>)
      tpu.yield
    }) : () -> ()
    return
  }
}

#map = affine_map<(d0, d1) -> (0, 0)>
#map1 = affine_map<(d0, d1) -> (0, 0, 0)>
module attributes {stable_mosaic.version = 14 : i64} {
  func.func @_agg_kernel(%arg0: i32, %arg1: i32, %arg2: memref<10240x128xf32, #tpu.memory_space<hbm>>, %arg3: memref<32x80x128xi32, #tpu.memory_space<hbm>>, %arg4: memref<32x80x128xi32, #tpu.memory_space<hbm>>, %arg5: memref<2x10240x128xf32, #tpu.memory_space<hbm>>, %arg6: memref<40x128xi32, #tpu.memory_space<vmem>>, %arg7: memref<40x128xi32, #tpu.memory_space<vmem>>, %arg8: memref<128x128xf32, #tpu.memory_space<vmem>>, %arg9: memref<128x128xf32, #tpu.memory_space<vmem>>, %arg10: memref<10240x128xf32, #tpu.memory_space<vmem_shared>>, %arg11: memref<!tpu.dma_semaphore, #tpu.memory_space<semaphore_mem>>, %arg12: memref<!tpu.dma_semaphore, #tpu.memory_space<semaphore_mem>>, %arg13: memref<!tpu.dma_semaphore, #tpu.memory_space<semaphore_mem>>) attributes {dimension_semantics = [#tpu.dimension_semantics<core_parallel>, #tpu.dimension_semantics<subcore_parallel>], iteration_bounds = array<i64: 2, 16>, scalar_prefetch = 0 : i64, scratch_operands = 8 : i64, tpu.core_type = #tpu.core_type<sc_vector_subcore>, window_params = [{transform_indices = #map}, {transform_indices = #map1}, {transform_indices = #map1}, {transform_indices = #map1}]} {
    %mul3A = arith.constant 16 : i32
    %mul3A_0 = arith.muli %arg0, %mul3A : i32
    %add3A = arith.addi %mul3A_0, %arg1 : i32
    %dma_start3A = arith.constant 0 : i32
    %dma_start3A_1 = arith.constant 0 : i32
    %dma_start3A_2 = tpu.memref_slice %arg3[%add3A, %dma_start3A, %dma_start3A_1] : memref<32x80x128xi32, #tpu.memory_space<hbm>> -> memref<1x40x128xi32, #tpu.memory_space<hbm>>
    %dma_start3A_3 = tpu.memref_squeeze %dma_start3A_2 : memref<1x40x128xi32, #tpu.memory_space<hbm>> -> memref<40x128xi32, #tpu.memory_space<hbm>>
    %dma_start3A_4 = arith.constant 0 : i32
    %dma_start3A_5 = arith.constant 0 : i32
    %dma_start3A_6 = tpu.memref_slice %arg3[%add3A, %dma_start3A_4, %dma_start3A_5] : memref<32x80x128xi32, #tpu.memory_space<hbm>> -> memref<1x40x128xi32, #tpu.memory_space<hbm>>
    %dma_start3A_7 = tpu.memref_squeeze %dma_start3A_6 : memref<1x40x128xi32, #tpu.memory_space<hbm>> -> memref<40x128xi32, #tpu.memory_space<hbm>>
    tpu.enqueue_dma source(%dma_start3A_7 : memref<40x128xi32, #tpu.memory_space<hbm>>) target(%arg6 : memref<40x128xi32, #tpu.memory_space<vmem>>) target_semaphore(%arg11 : memref<!tpu.dma_semaphore, #tpu.memory_space<semaphore_mem>>)
    %dma_start3A_8 = arith.constant 0 : i32
    %dma_start3A_9 = arith.constant 0 : i32
    %dma_start3A_10 = tpu.memref_slice %arg4[%add3A, %dma_start3A_8, %dma_start3A_9] : memref<32x80x128xi32, #tpu.memory_space<hbm>> -> memref<1x40x128xi32, #tpu.memory_space<hbm>>
    %dma_start3A_11 = tpu.memref_squeeze %dma_start3A_10 : memref<1x40x128xi32, #tpu.memory_space<hbm>> -> memref<40x128xi32, #tpu.memory_space<hbm>>
    %dma_start3A_12 = arith.constant 0 : i32
    %dma_start3A_13 = arith.constant 0 : i32
    %dma_start3A_14 = tpu.memref_slice %arg4[%add3A, %dma_start3A_12, %dma_start3A_13] : memref<32x80x128xi32, #tpu.memory_space<hbm>> -> memref<1x40x128xi32, #tpu.memory_space<hbm>>
    %dma_start3A_15 = tpu.memref_squeeze %dma_start3A_14 : memref<1x40x128xi32, #tpu.memory_space<hbm>> -> memref<40x128xi32, #tpu.memory_space<hbm>>
    tpu.enqueue_dma source(%dma_start3A_15 : memref<40x128xi32, #tpu.memory_space<hbm>>) target(%arg7 : memref<40x128xi32, #tpu.memory_space<vmem>>) target_semaphore(%arg12 : memref<!tpu.dma_semaphore, #tpu.memory_space<semaphore_mem>>)
    %scan3A = arith.constant 0 : i32
    %scan3A_16 = arith.constant 0 : i32
    %scan3A_17 = arith.constant 128 : i32
    %scan3A_18 = arith.addi %scan3A_16, %scan3A_17 : i32
    %scan3A_19 = arith.constant 1 : i32
    %scan3A_20 = scf.for %scan3A_150 = %scan3A_16 to %scan3A_18 step %scan3A_19 iter_args(%scan3A_151 = %scan3A) -> (i32)  : i32 {
      %broadcast_in_dim3A = arith.constant 0.000000e+00 : f32
      %broadcast_in_dim3A_152 = vector.broadcast %broadcast_in_dim3A : f32 to vector<16xf32>
      %swap3A = arith.index_cast %scan3A_150 : i32 to index
      %swap3A_153 = arith.constant 0 : index
      %swap3A_154 = tpu.vector_load %arg8[%swap3A, %swap3A_153] {strides = array<i32>} : memref<128x128xf32, #tpu.memory_space<vmem>>, vector<16xf32>,
      tpu.vector_store %arg8[%swap3A, %swap3A_153], %broadcast_in_dim3A_152 {strides = array<i32>} : memref<128x128xf32, #tpu.memory_space<vmem>>, vector<16xf32>,
      %broadcast_in_dim3A_155 = arith.constant 0.000000e+00 : f32
      %broadcast_in_dim3A_156 = vector.broadcast %broadcast_in_dim3A_155 : f32 to vector<16xf32>
      %swap3A_157 = arith.index_cast %scan3A_150 : i32 to index
      %swap3A_158 = arith.constant 16 : index
      %swap3A_159 = tpu.vector_load %arg8[%swap3A_157, %swap3A_158] {strides = array<i32>} : memref<128x128xf32, #tpu.memory_space<vmem>>, vector<16xf32>,
      tpu.vector_store %arg8[%swap3A_157, %swap3A_158], %broadcast_in_dim3A_156 {strides = array<i32>} : memref<128x128xf32, #tpu.memory_space<vmem>>, vector<16xf32>,
      %broadcast_in_dim3A_160 = arith.constant 0.000000e+00 : f32
      %broadcast_in_dim3A_161 = vector.broadcast %broadcast_in_dim3A_160 : f32 to vector<16xf32>
      %swap3A_162 = arith.index_cast %scan3A_150 : i32 to index
      %swap3A_163 = arith.constant 32 : index
      %swap3A_164 = tpu.vector_load %arg8[%swap3A_162, %swap3A_163] {strides = array<i32>} : memref<128x128xf32, #tpu.memory_space<vmem>>, vector<16xf32>,
      tpu.vector_store %arg8[%swap3A_162, %swap3A_163], %broadcast_in_dim3A_161 {strides = array<i32>} : memref<128x128xf32, #tpu.memory_space<vmem>>, vector<16xf32>,
      %broadcast_in_dim3A_165 = arith.constant 0.000000e+00 : f32
      %broadcast_in_dim3A_166 = vector.broadcast %broadcast_in_dim3A_165 : f32 to vector<16xf32>
      %swap3A_167 = arith.index_cast %scan3A_150 : i32 to index
      %swap3A_168 = arith.constant 48 : index
      %swap3A_169 = tpu.vector_load %arg8[%swap3A_167, %swap3A_168] {strides = array<i32>} : memref<128x128xf32, #tpu.memory_space<vmem>>, vector<16xf32>,
      tpu.vector_store %arg8[%swap3A_167, %swap3A_168], %broadcast_in_dim3A_166 {strides = array<i32>} : memref<128x128xf32, #tpu.memory_space<vmem>>, vector<16xf32>,
      %broadcast_in_dim3A_170 = arith.constant 0.000000e+00 : f32
      %broadcast_in_dim3A_171 = vector.broadcast %broadcast_in_dim3A_170 : f32 to vector<16xf32>
      %swap3A_172 = arith.index_cast %scan3A_150 : i32 to index
      %swap3A_173 = arith.constant 64 : index
      %swap3A_174 = tpu.vector_load %arg8[%swap3A_172, %swap3A_173] {strides = array<i32>} : memref<128x128xf32, #tpu.memory_space<vmem>>, vector<16xf32>,
      tpu.vector_store %arg8[%swap3A_172, %swap3A_173], %broadcast_in_dim3A_171 {strides = array<i32>} : memref<128x128xf32, #tpu.memory_space<vmem>>, vector<16xf32>,
      %broadcast_in_dim3A_175 = arith.constant 0.000000e+00 : f32
      %broadcast_in_dim3A_176 = vector.broadcast %broadcast_in_dim3A_175 : f32 to vector<16xf32>
      %swap3A_177 = arith.index_cast %scan3A_150 : i32 to index
      %swap3A_178 = arith.constant 80 : index
      %swap3A_179 = tpu.vector_load %arg8[%swap3A_177, %swap3A_178] {strides = array<i32>} : memref<128x128xf32, #tpu.memory_space<vmem>>, vector<16xf32>,
      tpu.vector_store %arg8[%swap3A_177, %swap3A_178], %broadcast_in_dim3A_176 {strides = array<i32>} : memref<128x128xf32, #tpu.memory_space<vmem>>, vector<16xf32>,
      %broadcast_in_dim3A_180 = arith.constant 0.000000e+00 : f32
      %broadcast_in_dim3A_181 = vector.broadcast %broadcast_in_dim3A_180 : f32 to vector<16xf32>
      %swap3A_182 = arith.index_cast %scan3A_150 : i32 to index
      %swap3A_183 = arith.constant 96 : index
      %swap3A_184 = tpu.vector_load %arg8[%swap3A_182, %swap3A_183] {strides = array<i32>} : memref<128x128xf32, #tpu.memory_space<vmem>>, vector<16xf32>,
      tpu.vector_store %arg8[%swap3A_182, %swap3A_183], %broadcast_in_dim3A_181 {strides = array<i32>} : memref<128x128xf32, #tpu.memory_space<vmem>>, vector<16xf32>,
      %broadcast_in_dim3A_185 = arith.constant 0.000000e+00 : f32
      %broadcast_in_dim3A_186 = vector.broadcast %broadcast_in_dim3A_185 : f32 to vector<16xf32>
      %swap3A_187 = arith.index_cast %scan3A_150 : i32 to index
      %swap3A_188 = arith.constant 112 : index
      %swap3A_189 = tpu.vector_load %arg8[%swap3A_187, %swap3A_188] {strides = array<i32>} : memref<128x128xf32, #tpu.memory_space<vmem>>, vector<16xf32>,
      tpu.vector_store %arg8[%swap3A_187, %swap3A_188], %broadcast_in_dim3A_186 {strides = array<i32>} : memref<128x128xf32, #tpu.memory_space<vmem>>, vector<16xf32>,
      %scan3A_190 = arith.constant 0 : i32
      scf.yield %scan3A_190 : i32
    }
    %scan3A_21 = arith.constant 128 : i32
    %mul3A_22 = arith.constant 640 : i32
    %mul3A_23 = arith.muli %arg1, %mul3A_22 : i32
    %add3A_24 = arith.constant 0 : i32
    %add3A_25 = arith.addi %mul3A_23, %add3A_24 : i32
    %dma_start3A_26 = arith.constant 0 : i32
    %dma_start3A_27 = tpu.memref_slice %arg10[%add3A_25, %dma_start3A_26] : memref<10240x128xf32, #tpu.memory_space<vmem_shared>> -> memref<128x128xf32, #tpu.memory_space<vmem_shared>>
    %dma_start3A_28 = arith.constant 0 : i32
    %dma_start3A_29 = tpu.memref_slice %arg10[%add3A_25, %dma_start3A_28] : memref<10240x128xf32, #tpu.memory_space<vmem_shared>> -> memref<128x128xf32, #tpu.memory_space<vmem_shared>>
    tpu.enqueue_dma source(%arg8 : memref<128x128xf32, #tpu.memory_space<vmem>>) target(%dma_start3A_29 : memref<128x128xf32, #tpu.memory_space<vmem_shared>>) target_semaphore(%arg13 : memref<!tpu.dma_semaphore, #tpu.memory_space<semaphore_mem>>)
    %mul3A_30 = arith.constant 640 : i32
    %mul3A_31 = arith.muli %arg1, %mul3A_30 : i32
    %add3A_32 = arith.constant 128 : i32
    %add3A_33 = arith.addi %mul3A_31, %add3A_32 : i32
    %dma_start3A_34 = arith.constant 0 : i32
    %dma_start3A_35 = tpu.memref_slice %arg10[%add3A_33, %dma_start3A_34] : memref<10240x128xf32, #tpu.memory_space<vmem_shared>> -> memref<128x128xf32, #tpu.memory_space<vmem_shared>>
    %dma_start3A_36 = arith.constant 0 : i32
    %dma_start3A_37 = tpu.memref_slice %arg10[%add3A_33, %dma_start3A_36] : memref<10240x128xf32, #tpu.memory_space<vmem_shared>> -> memref<128x128xf32, #tpu.memory_space<vmem_shared>>
    tpu.enqueue_dma source(%arg8 : memref<128x128xf32, #tpu.memory_space<vmem>>) target(%dma_start3A_37 : memref<128x128xf32, #tpu.memory_space<vmem_shared>>) target_semaphore(%arg13 : memref<!tpu.dma_semaphore, #tpu.memory_space<semaphore_mem>>)
    %mul3A_38 = arith.constant 640 : i32
    %mul3A_39 = arith.muli %arg1, %mul3A_38 : i32
    %add3A_40 = arith.constant 256 : i32
    %add3A_41 = arith.addi %mul3A_39, %add3A_40 : i32
    %dma_start3A_42 = arith.constant 0 : i32
    %dma_start3A_43 = tpu.memref_slice %arg10[%add3A_41, %dma_start3A_42] : memref<10240x128xf32, #tpu.memory_space<vmem_shared>> -> memref<128x128xf32, #tpu.memory_space<vmem_shared>>
    %dma_start3A_44 = arith.constant 0 : i32
    %dma_start3A_45 = tpu.memref_slice %arg10[%add3A_41, %dma_start3A_44] : memref<10240x128xf32, #tpu.memory_space<vmem_shared>> -> memref<128x128xf32, #tpu.memory_space<vmem_shared>>
    tpu.enqueue_dma source(%arg8 : memref<128x128xf32, #tpu.memory_space<vmem>>) target(%dma_start3A_45 : memref<128x128xf32, #tpu.memory_space<vmem_shared>>) target_semaphore(%arg13 : memref<!tpu.dma_semaphore, #tpu.memory_space<semaphore_mem>>)
    %mul3A_46 = arith.constant 640 : i32
    %mul3A_47 = arith.muli %arg1, %mul3A_46 : i32
    %add3A_48 = arith.constant 384 : i32
    %add3A_49 = arith.addi %mul3A_47, %add3A_48 : i32
    %dma_start3A_50 = arith.constant 0 : i32
    %dma_start3A_51 = tpu.memref_slice %arg10[%add3A_49, %dma_start3A_50] : memref<10240x128xf32, #tpu.memory_space<vmem_shared>> -> memref<128x128xf32, #tpu.memory_space<vmem_shared>>
    %dma_start3A_52 = arith.constant 0 : i32
    %dma_start3A_53 = tpu.memref_slice %arg10[%add3A_49, %dma_start3A_52] : memref<10240x128xf32, #tpu.memory_space<vmem_shared>> -> memref<128x128xf32, #tpu.memory_space<vmem_shared>>
    tpu.enqueue_dma source(%arg8 : memref<128x128xf32, #tpu.memory_space<vmem>>) target(%dma_start3A_53 : memref<128x128xf32, #tpu.memory_space<vmem_shared>>) target_semaphore(%arg13 : memref<!tpu.dma_semaphore, #tpu.memory_space<semaphore_mem>>)
    %mul3A_54 = arith.constant 640 : i32
    %mul3A_55 = arith.muli %arg1, %mul3A_54 : i32
    %add3A_56 = arith.constant 512 : i32
    %add3A_57 = arith.addi %mul3A_55, %add3A_56 : i32
    %dma_start3A_58 = arith.constant 0 : i32
    %dma_start3A_59 = tpu.memref_slice %arg10[%add3A_57, %dma_start3A_58] : memref<10240x128xf32, #tpu.memory_space<vmem_shared>> -> memref<128x128xf32, #tpu.memory_space<vmem_shared>>
    %dma_start3A_60 = arith.constant 0 : i32
    %dma_start3A_61 = tpu.memref_slice %arg10[%add3A_57, %dma_start3A_60] : memref<10240x128xf32, #tpu.memory_space<vmem_shared>> -> memref<128x128xf32, #tpu.memory_space<vmem_shared>>
    tpu.enqueue_dma source(%arg8 : memref<128x128xf32, #tpu.memory_space<vmem>>) target(%dma_start3A_61 : memref<128x128xf32, #tpu.memory_space<vmem_shared>>) target_semaphore(%arg13 : memref<!tpu.dma_semaphore, #tpu.memory_space<semaphore_mem>>)
    %mul3A_62 = arith.constant 640 : i32
    %mul3A_63 = arith.muli %arg1, %mul3A_62 : i32
    %add3A_64 = arith.constant 0 : i32
    %add3A_65 = arith.addi %mul3A_63, %add3A_64 : i32
    %dma_wait3A = arith.constant 0 : i32
    %dma_wait3A_66 = tpu.memref_slice %arg10[%add3A_65, %dma_wait3A] : memref<10240x128xf32, #tpu.memory_space<vmem_shared>> -> memref<128x128xf32, #tpu.memory_space<vmem_shared>>
    %dma_wait3A_67 = arith.constant 0 : i32
    %dma_wait3A_68 = tpu.memref_slice %arg10[%add3A_65, %dma_wait3A_67] : memref<10240x128xf32, #tpu.memory_space<vmem_shared>> -> memref<128x128xf32, #tpu.memory_space<vmem_shared>>
    tpu.wait_dma2 semaphore(%arg13 : memref<!tpu.dma_semaphore, #tpu.memory_space<semaphore_mem>>) src(%arg8 : memref<128x128xf32, #tpu.memory_space<vmem>>) dst(%dma_wait3A_68 : memref<128x128xf32, #tpu.memory_space<vmem_shared>>)
    %mul3A_69 = arith.constant 640 : i32
    %mul3A_70 = arith.muli %arg1, %mul3A_69 : i32
    %add3A_71 = arith.constant 128 : i32
    %add3A_72 = arith.addi %mul3A_70, %add3A_71 : i32
    %dma_wait3A_73 = arith.constant 0 : i32
    %dma_wait3A_74 = tpu.memref_slice %arg10[%add3A_72, %dma_wait3A_73] : memref<10240x128xf32, #tpu.memory_space<vmem_shared>> -> memref<128x128xf32, #tpu.memory_space<vmem_shared>>
    %dma_wait3A_75 = arith.constant 0 : i32
    %dma_wait3A_76 = tpu.memref_slice %arg10[%add3A_72, %dma_wait3A_75] : memref<10240x128xf32, #tpu.memory_space<vmem_shared>> -> memref<128x128xf32, #tpu.memory_space<vmem_shared>>
    tpu.wait_dma2 semaphore(%arg13 : memref<!tpu.dma_semaphore, #tpu.memory_space<semaphore_mem>>) src(%arg8 : memref<128x128xf32, #tpu.memory_space<vmem>>) dst(%dma_wait3A_76 : memref<128x128xf32, #tpu.memory_space<vmem_shared>>)
    %mul3A_77 = arith.constant 640 : i32
    %mul3A_78 = arith.muli %arg1, %mul3A_77 : i32
    %add3A_79 = arith.constant 256 : i32
    %add3A_80 = arith.addi %mul3A_78, %add3A_79 : i32
    %dma_wait3A_81 = arith.constant 0 : i32
    %dma_wait3A_82 = tpu.memref_slice %arg10[%add3A_80, %dma_wait3A_81] : memref<10240x128xf32, #tpu.memory_space<vmem_shared>> -> memref<128x128xf32, #tpu.memory_space<vmem_shared>>
    %dma_wait3A_83 = arith.constant 0 : i32
    %dma_wait3A_84 = tpu.memref_slice %arg10[%add3A_80, %dma_wait3A_83] : memref<10240x128xf32, #tpu.memory_space<vmem_shared>> -> memref<128x128xf32, #tpu.memory_space<vmem_shared>>
    tpu.wait_dma2 semaphore(%arg13 : memref<!tpu.dma_semaphore, #tpu.memory_space<semaphore_mem>>) src(%arg8 : memref<128x128xf32, #tpu.memory_space<vmem>>) dst(%dma_wait3A_84 : memref<128x128xf32, #tpu.memory_space<vmem_shared>>)
    %mul3A_85 = arith.constant 640 : i32
    %mul3A_86 = arith.muli %arg1, %mul3A_85 : i32
    %add3A_87 = arith.constant 384 : i32
    %add3A_88 = arith.addi %mul3A_86, %add3A_87 : i32
    %dma_wait3A_89 = arith.constant 0 : i32
    %dma_wait3A_90 = tpu.memref_slice %arg10[%add3A_88, %dma_wait3A_89] : memref<10240x128xf32, #tpu.memory_space<vmem_shared>> -> memref<128x128xf32, #tpu.memory_space<vmem_shared>>
    %dma_wait3A_91 = arith.constant 0 : i32
    %dma_wait3A_92 = tpu.memref_slice %arg10[%add3A_88, %dma_wait3A_91] : memref<10240x128xf32, #tpu.memory_space<vmem_shared>> -> memref<128x128xf32, #tpu.memory_space<vmem_shared>>
    tpu.wait_dma2 semaphore(%arg13 : memref<!tpu.dma_semaphore, #tpu.memory_space<semaphore_mem>>) src(%arg8 : memref<128x128xf32, #tpu.memory_space<vmem>>) dst(%dma_wait3A_92 : memref<128x128xf32, #tpu.memory_space<vmem_shared>>)
    %mul3A_93 = arith.constant 640 : i32
    %mul3A_94 = arith.muli %arg1, %mul3A_93 : i32
    %add3A_95 = arith.constant 512 : i32
    %add3A_96 = arith.addi %mul3A_94, %add3A_95 : i32
    %dma_wait3A_97 = arith.constant 0 : i32
    %dma_wait3A_98 = tpu.memref_slice %arg10[%add3A_96, %dma_wait3A_97] : memref<10240x128xf32, #tpu.memory_space<vmem_shared>> -> memref<128x128xf32, #tpu.memory_space<vmem_shared>>
    %dma_wait3A_99 = arith.constant 0 : i32
    %dma_wait3A_100 = tpu.memref_slice %arg10[%add3A_96, %dma_wait3A_99] : memref<10240x128xf32, #tpu.memory_space<vmem_shared>> -> memref<128x128xf32, #tpu.memory_space<vmem_shared>>
    tpu.wait_dma2 semaphore(%arg13 : memref<!tpu.dma_semaphore, #tpu.memory_space<semaphore_mem>>) src(%arg8 : memref<128x128xf32, #tpu.memory_space<vmem>>) dst(%dma_wait3A_100 : memref<128x128xf32, #tpu.memory_space<vmem_shared>>)
    %dma_wait3A_101 = arith.constant 0 : i32
    %dma_wait3A_102 = arith.constant 0 : i32
    %dma_wait3A_103 = tpu.memref_slice %arg3[%add3A, %dma_wait3A_101, %dma_wait3A_102] : memref<32x80x128xi32, #tpu.memory_space<hbm>> -> memref<1x40x128xi32, #tpu.memory_space<hbm>>
    %dma_wait3A_104 = tpu.memref_squeeze %dma_wait3A_103 : memref<1x40x128xi32, #tpu.memory_space<hbm>> -> memref<40x128xi32, #tpu.memory_space<hbm>>
    %dma_wait3A_105 = arith.constant 0 : i32
    %dma_wait3A_106 = arith.constant 0 : i32
    %dma_wait3A_107 = tpu.memref_slice %arg3[%add3A, %dma_wait3A_105, %dma_wait3A_106] : memref<32x80x128xi32, #tpu.memory_space<hbm>> -> memref<1x40x128xi32, #tpu.memory_space<hbm>>
    %dma_wait3A_108 = tpu.memref_squeeze %dma_wait3A_107 : memref<1x40x128xi32, #tpu.memory_space<hbm>> -> memref<40x128xi32, #tpu.memory_space<hbm>>
    tpu.wait_dma2 semaphore(%arg11 : memref<!tpu.dma_semaphore, #tpu.memory_space<semaphore_mem>>) src(%dma_wait3A_108 : memref<40x128xi32, #tpu.memory_space<hbm>>) dst(%arg6 : memref<40x128xi32, #tpu.memory_space<vmem>>)
    %dma_wait3A_109 = arith.constant 0 : i32
    %dma_wait3A_110 = arith.constant 0 : i32
    %dma_wait3A_111 = tpu.memref_slice %arg4[%add3A, %dma_wait3A_109, %dma_wait3A_110] : memref<32x80x128xi32, #tpu.memory_space<hbm>> -> memref<1x40x128xi32, #tpu.memory_space<hbm>>
    %dma_wait3A_112 = tpu.memref_squeeze %dma_wait3A_111 : memref<1x40x128xi32, #tpu.memory_space<hbm>> -> memref<40x128xi32, #tpu.memory_space<hbm>>
    %dma_wait3A_113 = arith.constant 0 : i32
    %dma_wait3A_114 = arith.constant 0 : i32
    %dma_wait3A_115 = tpu.memref_slice %arg4[%add3A, %dma_wait3A_113, %dma_wait3A_114] : memref<32x80x128xi32, #tpu.memory_space<hbm>> -> memref<1x40x128xi32, #tpu.memory_space<hbm>>
    %dma_wait3A_116 = tpu.memref_squeeze %dma_wait3A_115 : memref<1x40x128xi32, #tpu.memory_space<hbm>> -> memref<40x128xi32, #tpu.memory_space<hbm>>
    tpu.wait_dma2 semaphore(%arg12 : memref<!tpu.dma_semaphore, #tpu.memory_space<semaphore_mem>>) src(%dma_wait3A_116 : memref<40x128xi32, #tpu.memory_space<hbm>>) dst(%arg7 : memref<40x128xi32, #tpu.memory_space<vmem>>)
    %barrier3A = arith.constant 0 : index
    tpu.barrier barrier_id(%barrier3A)
    %dma_start3A_117 = arith.constant 0 : i32
    %dma_start3A_118 = arith.constant 0 : i32
    %dma_start3A_119 = tpu.memref_slice %arg6[%dma_start3A_117, %dma_start3A_118] : memref<40x128xi32, #tpu.memory_space<vmem>> -> memref<1x128xi32, #tpu.memory_space<vmem>>
    %dma_start3A_120 = tpu.memref_squeeze %dma_start3A_119 : memref<1x128xi32, #tpu.memory_space<vmem>> -> memref<128xi32, #tpu.memory_space<vmem>>
    %dma_start3A_121 = arith.constant 0 : i32
    %dma_start3A_122 = arith.constant 0 : i32
    %dma_start3A_123 = tpu.memref_slice %arg2[%dma_start3A_121, %dma_start3A_122] : memref<10240x128xf32, #tpu.memory_space<hbm>> -> memref<10240x128xf32, #tpu.memory_space<hbm>>
    tpu.enqueue_indirect_dma source(%dma_start3A_123 : memref<10240x128xf32, #tpu.memory_space<hbm>>) target(%arg8 : memref<128x128xf32, #tpu.memory_space<vmem>>) offsets(%dma_start3A_120 : memref<128xi32, #tpu.memory_space<vmem>>) semaphore(%arg11 : memref<!tpu.dma_semaphore, #tpu.memory_space<semaphore_mem>>)
    %scan3A_124 = arith.constant 0 : i32
    %scan3A_125 = arith.constant 0 : i32
    %scan3A_126 = arith.constant 40 : i32
    %scan3A_127 = arith.addi %scan3A_125, %scan3A_126 : i32
    %scan3A_128 = arith.constant 1 : i32
    %scan3A_129 = scf.for %scan3A_150 = %scan3A_125 to %scan3A_127 step %scan3A_128 iter_args(%scan3A_151 = %scan3A_124) -> (i32)  : i32 {
      %jit3A = arith.constant 2 : i32
      %eq3A = arith.constant 0 : i32
      %eq3A_152 = arith.cmpi eq, %jit3A, %eq3A : i32
      %jit3A_153 = arith.constant 1 : i32
      %select_n3A = arith.select %eq3A_152, %jit3A_153, %jit3A : i32
      %rem3A = arith.remsi %scan3A_150, %select_n3A : i32
      %ne3A = arith.constant 0 : i32
      %ne3A_154 = arith.cmpi ne, %rem3A, %ne3A : i32
      %lt3A = arith.constant 0 : i32
      %lt3A_155 = arith.cmpi slt, %rem3A, %lt3A : i32
      %lt3A_156 = arith.constant 0 : i32
      %lt3A_157 = arith.cmpi slt, %select_n3A, %lt3A_156 : i32
      %ne3A_158 = arith.xori %lt3A_155, %lt3A_157 : i1
      %and3A = arith.andi %ne3A_158, %ne3A_154 : i1
      %add3A_159 = arith.addi %rem3A, %select_n3A : i32
      %select_n3A_160 = arith.select %and3A, %add3A_159, %rem3A : i32
      %eq3A_161 = arith.constant 0 : i32
      %eq3A_162 = arith.cmpi eq, %select_n3A_160, %eq3A_161 : i32
      %add3A_163 = arith.constant 1 : i32
      %add3A_164 = arith.addi %scan3A_150, %add3A_163 : i32
      %lt3A_165 = arith.constant 40 : i32
      %lt3A_166 = arith.cmpi slt, %add3A_164, %lt3A_165 : i32
      %and3A_167 = arith.andi %eq3A_162, %lt3A_166 : i1
      %convert_element_type3A = arith.extui %and3A_167 : i1 to i32
      %cond3A = arith.constant 0 : i32
      %cond3A_168 = arith.cmpi ne, %convert_element_type3A, %cond3A : i32
      scf.if %cond3A_168 {
        %add3A_187 = arith.constant 1 : i32
        %add3A_188 = arith.addi %scan3A_150, %add3A_187 : i32
        %dma_start3A_189 = arith.constant 0 : i32
        %dma_start3A_190 = tpu.memref_slice %arg6[%add3A_188, %dma_start3A_189] : memref<40x128xi32, #tpu.memory_space<vmem>> -> memref<1x128xi32, #tpu.memory_space<vmem>>
        %dma_start3A_191 = tpu.memref_squeeze %dma_start3A_190 : memref<1x128xi32, #tpu.memory_space<vmem>> -> memref<128xi32, #tpu.memory_space<vmem>>
        %dma_start3A_192 = arith.constant 0 : i32
        %dma_start3A_193 = arith.constant 0 : i32
        %dma_start3A_194 = tpu.memref_slice %arg2[%dma_start3A_192, %dma_start3A_193] : memref<10240x128xf32, #tpu.memory_space<hbm>> -> memref<10240x128xf32, #tpu.memory_space<hbm>>
        tpu.enqueue_indirect_dma source(%dma_start3A_194 : memref<10240x128xf32, #tpu.memory_space<hbm>>) target(%arg9 : memref<128x128xf32, #tpu.memory_space<vmem>>) offsets(%dma_start3A_191 : memref<128xi32, #tpu.memory_space<vmem>>) semaphore(%arg12 : memref<!tpu.dma_semaphore, #tpu.memory_space<semaphore_mem>>)
      } else {
      }
      %not3A = arith.constant true
      %not3A_169 = arith.xori %eq3A_162, %not3A : i1
      %add3A_170 = arith.constant 1 : i32
      %add3A_171 = arith.addi %scan3A_150, %add3A_170 : i32
      %lt3A_172 = arith.constant 40 : i32
      %lt3A_173 = arith.cmpi slt, %add3A_171, %lt3A_172 : i32
      %and3A_174 = arith.andi %not3A_169, %lt3A_173 : i1
      %convert_element_type3A_175 = arith.extui %and3A_174 : i1 to i32
      %cond3A_176 = arith.constant 0 : i32
      %cond3A_177 = arith.cmpi ne, %convert_element_type3A_175, %cond3A_176 : i32
      scf.if %cond3A_177 {
        %add3A_187 = arith.constant 1 : i32
        %add3A_188 = arith.addi %scan3A_150, %add3A_187 : i32
        %dma_start3A_189 = arith.constant 0 : i32
        %dma_start3A_190 = tpu.memref_slice %arg6[%add3A_188, %dma_start3A_189] : memref<40x128xi32, #tpu.memory_space<vmem>> -> memref<1x128xi32, #tpu.memory_space<vmem>>
        %dma_start3A_191 = tpu.memref_squeeze %dma_start3A_190 : memref<1x128xi32, #tpu.memory_space<vmem>> -> memref<128xi32, #tpu.memory_space<vmem>>
        %dma_start3A_192 = arith.constant 0 : i32
        %dma_start3A_193 = arith.constant 0 : i32
        %dma_start3A_194 = tpu.memref_slice %arg2[%dma_start3A_192, %dma_start3A_193] : memref<10240x128xf32, #tpu.memory_space<hbm>> -> memref<10240x128xf32, #tpu.memory_space<hbm>>
        tpu.enqueue_indirect_dma source(%dma_start3A_194 : memref<10240x128xf32, #tpu.memory_space<hbm>>) target(%arg8 : memref<128x128xf32, #tpu.memory_space<vmem>>) offsets(%dma_start3A_191 : memref<128xi32, #tpu.memory_space<vmem>>) semaphore(%arg11 : memref<!tpu.dma_semaphore, #tpu.memory_space<semaphore_mem>>)
      } else {
      }
      %convert_element_type3A_178 = arith.extui %eq3A_162 : i1 to i32
      %cond3A_179 = arith.constant 0 : i32
      %cond3A_180 = arith.cmpi ne, %convert_element_type3A_178, %cond3A_179 : i32
      scf.if %cond3A_180 {
        %dma_wait3A_187 = arith.constant 0 : i32
        %dma_wait3A_188 = tpu.memref_slice %arg6[%scan3A_150, %dma_wait3A_187] : memref<40x128xi32, #tpu.memory_space<vmem>> -> memref<1x128xi32, #tpu.memory_space<vmem>>
        %dma_wait3A_189 = tpu.memref_squeeze %dma_wait3A_188 : memref<1x128xi32, #tpu.memory_space<vmem>> -> memref<128xi32, #tpu.memory_space<vmem>>
        %dma_wait3A_190 = arith.constant 0 : i32
        %dma_wait3A_191 = arith.constant 0 : i32
        %dma_wait3A_192 = tpu.memref_slice %arg2[%dma_wait3A_190, %dma_wait3A_191] : memref<10240x128xf32, #tpu.memory_space<hbm>> -> memref<10240x128xf32, #tpu.memory_space<hbm>>
        tpu.wait_indirect_dma semaphore(%arg11 : memref<!tpu.dma_semaphore, #tpu.memory_space<semaphore_mem>>) src(%dma_wait3A_192 : memref<10240x128xf32, #tpu.memory_space<hbm>>) dst(%arg8 : memref<128x128xf32, #tpu.memory_space<vmem>>)
        "tpu.region"() ({
          %run_scoped3A = tpu.sem_alloc : memref<!tpu.dma_semaphore, #tpu.memory_space<semaphore_mem>>
          %dma_start3A_193 = arith.constant 0 : i32
          %dma_start3A_194 = tpu.memref_slice %arg7[%scan3A_150, %dma_start3A_193] : memref<40x128xi32, #tpu.memory_space<vmem>> -> memref<1x128xi32, #tpu.memory_space<vmem>>
          %dma_start3A_195 = tpu.memref_squeeze %dma_start3A_194 : memref<1x128xi32, #tpu.memory_space<vmem>> -> memref<128xi32, #tpu.memory_space<vmem>>
          %dma_start3A_196 = arith.constant 0 : i32
          %dma_start3A_197 = arith.constant 0 : i32
          %dma_start3A_198 = tpu.memref_slice %arg10[%dma_start3A_196, %dma_start3A_197] : memref<10240x128xf32, #tpu.memory_space<vmem_shared>> -> memref<10240x128xf32, #tpu.memory_space<vmem_shared>>
          tpu.enqueue_indirect_dma source(%arg8 : memref<128x128xf32, #tpu.memory_space<vmem>>) target(%dma_start3A_198 : memref<10240x128xf32, #tpu.memory_space<vmem_shared>>) offsets(%dma_start3A_195 : memref<128xi32, #tpu.memory_space<vmem>>) semaphore(%run_scoped3A : memref<!tpu.dma_semaphore, #tpu.memory_space<semaphore_mem>>) {add = true}
          %dma_wait3A_199 = arith.constant 0 : i32
          %dma_wait3A_200 = tpu.memref_slice %arg7[%scan3A_150, %dma_wait3A_199] : memref<40x128xi32, #tpu.memory_space<vmem>> -> memref<1x128xi32, #tpu.memory_space<vmem>>
          %dma_wait3A_201 = tpu.memref_squeeze %dma_wait3A_200 : memref<1x128xi32, #tpu.memory_space<vmem>> -> memref<128xi32, #tpu.memory_space<vmem>>
          %dma_wait3A_202 = arith.constant 0 : i32
          %dma_wait3A_203 = arith.constant 0 : i32
          %dma_wait3A_204 = tpu.memref_slice %arg10[%dma_wait3A_202, %dma_wait3A_203] : memref<10240x128xf32, #tpu.memory_space<vmem_shared>> -> memref<10240x128xf32, #tpu.memory_space<vmem_shared>>
          tpu.wait_indirect_dma semaphore(%run_scoped3A : memref<!tpu.dma_semaphore, #tpu.memory_space<semaphore_mem>>) src(%arg8 : memref<128x128xf32, #tpu.memory_space<vmem>>) dst(%dma_wait3A_204 : memref<10240x128xf32, #tpu.memory_space<vmem_shared>>)
          tpu.yield
        }) : () -> ()
      } else {
      }
      %not3A_181 = arith.constant true
      %not3A_182 = arith.xori %eq3A_162, %not3A_181 : i1
      %convert_element_type3A_183 = arith.extui %not3A_182 : i1 to i32
      %cond3A_184 = arith.constant 0 : i32
      %cond3A_185 = arith.cmpi ne, %convert_element_type3A_183, %cond3A_184 : i32
      scf.if %cond3A_185 {
        %dma_wait3A_187 = arith.constant 0 : i32
        %dma_wait3A_188 = tpu.memref_slice %arg6[%scan3A_150, %dma_wait3A_187] : memref<40x128xi32, #tpu.memory_space<vmem>> -> memref<1x128xi32, #tpu.memory_space<vmem>>
        %dma_wait3A_189 = tpu.memref_squeeze %dma_wait3A_188 : memref<1x128xi32, #tpu.memory_space<vmem>> -> memref<128xi32, #tpu.memory_space<vmem>>
        %dma_wait3A_190 = arith.constant 0 : i32
        %dma_wait3A_191 = arith.constant 0 : i32
        %dma_wait3A_192 = tpu.memref_slice %arg2[%dma_wait3A_190, %dma_wait3A_191] : memref<10240x128xf32, #tpu.memory_space<hbm>> -> memref<10240x128xf32, #tpu.memory_space<hbm>>
        tpu.wait_indirect_dma semaphore(%arg12 : memref<!tpu.dma_semaphore, #tpu.memory_space<semaphore_mem>>) src(%dma_wait3A_192 : memref<10240x128xf32, #tpu.memory_space<hbm>>) dst(%arg9 : memref<128x128xf32, #tpu.memory_space<vmem>>)
        "tpu.region"() ({
          %run_scoped3A = tpu.sem_alloc : memref<!tpu.dma_semaphore, #tpu.memory_space<semaphore_mem>>
          %dma_start3A_193 = arith.constant 0 : i32
          %dma_start3A_194 = tpu.memref_slice %arg7[%scan3A_150, %dma_start3A_193] : memref<40x128xi32, #tpu.memory_space<vmem>> -> memref<1x128xi32, #tpu.memory_space<vmem>>
          %dma_start3A_195 = tpu.memref_squeeze %dma_start3A_194 : memref<1x128xi32, #tpu.memory_space<vmem>> -> memref<128xi32, #tpu.memory_space<vmem>>
          %dma_start3A_196 = arith.constant 0 : i32
          %dma_start3A_197 = arith.constant 0 : i32
          %dma_start3A_198 = tpu.memref_slice %arg10[%dma_start3A_196, %dma_start3A_197] : memref<10240x128xf32, #tpu.memory_space<vmem_shared>> -> memref<10240x128xf32, #tpu.memory_space<vmem_shared>>
          tpu.enqueue_indirect_dma source(%arg9 : memref<128x128xf32, #tpu.memory_space<vmem>>) target(%dma_start3A_198 : memref<10240x128xf32, #tpu.memory_space<vmem_shared>>) offsets(%dma_start3A_195 : memref<128xi32, #tpu.memory_space<vmem>>) semaphore(%run_scoped3A : memref<!tpu.dma_semaphore, #tpu.memory_space<semaphore_mem>>) {add = true}
          %dma_wait3A_199 = arith.constant 0 : i32
          %dma_wait3A_200 = tpu.memref_slice %arg7[%scan3A_150, %dma_wait3A_199] : memref<40x128xi32, #tpu.memory_space<vmem>> -> memref<1x128xi32, #tpu.memory_space<vmem>>
          %dma_wait3A_201 = tpu.memref_squeeze %dma_wait3A_200 : memref<1x128xi32, #tpu.memory_space<vmem>> -> memref<128xi32, #tpu.memory_space<vmem>>
          %dma_wait3A_202 = arith.constant 0 : i32
          %dma_wait3A_203 = arith.constant 0 : i32
          %dma_wait3A_204 = tpu.memref_slice %arg10[%dma_wait3A_202, %dma_wait3A_203] : memref<10240x128xf32, #tpu.memory_space<vmem_shared>> -> memref<10240x128xf32, #tpu.memory_space<vmem_shared>>
          tpu.wait_indirect_dma semaphore(%run_scoped3A : memref<!tpu.dma_semaphore, #tpu.memory_space<semaphore_mem>>) src(%arg9 : memref<128x128xf32, #tpu.memory_space<vmem>>) dst(%dma_wait3A_204 : memref<10240x128xf32, #tpu.memory_space<vmem_shared>>)
          tpu.yield
        }) : () -> ()
      } else {
      }
      %scan3A_186 = arith.constant 0 : i32
      scf.yield %scan3A_186 : i32
    }
    %scan3A_130 = arith.constant 40 : i32
    "tpu.region"() ({
      %run_scoped3A = tpu.sem_alloc : memref<!tpu.dma_semaphore, #tpu.memory_space<semaphore_mem>>
      %dma_start3A_150 = arith.constant 40 : i32
      %dma_start3A_151 = arith.constant 0 : i32
      %dma_start3A_152 = tpu.memref_slice %arg3[%add3A, %dma_start3A_150, %dma_start3A_151] : memref<32x80x128xi32, #tpu.memory_space<hbm>> -> memref<1x40x128xi32, #tpu.memory_space<hbm>>
      %dma_start3A_153 = tpu.memref_squeeze %dma_start3A_152 : memref<1x40x128xi32, #tpu.memory_space<hbm>> -> memref<40x128xi32, #tpu.memory_space<hbm>>
      %dma_start3A_154 = arith.constant 40 : i32
      %dma_start3A_155 = arith.constant 0 : i32
      %dma_start3A_156 = tpu.memref_slice %arg3[%add3A, %dma_start3A_154, %dma_start3A_155] : memref<32x80x128xi32, #tpu.memory_space<hbm>> -> memref<1x40x128xi32, #tpu.memory_space<hbm>>
      %dma_start3A_157 = tpu.memref_squeeze %dma_start3A_156 : memref<1x40x128xi32, #tpu.memory_space<hbm>> -> memref<40x128xi32, #tpu.memory_space<hbm>>
      tpu.enqueue_dma source(%dma_start3A_157 : memref<40x128xi32, #tpu.memory_space<hbm>>) target(%arg6 : memref<40x128xi32, #tpu.memory_space<vmem>>) target_semaphore(%run_scoped3A : memref<!tpu.dma_semaphore, #tpu.memory_space<semaphore_mem>>)
      %dma_wait3A_158 = arith.constant 40 : i32
      %dma_wait3A_159 = arith.constant 0 : i32
      %dma_wait3A_160 = tpu.memref_slice %arg3[%add3A, %dma_wait3A_158, %dma_wait3A_159] : memref<32x80x128xi32, #tpu.memory_space<hbm>> -> memref<1x40x128xi32, #tpu.memory_space<hbm>>
      %dma_wait3A_161 = tpu.memref_squeeze %dma_wait3A_160 : memref<1x40x128xi32, #tpu.memory_space<hbm>> -> memref<40x128xi32, #tpu.memory_space<hbm>>
      %dma_wait3A_162 = arith.constant 40 : i32
      %dma_wait3A_163 = arith.constant 0 : i32
      %dma_wait3A_164 = tpu.memref_slice %arg3[%add3A, %dma_wait3A_162, %dma_wait3A_163] : memref<32x80x128xi32, #tpu.memory_space<hbm>> -> memref<1x40x128xi32, #tpu.memory_space<hbm>>
      %dma_wait3A_165 = tpu.memref_squeeze %dma_wait3A_164 : memref<1x40x128xi32, #tpu.memory_space<hbm>> -> memref<40x128xi32, #tpu.memory_space<hbm>>
      tpu.wait_dma2 semaphore(%run_scoped3A : memref<!tpu.dma_semaphore, #tpu.memory_space<semaphore_mem>>) src(%dma_wait3A_165 : memref<40x128xi32, #tpu.memory_space<hbm>>) dst(%arg6 : memref<40x128xi32, #tpu.memory_space<vmem>>)
      tpu.yield
    }) : () -> ()
    "tpu.region"() ({
      %run_scoped3A = tpu.sem_alloc : memref<!tpu.dma_semaphore, #tpu.memory_space<semaphore_mem>>
      %dma_start3A_150 = arith.constant 40 : i32
      %dma_start3A_151 = arith.constant 0 : i32
      %dma_start3A_152 = tpu.memref_slice %arg4[%add3A, %dma_start3A_150, %dma_start3A_151] : memref<32x80x128xi32, #tpu.memory_space<hbm>> -> memref<1x40x128xi32, #tpu.memory_space<hbm>>
      %dma_start3A_153 = tpu.memref_squeeze %dma_start3A_152 : memref<1x40x128xi32, #tpu.memory_space<hbm>> -> memref<40x128xi32, #tpu.memory_space<hbm>>
      %dma_start3A_154 = arith.constant 40 : i32
      %dma_start3A_155 = arith.constant 0 : i32
      %dma_start3A_156 = tpu.memref_slice %arg4[%add3A, %dma_start3A_154, %dma_start3A_155] : memref<32x80x128xi32, #tpu.memory_space<hbm>> -> memref<1x40x128xi32, #tpu.memory_space<hbm>>
      %dma_start3A_157 = tpu.memref_squeeze %dma_start3A_156 : memref<1x40x128xi32, #tpu.memory_space<hbm>> -> memref<40x128xi32, #tpu.memory_space<hbm>>
      tpu.enqueue_dma source(%dma_start3A_157 : memref<40x128xi32, #tpu.memory_space<hbm>>) target(%arg7 : memref<40x128xi32, #tpu.memory_space<vmem>>) target_semaphore(%run_scoped3A : memref<!tpu.dma_semaphore, #tpu.memory_space<semaphore_mem>>)
      %dma_wait3A_158 = arith.constant 40 : i32
      %dma_wait3A_159 = arith.constant 0 : i32
      %dma_wait3A_160 = tpu.memref_slice %arg4[%add3A, %dma_wait3A_158, %dma_wait3A_159] : memref<32x80x128xi32, #tpu.memory_space<hbm>> -> memref<1x40x128xi32, #tpu.memory_space<hbm>>
      %dma_wait3A_161 = tpu.memref_squeeze %dma_wait3A_160 : memref<1x40x128xi32, #tpu.memory_space<hbm>> -> memref<40x128xi32, #tpu.memory_space<hbm>>
      %dma_wait3A_162 = arith.constant 40 : i32
      %dma_wait3A_163 = arith.constant 0 : i32
      %dma_wait3A_164 = tpu.memref_slice %arg4[%add3A, %dma_wait3A_162, %dma_wait3A_163] : memref<32x80x128xi32, #tpu.memory_space<hbm>> -> memref<1x40x128xi32, #tpu.memory_space<hbm>>
      %dma_wait3A_165 = tpu.memref_squeeze %dma_wait3A_164 : memref<1x40x128xi32, #tpu.memory_space<hbm>> -> memref<40x128xi32, #tpu.memory_space<hbm>>
      tpu.wait_dma2 semaphore(%run_scoped3A : memref<!tpu.dma_semaphore, #tpu.memory_space<semaphore_mem>>) src(%dma_wait3A_165 : memref<40x128xi32, #tpu.memory_space<hbm>>) dst(%arg7 : memref<40x128xi32, #tpu.memory_space<vmem>>)
      tpu.yield
    }) : () -> ()
    %dma_start3A_131 = arith.constant 0 : i32
    %dma_start3A_132 = arith.constant 0 : i32
    %dma_start3A_133 = tpu.memref_slice %arg6[%dma_start3A_131, %dma_start3A_132] : memref<40x128xi32, #tpu.memory_space<vmem>> -> memref<1x128xi32, #tpu.memory_space<vmem>>
    %dma_start3A_134 = tpu.memref_squeeze %dma_start3A_133 : memref<1x128xi32, #tpu.memory_space<vmem>> -> memref<128xi32, #tpu.memory_space<vmem>>
    %dma_start3A_135 = arith.constant 0 : i32
    %dma_start3A_136 = arith.constant 0 : i32
    %dma_start3A_137 = tpu.memref_slice %arg2[%dma_start3A_135, %dma_start3A_136] : memref<10240x128xf32, #tpu.memory_space<hbm>> -> memref<10240x128xf32, #tpu.memory_space<hbm>>
    tpu.enqueue_indirect_dma source(%dma_start3A_137 : memref<10240x128xf32, #tpu.memory_space<hbm>>) target(%arg8 : memref<128x128xf32, #tpu.memory_space<vmem>>) offsets(%dma_start3A_134 : memref<128xi32, #tpu.memory_space<vmem>>) semaphore(%arg11 : memref<!tpu.dma_semaphore, #tpu.memory_space<semaphore_mem>>)
    %scan3A_138 = arith.constant 0 : i32
    %scan3A_139 = arith.constant 0 : i32
    %scan3A_140 = arith.constant 40 : i32
    %scan3A_141 = arith.addi %scan3A_139, %scan3A_140 : i32
    %scan3A_142 = arith.constant 1 : i32
    %scan3A_143 = scf.for %scan3A_150 = %scan3A_139 to %scan3A_141 step %scan3A_142 iter_args(%scan3A_151 = %scan3A_138) -> (i32)  : i32 {
      %jit3A = arith.constant 2 : i32
      %eq3A = arith.constant 0 : i32
      %eq3A_152 = arith.cmpi eq, %jit3A, %eq3A : i32
      %jit3A_153 = arith.constant 1 : i32
      %select_n3A = arith.select %eq3A_152, %jit3A_153, %jit3A : i32
      %rem3A = arith.remsi %scan3A_150, %select_n3A : i32
      %ne3A = arith.constant 0 : i32
      %ne3A_154 = arith.cmpi ne, %rem3A, %ne3A : i32
      %lt3A = arith.constant 0 : i32
      %lt3A_155 = arith.cmpi slt, %rem3A, %lt3A : i32
      %lt3A_156 = arith.constant 0 : i32
      %lt3A_157 = arith.cmpi slt, %select_n3A, %lt3A_156 : i32
      %ne3A_158 = arith.xori %lt3A_155, %lt3A_157 : i1
      %and3A = arith.andi %ne3A_158, %ne3A_154 : i1
      %add3A_159 = arith.addi %rem3A, %select_n3A : i32
      %select_n3A_160 = arith.select %and3A, %add3A_159, %rem3A : i32
      %eq3A_161 = arith.constant 0 : i32
      %eq3A_162 = arith.cmpi eq, %select_n3A_160, %eq3A_161 : i32
      %add3A_163 = arith.constant 1 : i32
      %add3A_164 = arith.addi %scan3A_150, %add3A_163 : i32
      %lt3A_165 = arith.constant 40 : i32
      %lt3A_166 = arith.cmpi slt, %add3A_164, %lt3A_165 : i32
      %and3A_167 = arith.andi %eq3A_162, %lt3A_166 : i1
      %convert_element_type3A = arith.extui %and3A_167 : i1 to i32
      %cond3A = arith.constant 0 : i32
      %cond3A_168 = arith.cmpi ne, %convert_element_type3A, %cond3A : i32
      scf.if %cond3A_168 {
        %add3A_187 = arith.constant 1 : i32
        %add3A_188 = arith.addi %scan3A_150, %add3A_187 : i32
        %dma_start3A_189 = arith.constant 0 : i32
        %dma_start3A_190 = tpu.memref_slice %arg6[%add3A_188, %dma_start3A_189] : memref<40x128xi32, #tpu.memory_space<vmem>> -> memref<1x128xi32, #tpu.memory_space<vmem>>
        %dma_start3A_191 = tpu.memref_squeeze %dma_start3A_190 : memref<1x128xi32, #tpu.memory_space<vmem>> -> memref<128xi32, #tpu.memory_space<vmem>>
        %dma_start3A_192 = arith.constant 0 : i32
        %dma_start3A_193 = arith.constant 0 : i32
        %dma_start3A_194 = tpu.memref_slice %arg2[%dma_start3A_192, %dma_start3A_193] : memref<10240x128xf32, #tpu.memory_space<hbm>> -> memref<10240x128xf32, #tpu.memory_space<hbm>>
        tpu.enqueue_indirect_dma source(%dma_start3A_194 : memref<10240x128xf32, #tpu.memory_space<hbm>>) target(%arg9 : memref<128x128xf32, #tpu.memory_space<vmem>>) offsets(%dma_start3A_191 : memref<128xi32, #tpu.memory_space<vmem>>) semaphore(%arg12 : memref<!tpu.dma_semaphore, #tpu.memory_space<semaphore_mem>>)
      } else {
      }
      %not3A = arith.constant true
      %not3A_169 = arith.xori %eq3A_162, %not3A : i1
      %add3A_170 = arith.constant 1 : i32
      %add3A_171 = arith.addi %scan3A_150, %add3A_170 : i32
      %lt3A_172 = arith.constant 40 : i32
      %lt3A_173 = arith.cmpi slt, %add3A_171, %lt3A_172 : i32
      %and3A_174 = arith.andi %not3A_169, %lt3A_173 : i1
      %convert_element_type3A_175 = arith.extui %and3A_174 : i1 to i32
      %cond3A_176 = arith.constant 0 : i32
      %cond3A_177 = arith.cmpi ne, %convert_element_type3A_175, %cond3A_176 : i32
      scf.if %cond3A_177 {
        %add3A_187 = arith.constant 1 : i32
        %add3A_188 = arith.addi %scan3A_150, %add3A_187 : i32
        %dma_start3A_189 = arith.constant 0 : i32
        %dma_start3A_190 = tpu.memref_slice %arg6[%add3A_188, %dma_start3A_189] : memref<40x128xi32, #tpu.memory_space<vmem>> -> memref<1x128xi32, #tpu.memory_space<vmem>>
        %dma_start3A_191 = tpu.memref_squeeze %dma_start3A_190 : memref<1x128xi32, #tpu.memory_space<vmem>> -> memref<128xi32, #tpu.memory_space<vmem>>
        %dma_start3A_192 = arith.constant 0 : i32
        %dma_start3A_193 = arith.constant 0 : i32
        %dma_start3A_194 = tpu.memref_slice %arg2[%dma_start3A_192, %dma_start3A_193] : memref<10240x128xf32, #tpu.memory_space<hbm>> -> memref<10240x128xf32, #tpu.memory_space<hbm>>
        tpu.enqueue_indirect_dma source(%dma_start3A_194 : memref<10240x128xf32, #tpu.memory_space<hbm>>) target(%arg8 : memref<128x128xf32, #tpu.memory_space<vmem>>) offsets(%dma_start3A_191 : memref<128xi32, #tpu.memory_space<vmem>>) semaphore(%arg11 : memref<!tpu.dma_semaphore, #tpu.memory_space<semaphore_mem>>)
      } else {
      }
      %convert_element_type3A_178 = arith.extui %eq3A_162 : i1 to i32
      %cond3A_179 = arith.constant 0 : i32
      %cond3A_180 = arith.cmpi ne, %convert_element_type3A_178, %cond3A_179 : i32
      scf.if %cond3A_180 {
        %dma_wait3A_187 = arith.constant 0 : i32
        %dma_wait3A_188 = tpu.memref_slice %arg6[%scan3A_150, %dma_wait3A_187] : memref<40x128xi32, #tpu.memory_space<vmem>> -> memref<1x128xi32, #tpu.memory_space<vmem>>
        %dma_wait3A_189 = tpu.memref_squeeze %dma_wait3A_188 : memref<1x128xi32, #tpu.memory_space<vmem>> -> memref<128xi32, #tpu.memory_space<vmem>>
        %dma_wait3A_190 = arith.constant 0 : i32
        %dma_wait3A_191 = arith.constant 0 : i32
        %dma_wait3A_192 = tpu.memref_slice %arg2[%dma_wait3A_190, %dma_wait3A_191] : memref<10240x128xf32, #tpu.memory_space<hbm>> -> memref<10240x128xf32, #tpu.memory_space<hbm>>
        tpu.wait_indirect_dma semaphore(%arg11 : memref<!tpu.dma_semaphore, #tpu.memory_space<semaphore_mem>>) src(%dma_wait3A_192 : memref<10240x128xf32, #tpu.memory_space<hbm>>) dst(%arg8 : memref<128x128xf32, #tpu.memory_space<vmem>>)
        "tpu.region"() ({
          %run_scoped3A = tpu.sem_alloc : memref<!tpu.dma_semaphore, #tpu.memory_space<semaphore_mem>>
          %dma_start3A_193 = arith.constant 0 : i32
          %dma_start3A_194 = tpu.memref_slice %arg7[%scan3A_150, %dma_start3A_193] : memref<40x128xi32, #tpu.memory_space<vmem>> -> memref<1x128xi32, #tpu.memory_space<vmem>>
          %dma_start3A_195 = tpu.memref_squeeze %dma_start3A_194 : memref<1x128xi32, #tpu.memory_space<vmem>> -> memref<128xi32, #tpu.memory_space<vmem>>
          %dma_start3A_196 = arith.constant 0 : i32
          %dma_start3A_197 = arith.constant 0 : i32
          %dma_start3A_198 = tpu.memref_slice %arg10[%dma_start3A_196, %dma_start3A_197] : memref<10240x128xf32, #tpu.memory_space<vmem_shared>> -> memref<10240x128xf32, #tpu.memory_space<vmem_shared>>
          tpu.enqueue_indirect_dma source(%arg8 : memref<128x128xf32, #tpu.memory_space<vmem>>) target(%dma_start3A_198 : memref<10240x128xf32, #tpu.memory_space<vmem_shared>>) offsets(%dma_start3A_195 : memref<128xi32, #tpu.memory_space<vmem>>) semaphore(%run_scoped3A : memref<!tpu.dma_semaphore, #tpu.memory_space<semaphore_mem>>) {add = true}
          %dma_wait3A_199 = arith.constant 0 : i32
          %dma_wait3A_200 = tpu.memref_slice %arg7[%scan3A_150, %dma_wait3A_199] : memref<40x128xi32, #tpu.memory_space<vmem>> -> memref<1x128xi32, #tpu.memory_space<vmem>>
          %dma_wait3A_201 = tpu.memref_squeeze %dma_wait3A_200 : memref<1x128xi32, #tpu.memory_space<vmem>> -> memref<128xi32, #tpu.memory_space<vmem>>
          %dma_wait3A_202 = arith.constant 0 : i32
          %dma_wait3A_203 = arith.constant 0 : i32
          %dma_wait3A_204 = tpu.memref_slice %arg10[%dma_wait3A_202, %dma_wait3A_203] : memref<10240x128xf32, #tpu.memory_space<vmem_shared>> -> memref<10240x128xf32, #tpu.memory_space<vmem_shared>>
          tpu.wait_indirect_dma semaphore(%run_scoped3A : memref<!tpu.dma_semaphore, #tpu.memory_space<semaphore_mem>>) src(%arg8 : memref<128x128xf32, #tpu.memory_space<vmem>>) dst(%dma_wait3A_204 : memref<10240x128xf32, #tpu.memory_space<vmem_shared>>)
          tpu.yield
        }) : () -> ()
      } else {
      }
      %not3A_181 = arith.constant true
      %not3A_182 = arith.xori %eq3A_162, %not3A_181 : i1
      %convert_element_type3A_183 = arith.extui %not3A_182 : i1 to i32
      %cond3A_184 = arith.constant 0 : i32
      %cond3A_185 = arith.cmpi ne, %convert_element_type3A_183, %cond3A_184 : i32
      scf.if %cond3A_185 {
        %dma_wait3A_187 = arith.constant 0 : i32
        %dma_wait3A_188 = tpu.memref_slice %arg6[%scan3A_150, %dma_wait3A_187] : memref<40x128xi32, #tpu.memory_space<vmem>> -> memref<1x128xi32, #tpu.memory_space<vmem>>
        %dma_wait3A_189 = tpu.memref_squeeze %dma_wait3A_188 : memref<1x128xi32, #tpu.memory_space<vmem>> -> memref<128xi32, #tpu.memory_space<vmem>>
        %dma_wait3A_190 = arith.constant 0 : i32
        %dma_wait3A_191 = arith.constant 0 : i32
        %dma_wait3A_192 = tpu.memref_slice %arg2[%dma_wait3A_190, %dma_wait3A_191] : memref<10240x128xf32, #tpu.memory_space<hbm>> -> memref<10240x128xf32, #tpu.memory_space<hbm>>
        tpu.wait_indirect_dma semaphore(%arg12 : memref<!tpu.dma_semaphore, #tpu.memory_space<semaphore_mem>>) src(%dma_wait3A_192 : memref<10240x128xf32, #tpu.memory_space<hbm>>) dst(%arg9 : memref<128x128xf32, #tpu.memory_space<vmem>>)
        "tpu.region"() ({
          %run_scoped3A = tpu.sem_alloc : memref<!tpu.dma_semaphore, #tpu.memory_space<semaphore_mem>>
          %dma_start3A_193 = arith.constant 0 : i32
          %dma_start3A_194 = tpu.memref_slice %arg7[%scan3A_150, %dma_start3A_193] : memref<40x128xi32, #tpu.memory_space<vmem>> -> memref<1x128xi32, #tpu.memory_space<vmem>>
          %dma_start3A_195 = tpu.memref_squeeze %dma_start3A_194 : memref<1x128xi32, #tpu.memory_space<vmem>> -> memref<128xi32, #tpu.memory_space<vmem>>
          %dma_start3A_196 = arith.constant 0 : i32
          %dma_start3A_197 = arith.constant 0 : i32
          %dma_start3A_198 = tpu.memref_slice %arg10[%dma_start3A_196, %dma_start3A_197] : memref<10240x128xf32, #tpu.memory_space<vmem_shared>> -> memref<10240x128xf32, #tpu.memory_space<vmem_shared>>
          tpu.enqueue_indirect_dma source(%arg9 : memref<128x128xf32, #tpu.memory_space<vmem>>) target(%dma_start3A_198 : memref<10240x128xf32, #tpu.memory_space<vmem_shared>>) offsets(%dma_start3A_195 : memref<128xi32, #tpu.memory_space<vmem>>) semaphore(%run_scoped3A : memref<!tpu.dma_semaphore, #tpu.memory_space<semaphore_mem>>) {add = true}
          %dma_wait3A_199 = arith.constant 0 : i32
          %dma_wait3A_200 = tpu.memref_slice %arg7[%scan3A_150, %dma_wait3A_199] : memref<40x128xi32, #tpu.memory_space<vmem>> -> memref<1x128xi32, #tpu.memory_space<vmem>>
          %dma_wait3A_201 = tpu.memref_squeeze %dma_wait3A_200 : memref<1x128xi32, #tpu.memory_space<vmem>> -> memref<128xi32, #tpu.memory_space<vmem>>
          %dma_wait3A_202 = arith.constant 0 : i32
          %dma_wait3A_203 = arith.constant 0 : i32
          %dma_wait3A_204 = tpu.memref_slice %arg10[%dma_wait3A_202, %dma_wait3A_203] : memref<10240x128xf32, #tpu.memory_space<vmem_shared>> -> memref<10240x128xf32, #tpu.memory_space<vmem_shared>>
          tpu.wait_indirect_dma semaphore(%run_scoped3A : memref<!tpu.dma_semaphore, #tpu.memory_space<semaphore_mem>>) src(%arg9 : memref<128x128xf32, #tpu.memory_space<vmem>>) dst(%dma_wait3A_204 : memref<10240x128xf32, #tpu.memory_space<vmem_shared>>)
          tpu.yield
        }) : () -> ()
      } else {
      }
      %scan3A_186 = arith.constant 0 : i32
      scf.yield %scan3A_186 : i32
    }
    %scan3A_144 = arith.constant 40 : i32
    %barrier3A_145 = arith.constant 0 : index
    tpu.barrier barrier_id(%barrier3A_145)
    %mul3A_146 = arith.constant 640 : i32
    %mul3A_147 = arith.muli %arg1, %mul3A_146 : i32
    %mul3A_148 = arith.constant 640 : i32
    %mul3A_149 = arith.muli %arg1, %mul3A_148 : i32
    "tpu.region"() ({
      %run_scoped3A = tpu.sem_alloc : memref<!tpu.dma_semaphore, #tpu.memory_space<semaphore_mem>>
      %dma_start3A_150 = arith.constant 0 : i32
      %dma_start3A_151 = tpu.memref_slice %arg5[%arg0, %mul3A_149, %dma_start3A_150] : memref<2x10240x128xf32, #tpu.memory_space<hbm>> -> memref<1x640x128xf32, #tpu.memory_space<hbm>>
      %dma_start3A_152 = tpu.memref_squeeze %dma_start3A_151 : memref<1x640x128xf32, #tpu.memory_space<hbm>> -> memref<640x128xf32, #tpu.memory_space<hbm>>
      %dma_start3A_153 = arith.constant 0 : i32
      %dma_start3A_154 = tpu.memref_slice %arg10[%mul3A_147, %dma_start3A_153] : memref<10240x128xf32, #tpu.memory_space<vmem_shared>> -> memref<640x128xf32, #tpu.memory_space<vmem_shared>>
      tpu.enqueue_dma source(%dma_start3A_154 : memref<640x128xf32, #tpu.memory_space<vmem_shared>>) target(%dma_start3A_152 : memref<640x128xf32, #tpu.memory_space<hbm>>) target_semaphore(%run_scoped3A : memref<!tpu.dma_semaphore, #tpu.memory_space<semaphore_mem>>)
      %dma_wait3A_155 = arith.constant 0 : i32
      %dma_wait3A_156 = tpu.memref_slice %arg5[%arg0, %mul3A_149, %dma_wait3A_155] : memref<2x10240x128xf32, #tpu.memory_space<hbm>> -> memref<1x640x128xf32, #tpu.memory_space<hbm>>
      %dma_wait3A_157 = tpu.memref_squeeze %dma_wait3A_156 : memref<1x640x128xf32, #tpu.memory_space<hbm>> -> memref<640x128xf32, #tpu.memory_space<hbm>>
      %dma_wait3A_158 = arith.constant 0 : i32
      %dma_wait3A_159 = tpu.memref_slice %arg10[%mul3A_147, %dma_wait3A_158] : memref<10240x128xf32, #tpu.memory_space<vmem_shared>> -> memref<640x128xf32, #tpu.memory_space<vmem_shared>>
      tpu.wait_dma2 semaphore(%run_scoped3A : memref<!tpu.dma_semaphore, #tpu.memory_space<semaphore_mem>>) src(%dma_wait3A_159 : memref<640x128xf32, #tpu.memory_space<vmem_shared>>) dst(%dma_wait3A_157 : memref<640x128xf32, #tpu.memory_space<hbm>>)
      tpu.yield
    }) : () -> ()
    return
  }
}

module attributes {stable_mosaic.version = 14 : i64} {
  func.func @_prep_body(%arg0: i32, %arg1: memref<640x128xf32, #tpu.memory_space<vmem>>, %arg2: memref<128x128xf32, #tpu.memory_space<vmem>>, %arg3: memref<32x640xf32, #tpu.memory_space<vmem>>, %arg4: memref<640x128xf32, #tpu.memory_space<vmem>>, %arg5: memref<640x1xf32, #tpu.memory_space<vmem>>) attributes {dimension_semantics = [#tpu.dimension_semantics<arbitrary>], iteration_bounds = array<i64: 16>, scalar_prefetch = 0 : i64, scratch_operands = 0 : i64, tpu.core_type = #tpu.core_type<tc>, window_params = [{transform_indices = @transform_0, window_bounds = array<i64: 640, 128>}, {pipeline_mode = #tpu.pipeline_mode<synchronous>, transform_indices = @transform_1, window_bounds = array<i64: 128, 128>}, {transform_indices = @transform_2, window_bounds = array<i64: 32, 640>}, {transform_indices = @transform_3, window_bounds = array<i64: 640, 128>}, {transform_indices = @transform_4, window_bounds = array<i64: 640, 1>}]} {
    %get3A = arith.constant 0 : index
    %get3A_0 = arith.constant 0 : index
    %get3A_1 = vector.load %arg3[%get3A, %get3A_0] : memref<32x640xf32, #tpu.memory_space<vmem>>, vector<32x640xf32>
    %reduce_sum3A = arith.constant dense<0.000000e+00> : vector<640xf32>
    %reduce_sum3A_2 = vector.multi_reduction <add>, %get3A_1, %reduce_sum3A [0] : vector<32x640xf32> to vector<640xf32>
    %add3A = arith.constant 1.000000e+00 : f32
    %add3A_3 = vector.broadcast %add3A : f32 to vector<640xf32>
    %add3A_4 = arith.addf %reduce_sum3A_2, %add3A_3 : vector<640xf32>
    %rsqrt3A = math.rsqrt %add3A_4 : vector<640xf32>
    %broadcast_in_dim3A = vector.shape_cast %rsqrt3A : vector<640xf32> to vector<640x1xf32>
    %get3A_5 = arith.constant 0 : index
    %get3A_6 = arith.constant 0 : index
    %get3A_7 = vector.load %arg1[%get3A_5, %get3A_6] : memref<640x128xf32, #tpu.memory_space<vmem>>, vector<640x128xf32>
    %get3A_8 = arith.constant 0 : index
    %get3A_9 = arith.constant 0 : index
    %get3A_10 = vector.load %arg2[%get3A_8, %get3A_9] : memref<128x128xf32, #tpu.memory_space<vmem>>, vector<128x128xf32>
    %dot_general3A = arith.constant dense<0.000000e+00> : vector<640x128xf32>
    %dot_general3A_11 = tpu.matmul %get3A_7, %get3A_10, %dot_general3A {dimension_numbers = #tpu.dot_dimension_numbers<[1], [0], [0], [1], [0, 0, 1, 1], [], []>, transpose_lhs_hint = false} : vector<640x128xf32>, vector<128x128xf32>, vector<640x128xf32> -> vector<640x128xf32>
    %mul3A = vector.broadcast %broadcast_in_dim3A : vector<640x1xf32> to vector<640x128xf32>
    %mul3A_12 = arith.mulf %dot_general3A_11, %mul3A : vector<640x128xf32>
    %swap3A = arith.constant 0 : index
    %swap3A_13 = arith.constant 0 : index
    %swap3A_14 = vector.load %arg4[%swap3A, %swap3A_13] : memref<640x128xf32, #tpu.memory_space<vmem>>, vector<640x128xf32>
    tpu.vector_store %arg4[%swap3A, %swap3A_13], %mul3A_12 {strides = array<i32>} : memref<640x128xf32, #tpu.memory_space<vmem>>, vector<640x128xf32>,
    %swap3A_15 = arith.constant 0 : index
    %swap3A_16 = arith.constant 0 : index
    %swap3A_17 = vector.load %arg5[%swap3A_15, %swap3A_16] : memref<640x1xf32, #tpu.memory_space<vmem>>, vector<640x1xf32>
    tpu.vector_store %arg5[%swap3A_15, %swap3A_16], %broadcast_in_dim3A {strides = array<i32>} : memref<640x1xf32, #tpu.memory_space<vmem>>, vector<640x1xf32>,
    return
  }
  func.func @transform_0(%arg0: i32) -> (i32, i32) {
    %c0_i32 = arith.constant 0 : i32
    %c0_i32_0 = arith.constant 0 : i32
    return %arg0, %c0_i32 : i32, i32
  }
  func.func @transform_1(%arg0: i32) -> (i32, i32) {
    %c0_i32 = arith.constant 0 : i32
    %c0_i32_0 = arith.constant 0 : i32
    %c0_i32_1 = arith.constant 0 : i32
    return %c0_i32, %c0_i32_0 : i32, i32
  }
  func.func @transform_2(%arg0: i32) -> (i32, i32) {
    %c0_i32 = arith.constant 0 : i32
    %c0_i32_0 = arith.constant 0 : i32
    return %c0_i32, %arg0 : i32, i32
  }
  func.func @transform_3(%arg0: i32) -> (i32, i32) {
    %c0_i32 = arith.constant 0 : i32
    %c0_i32_0 = arith.constant 0 : i32
    return %arg0, %c0_i32 : i32, i32
  }
  func.func @transform_4(%arg0: i32) -> (i32, i32) {
    %c0_i32 = arith.constant 0 : i32
    %c0_i32_0 = arith.constant 0 : i32
    return %arg0, %c0_i32 : i32, i32
  }
}

module attributes {stable_mosaic.version = 14 : i64} {
  func.func @_fin_body(%arg0: i32, %arg1: memref<2x1000x128xf32, #tpu.memory_space<vmem>>, %arg2: memref<1000x128xf32, #tpu.memory_space<vmem>>, %arg3: memref<1000x1xf32, #tpu.memory_space<vmem>>, %arg4: memref<1x128xf32, #tpu.memory_space<vmem>>, %arg5: memref<1000x128xf32, #tpu.memory_space<vmem>>) attributes {dimension_semantics = [#tpu.dimension_semantics<arbitrary>], iteration_bounds = array<i64: 10>, scalar_prefetch = 0 : i64, scratch_operands = 0 : i64, tpu.core_type = #tpu.core_type<tc>, window_params = [{transform_indices = @transform_0, window_bounds = array<i64: 2, 1000, 128>}, {transform_indices = @transform_1, window_bounds = array<i64: 1000, 128>}, {transform_indices = @transform_2, window_bounds = array<i64: 1000, 1>}, {pipeline_mode = #tpu.pipeline_mode<synchronous>, transform_indices = @transform_3, window_bounds = array<i64: 1, 128>}, {transform_indices = @transform_4, window_bounds = array<i64: 1000, 128>}]} {
    %get3A = arith.constant 0 : index
    %get3A_0 = arith.constant 0 : index
    %get3A_1 = arith.constant 0 : index
    %get3A_2 = vector.load %arg1[%get3A, %get3A_0, %get3A_1] : memref<2x1000x128xf32, #tpu.memory_space<vmem>>, vector<1x1000x128xf32>
    %get3A_3 = vector.shape_cast %get3A_2 : vector<1x1000x128xf32> to vector<1000x128xf32>
    %get3A_4 = arith.constant 1 : index
    %get3A_5 = arith.constant 0 : index
    %get3A_6 = arith.constant 0 : index
    %get3A_7 = vector.load %arg1[%get3A_4, %get3A_5, %get3A_6] : memref<2x1000x128xf32, #tpu.memory_space<vmem>>, vector<1x1000x128xf32>
    %get3A_8 = vector.shape_cast %get3A_7 : vector<1x1000x128xf32> to vector<1000x128xf32>
    %add3A = arith.addf %get3A_3, %get3A_8 : vector<1000x128xf32>
    %get3A_9 = arith.constant 0 : index
    %get3A_10 = arith.constant 0 : index
    %get3A_11 = vector.load %arg2[%get3A_9, %get3A_10] : memref<1000x128xf32, #tpu.memory_space<vmem>>, vector<1000x128xf32>
    %add3A_12 = arith.addf %add3A, %get3A_11 : vector<1000x128xf32>
    %get3A_13 = arith.constant 0 : index
    %get3A_14 = arith.constant 0 : index
    %get3A_15 = vector.load %arg3[%get3A_13, %get3A_14] : memref<1000x1xf32, #tpu.memory_space<vmem>>, vector<1000x1xf32>
    %mul3A = vector.broadcast %get3A_15 : vector<1000x1xf32> to vector<1000x128xf32>
    %mul3A_16 = arith.mulf %add3A_12, %mul3A : vector<1000x128xf32>
    %get3A_17 = arith.constant 0 : index
    %get3A_18 = arith.constant 0 : index
    %get3A_19 = vector.load %arg4[%get3A_17, %get3A_18] : memref<1x128xf32, #tpu.memory_space<vmem>>, vector<1x128xf32>
    %add3A_20 = vector.broadcast %get3A_19 : vector<1x128xf32> to vector<1000x128xf32>
    %add3A_21 = arith.addf %mul3A_16, %add3A_20 : vector<1000x128xf32>
    %swap3A = arith.constant 0 : index
    %swap3A_22 = arith.constant 0 : index
    %swap3A_23 = vector.load %arg5[%swap3A, %swap3A_22] : memref<1000x128xf32, #tpu.memory_space<vmem>>, vector<1000x128xf32>
    tpu.vector_store %arg5[%swap3A, %swap3A_22], %add3A_21 {strides = array<i32>} : memref<1000x128xf32, #tpu.memory_space<vmem>>, vector<1000x128xf32>,
    return
  }
  func.func @transform_0(%arg0: i32) -> (i32, i32, i32) {
    %c0_i32 = arith.constant 0 : i32
    %c0_i32_0 = arith.constant 0 : i32
    %c0_i32_1 = arith.constant 0 : i32
    return %c0_i32, %arg0, %c0_i32_0 : i32, i32, i32
  }
  func.func @transform_1(%arg0: i32) -> (i32, i32) {
    %c0_i32 = arith.constant 0 : i32
    %c0_i32_0 = arith.constant 0 : i32
    return %arg0, %c0_i32 : i32, i32
  }
  func.func @transform_2(%arg0: i32) -> (i32, i32) {
    %c0_i32 = arith.constant 0 : i32
    %c0_i32_0 = arith.constant 0 : i32
    return %arg0, %c0_i32 : i32, i32
  }
  func.func @transform_3(%arg0: i32) -> (i32, i32) {
    %c0_i32 = arith.constant 0 : i32
    %c0_i32_0 = arith.constant 0 : i32
    %c0_i32_1 = arith.constant 0 : i32
    return %c0_i32, %c0_i32_0 : i32, i32
  }
  func.func @transform_4(%arg0: i32) -> (i32, i32) {
    %c0_i32 = arith.constant 0 : i32
    %c0_i32_0 = arith.constant 0 : i32
    return %arg0, %c0_i32 : i32, i32
  }
}

module attributes {stable_mosaic.version = 14 : i64} {
  func.func @_mid_body(%arg0: i32, %arg1: memref<2x640x128xf32, #tpu.memory_space<vmem>>, %arg2: memref<640x128xf32, #tpu.memory_space<vmem>>, %arg3: memref<640x1xf32, #tpu.memory_space<vmem>>, %arg4: memref<1x128xf32, #tpu.memory_space<vmem>>, %arg5: memref<128x128xf32, #tpu.memory_space<vmem>>, %arg6: memref<640x128xf32, #tpu.memory_space<vmem>>) attributes {dimension_semantics = [#tpu.dimension_semantics<arbitrary>], iteration_bounds = array<i64: 16>, scalar_prefetch = 0 : i64, scratch_operands = 0 : i64, tpu.core_type = #tpu.core_type<tc>, window_params = [{transform_indices = @transform_0, window_bounds = array<i64: 2, 640, 128>}, {transform_indices = @transform_1, window_bounds = array<i64: 640, 128>}, {transform_indices = @transform_2, window_bounds = array<i64: 640, 1>}, {pipeline_mode = #tpu.pipeline_mode<synchronous>, transform_indices = @transform_3, window_bounds = array<i64: 1, 128>}, {pipeline_mode = #tpu.pipeline_mode<synchronous>, transform_indices = @transform_4, window_bounds = array<i64: 128, 128>}, {transform_indices = @transform_5, window_bounds = array<i64: 640, 128>}]} {
    %get3A = arith.constant 0 : index
    %get3A_0 = arith.constant 0 : index
    %get3A_1 = arith.constant 0 : index
    %get3A_2 = vector.load %arg1[%get3A, %get3A_0, %get3A_1] : memref<2x640x128xf32, #tpu.memory_space<vmem>>, vector<1x640x128xf32>
    %get3A_3 = vector.shape_cast %get3A_2 : vector<1x640x128xf32> to vector<640x128xf32>
    %get3A_4 = arith.constant 1 : index
    %get3A_5 = arith.constant 0 : index
    %get3A_6 = arith.constant 0 : index
    %get3A_7 = vector.load %arg1[%get3A_4, %get3A_5, %get3A_6] : memref<2x640x128xf32, #tpu.memory_space<vmem>>, vector<1x640x128xf32>
    %get3A_8 = vector.shape_cast %get3A_7 : vector<1x640x128xf32> to vector<640x128xf32>
    %add3A = arith.addf %get3A_3, %get3A_8 : vector<640x128xf32>
    %get3A_9 = arith.constant 0 : index
    %get3A_10 = arith.constant 0 : index
    %get3A_11 = vector.load %arg2[%get3A_9, %get3A_10] : memref<640x128xf32, #tpu.memory_space<vmem>>, vector<640x128xf32>
    %add3A_12 = arith.addf %add3A, %get3A_11 : vector<640x128xf32>
    %get3A_13 = arith.constant 0 : index
    %get3A_14 = arith.constant 0 : index
    %get3A_15 = vector.load %arg3[%get3A_13, %get3A_14] : memref<640x1xf32, #tpu.memory_space<vmem>>, vector<640x1xf32>
    %mul3A = vector.broadcast %get3A_15 : vector<640x1xf32> to vector<640x128xf32>
    %mul3A_16 = arith.mulf %add3A_12, %mul3A : vector<640x128xf32>
    %get3A_17 = arith.constant 0 : index
    %get3A_18 = arith.constant 0 : index
    %get3A_19 = vector.load %arg4[%get3A_17, %get3A_18] : memref<1x128xf32, #tpu.memory_space<vmem>>, vector<1x128xf32>
    %add3A_20 = vector.broadcast %get3A_19 : vector<1x128xf32> to vector<640x128xf32>
    %add3A_21 = arith.addf %mul3A_16, %add3A_20 : vector<640x128xf32>
    %max3A = arith.constant 0.000000e+00 : f32
    %max3A_22 = vector.broadcast %max3A : f32 to vector<640x128xf32>
    %max3A_23 = arith.maximumf %add3A_21, %max3A_22 : vector<640x128xf32>
    %get3A_24 = arith.constant 0 : index
    %get3A_25 = arith.constant 0 : index
    %get3A_26 = vector.load %arg5[%get3A_24, %get3A_25] : memref<128x128xf32, #tpu.memory_space<vmem>>, vector<128x128xf32>
    %dot_general3A = arith.constant dense<0.000000e+00> : vector<640x128xf32>
    %dot_general3A_27 = tpu.matmul %max3A_23, %get3A_26, %dot_general3A {dimension_numbers = #tpu.dot_dimension_numbers<[1], [0], [0], [1], [0, 0, 1, 1], [], []>, transpose_lhs_hint = false} : vector<640x128xf32>, vector<128x128xf32>, vector<640x128xf32> -> vector<640x128xf32>
    %get3A_28 = arith.constant 0 : index
    %get3A_29 = arith.constant 0 : index
    %get3A_30 = vector.load %arg3[%get3A_28, %get3A_29] : memref<640x1xf32, #tpu.memory_space<vmem>>, vector<640x1xf32>
    %mul3A_31 = vector.broadcast %get3A_30 : vector<640x1xf32> to vector<640x128xf32>
    %mul3A_32 = arith.mulf %dot_general3A_27, %mul3A_31 : vector<640x128xf32>
    %swap3A = arith.constant 0 : index
    %swap3A_33 = arith.constant 0 : index
    %swap3A_34 = vector.load %arg6[%swap3A, %swap3A_33] : memref<640x128xf32, #tpu.memory_space<vmem>>, vector<640x128xf32>
    tpu.vector_store %arg6[%swap3A, %swap3A_33], %mul3A_32 {strides = array<i32>} : memref<640x128xf32, #tpu.memory_space<vmem>>, vector<640x128xf32>,
    return
  }
  func.func @transform_0(%arg0: i32) -> (i32, i32, i32) {
    %c0_i32 = arith.constant 0 : i32
    %c0_i32_0 = arith.constant 0 : i32
    %c0_i32_1 = arith.constant 0 : i32
    return %c0_i32, %arg0, %c0_i32_0 : i32, i32, i32
  }
  func.func @transform_1(%arg0: i32) -> (i32, i32) {
    %c0_i32 = arith.constant 0 : i32
    %c0_i32_0 = arith.constant 0 : i32
    return %arg0, %c0_i32 : i32, i32
  }
  func.func @transform_2(%arg0: i32) -> (i32, i32) {
    %c0_i32 = arith.constant 0 : i32
    %c0_i32_0 = arith.constant 0 : i32
    return %arg0, %c0_i32 : i32, i32
  }
  func.func @transform_3(%arg0: i32) -> (i32, i32) {
    %c0_i32 = arith.constant 0 : i32
    %c0_i32_0 = arith.constant 0 : i32
    %c0_i32_1 = arith.constant 0 : i32
    return %c0_i32, %c0_i32_0 : i32, i32
  }
  func.func @transform_4(%arg0: i32) -> (i32, i32) {
    %c0_i32 = arith.constant 0 : i32
    %c0_i32_0 = arith.constant 0 : i32
    %c0_i32_1 = arith.constant 0 : i32
    return %c0_i32, %c0_i32_0 : i32, i32
  }
  func.func @transform_5(%arg0: i32) -> (i32, i32) {
    %c0_i32 = arith.constant 0 : i32
    %c0_i32_0 = arith.constant 0 : i32
    return %arg0, %c0_i32 : i32, i32
  }
}

</mosaic_0001>

<sc_bundles>
// kernel: kernel.11.cloned.1.call-start
scs
__scs_entry_jumppad:
0x0: {  	(pc) =	sbr.rel $0x88, $3  }
0x1: {  	(tag) =	ssettag $0x0;
	lr =	simm.s32 $0x1  }
0x2: {  	[smem:$0x3F9B] =	sst lr;
	_ =	strace $0xD0000000  }
0x3: {  	_ = 	snop  }
0x4: {  	_ = 	snop  }
0x5: {  	_ = 	snop  }
0x6: {  	_ = 	snop  }
0x7: {  	_ = 	snop  }
__scs_overlays_trampoline_lowered:
0x8: {  	[smem:$0x3FAA] =	sst s0  }
0x9: {  	[smem:$0x3FAB] =	sst s1  }
0xa: {  	[smem:$0x3FAC] =	sst s2  }
0xb: {  	[smem:$0x3FAD] =	sst s3  }
0xc: {  	[smem:$0x3FAE] =	sst s4  }
0xd: {  	[smem:$0x3FAF] =	sst s5  }
0xe: {  	[smem:$0x3FB0] =	sst s6  }
0xf: {  	[smem:$0x3FB1] =	sst s7  }
0x10: {  	[smem:$0x3FB2] =	sst s8  }
0x11: {  	[smem:$0x3FB3] =	sst s9;
	s0 =	simm.s32 @!p0 $0x0  }
0x12: {  	s1 =	sld [smem:$0x3F99];
	s0 =	simm.s32 @p0 $0x1  }
0x13: {  	[smem:$0x3FB4] =	sst s0;
	s0 =	simm.s32 @!p1 $0x0  }
0x14: {  	s2 =	sld [smem:$0x3F98];
	s0 =	simm.s32 @p1 $0x1  }
0x15: {  	[smem:$0x3FB5] =	sst s0;
	s0 =	simm.s32 @!p2 $0x0  }
0x16: {  	s3 =	sld [smem:$0x3FDB];
	s0 =	simm.s32 @p2 $0x1  }
0x17: {  	s4 =	simm.s32 $0x1BF5;
	[smem:$0x3FB7] =	sst s0  }
0x18: {  	s0 =	sld [smem:$0x3F9A];
	_ =	swait.ge [sflag:s4], $0x0  }
0x19: {  	s7 =	sld [smem:$0x3F9B]  }
0x1a: {  	s8 =	sadd.s32 $0xFFFFE003, lr  }
0x1b: {  	s9 =	sadd.s32 $0xFFFFFEF7, lr;
	s5 =	simm.s32 $0xFFFFFFFF;
	p2 =	slt.u32 s8, $0xFFFFF086  }
0x1c: {  	p1 =	slt.u32 s9, $0xF7A;
	s5 =	simm.s32 @!p2 $0x0  }
0x1d: {  	s5 =	simm.s32 @p1 $0x1;
	p0 =	seq.s32 s7, s2  }
0x1e: {  	s7 =	smul.u32 @!p0 $0xF7A, s2;
	p2 =	seq.s32 @!p0 s5, $0x0  }
0x1f: {  	s9 =	smul.u32 $0xF7A, s1;
	s8 =	simm.s32 @!p0 $0x1BF5;
	p2 =	por !p2, p0  }
0x20: {  	[sflag:s8] =	ssyncset.s32 @!p0 $0xFFFFF086;
	s6 =	sadd.s32 @!p0 s3, s7;
	s7 =	simm.s32 @!p0 $0x108  }
0x21: {  	s3 =	sadd.s32 s3, s9;
	s6 =	sadd.s32 @!p0 $0x88, s6;
	s7 =	simm.s32 @p2 $0x1082  }
0x22: {  	[simem:s7], [sflag:s8] =	dma.local @!p0 [hbm:s6], $0xF7A  }
0x23: {  	s9 =	sor.u32 $0xD0000000, s2;
	s6 =	simm.s32 $0x108;
	_ =	swait.ge @!p0 [sflag:s8], $0x0  }
0x24: {  	s3 =	sadd.s32 $0x88, s3;
	s6 =	simm.s32 @!p1 $0x1082;
	[sflag:s4] =	ssyncset.s32 $0xFFFFF086  }
0x25: {  	[simem:s6], [sflag:s4] =	dma.local [hbm:s3], $0xF7A  }
0x26: {  	[smem:$0x3F9B] =	sst s1;
	(tag) =	ssettag s2;
	_ =	strace s9  }
0x27: {  	s1 =	sld [smem:$0x3FAB]  }
0x28: {  	s2 =	sld [smem:$0x3FAC]  }
0x29: {  	s4 =	sld [smem:$0x3FAE]  }
0x2a: {  	p0 =	seq.s32 s5, $0x0;
	s5 =	sld [smem:$0x3FAF]  }
0x2b: {  	s6 =	sld [smem:$0x3FB0]  }
0x2c: {  	s7 =	sld [smem:$0x3FB1]  }
0x2d: {  	s3 =	simm.s32 $0x108;
	s8 =	sld [smem:$0x3FB2]  }
0x2e: {  	s3 =	simm.s32 @!p0 $0x1082;
	s9 =	sld [smem:$0x3FB3]  }
0x2f: {  	lr =	sadd.s32 s0, s3;
	s0 =	sld [smem:$0x3FAA]  }
0x30: {  	s3 =	sld [smem:$0x3FAD]  }
0x31: {  	[smem:$0x3FB6] =	sst s10  }
0x32: {  	s10 =	sld [smem:$0x3FB4];
	_ =	sdelay $0x3  }
0x33: {  	p0 =	seq.s32 s10, $0x1;
	s10 =	sld [smem:$0x3FB6];
	_ =	sdelay $0x3  }
0x34: {  	[smem:$0x3FB6] =	sst s10  }
0x35: {  	s10 =	sld [smem:$0x3FB5];
	_ =	sdelay $0x3  }
0x36: {  	p1 =	seq.s32 s10, $0x1;
	s10 =	sld [smem:$0x3FB6];
	_ =	sdelay $0x3  }
0x37: {  	[smem:$0x3FB6] =	sst s10  }
0x38: {  	s10 =	sld [smem:$0x3FB7]  }
0x39: {  	_ = 	snop;
	(pc) =	sbr.ind lr, $3  }
0x3a: {  	_ = 	snop  }
0x3b: {  	_ = 	snop  }
0x3c: {  	p2 =	seq.s32 s10, $0x1;
	s10 =	sld [smem:$0x3FB6]  }
0x3d: {  	_ =	shalt  }
0x3e: {  	_ =	shalt  }
0x3f: {  	_ =	shalt  }
0x40: {  	_ =	shalt  }
0x41: {  	_ =	shalt  }
0x42: {  	_ =	shalt  }
0x43: {  	_ =	shalt  }
0x44: {  	_ =	shalt  }
0x45: {  	_ =	shalt  }
0x46: {  	_ =	shalt  }
0x47: {  	_ =	shalt  }
0x48: {  	_ =	shalt  }
0x49: {  	_ =	shalt  }
0x4a: {  	_ =	shalt  }
0x4b: {  	_ =	shalt  }
0x4c: {  	_ =	shalt  }
0x4d: {  	_ =	shalt  }
0x4e: {  	_ =	shalt  }
0x4f: {  	_ =	shalt  }
0x50: {  	_ =	shalt  }
0x51: {  	_ =	shalt  }
0x52: {  	_ =	shalt  }
0x53: {  	_ =	shalt  }
0x54: {  	_ =	shalt  }
0x55: {  	_ =	shalt  }
0x56: {  	_ =	shalt  }
0x57: {  	_ =	shalt  }
0x58: {  	_ =	shalt  }
0x59: {  	_ =	shalt  }
0x5a: {  	_ =	shalt  }
0x5b: {  	_ =	shalt  }
0x5c: {  	_ =	shalt  }
0x5d: {  	_ =	shalt  }
0x5e: {  	_ =	shalt  }
0x5f: {  	_ =	shalt  }
0x60: {  	_ =	shalt  }
0x61: {  	_ =	shalt  }
0x62: {  	_ =	shalt  }
0x63: {  	_ =	shalt  }
0x64: {  	_ =	shalt  }
0x65: {  	_ =	shalt  }
0x66: {  	_ =	shalt  }
0x67: {  	_ =	shalt  }
0x68: {  	_ =	shalt  }
0x69: {  	_ =	shalt  }
0x6a: {  	_ =	shalt  }
0x6b: {  	_ =	shalt  }
0x6c: {  	_ =	shalt  }
0x6d: {  	_ =	shalt  }
0x6e: {  	_ =	shalt  }
0x6f: {  	_ =	shalt  }
0x70: {  	_ =	shalt  }
0x71: {  	_ =	shalt  }
0x72: {  	_ =	shalt  }
0x73: {  	_ =	shalt  }
0x74: {  	_ =	shalt  }
0x75: {  	_ =	shalt  }
0x76: {  	_ =	shalt  }
0x77: {  	_ =	shalt  }
0x78: {  	_ =	shalt  }
0x79: {  	_ =	shalt  }
0x7a: {  	_ =	shalt  }
0x7b: {  	_ =	shalt  }
0x7c: {  	_ =	shalt  }
0x7d: {  	_ =	shalt  }
0x7e: {  	_ =	shalt  }
0x7f: {  	_ =	shalt  }
0x80: {  	_ =	shalt  }
0x81: {  	_ =	shalt  }
0x82: {  	_ =	shalt  }
0x83: {  	_ =	shalt  }
0x84: {  	_ =	shalt  }
0x85: {  	_ =	shalt  }
0x86: {  	_ =	shalt  }
0x87: {  	_ =	shalt  }
.Lfunc_end0:
.L_simem_size_0:
called_computation.1_lowered:
.L_overlay_start_0:
0x88: {  	s2 =	sld [smem:$0x3FD9]  }
0x89: {  	s3 =	sld [smem:$0x3FFE];
	_ =	sdelay $0x1  }
0x8a: {  	s1 =	srdreg.scid  }
0x8b: {  	s0 =	sand.u32 $0x1, s1  }
0x8c: {  	s17 =	sshll.u32 s0, $0xA;
	s2 =	sadd.s32 s3, s2  }
0x8d: {  	s2 =	sadd.s32 s2, s17  }
0x8e: {  	[smem:$0x3FC2] =	sst s2  }
0x8f: {  	_ = 	snop  }
0x90: {  	s2 =	sld [smem:$0x3FD0];
	(tm) =	ssettm $0x1  }
0x91: {  	s18 =	sld [smem:$0x3FFB];
	_ =	sdelay $0x3  }
0x92: {  	_ =	strace s18  }
0x93: {  	s3 =	sld [smem:$0x3FFC];
	_ =	sdelay $0x3  }
0x94: {  	_ =	strace s3  }
0x95: {  	s3 =	sld [smem:$0x3FFD];
	_ =	sdelay $0x3  }
0x96: {  	_ =	strace s3  }
0x97: {  	_ =	strace $0x8FFFFFFF  }
0x98: {  	s19 =	sld [smem:$0x3FDB];
	_ =	sdelay $0x1  }
0x99: {  	s4 =	simm.s32 $_scs_section_size  }
0x9a: {  	s5 =	simm.s32 $_size__tile_overlayer_lowered;
	s6 =	simm.s32 $_tile_overlayer_lowered  }
0x9b: {  	s22 =	simm.s32 $0x1BFF;
	s21 =	sshll.u32 s6, $0x1;
	s3 =	sadd.s32 s4, s19  }
0x9c: {  	s7 =	simm.s32 $0x0;
	s20 =	sshll.u32 s5, $0x1;
	s5 =	sadd.s32 s21, s3  }
0x9d: {  	[timem:s7], [sflag:s22] =	dma.local [hbm:s5], s20  }
0x9e: {  	_ =	swait.ge [sflag:s22], s20  }
0x9f: {  	s4 =	ssub.s32 $0x0, s20;
	[sflag:s22] =	ssyncset.done $0x0  }
0xa0: {  	[sflag:s22] =	ssyncadd.s32 s4;
	_ =	sdelay $0x1  }
0xa1: {  	s23 =	simm.s32 $0x1B8B  }
0xa2: {  	_ =	swait.ge [sflag:s23], $0x1  }
0xa3: {  	[sflag:s23] =	ssyncset.done $0x0  }
0xa4: {  	s25 =	simm.s32 $0x1B8E;
	s24 =	sld [smem:$0x3FFE];
	[sflag:s23] =	ssyncadd.s32 $0xFFFFFFFF  }
0xa5: {  	s26 =	simm.s32 $execute0_lowered;
	[smem:$0x3FD2] =	sst s25  }
0xa6: {  	s5 =	sshll.u32 s26, $0x1;
	_ =	strace $0x80000049;
	[dreg:$0x1] =	wrdreg $0xFFFFFFFF  }
0xa7: {  	s28 =	simm.s32 $_size_execute0_lowered;
	s3 =	sadd.s32 s3, s5;
	[dreg:$0x0] =	wrdreg $0x0  }
0xa8: {  	s5 =	sshll.u32 s28, $0x1;
	[dreg:$0x2] =	wrdreg s3  }
0xa9: {  	[dreg:$0x3] =	wrdreg s5  }
0xaa: {  	[dreg:$0x4] =	wrdreg $0xC0  }
0xab: {  	_ =	task [dreg:s7], $0x5FFFF  }
0xac: {  	[dreg:$0x1] =	wrdreg $0xFFFFFFFF  }
0xad: {  	[dreg:$0x0] =	wrdreg $0x60  }
0xae: {  	[dreg:$0x2] =	wrdreg s24  }
0xaf: {  	[dreg:$0x3] =	wrdreg s2  }
0xb0: {  	[dreg:$0x4] =	wrdreg $0xA8000  }
0xb1: {  	[dreg:$0x5] =	wrdreg $0x9  }
0xb2: {  	_ =	task.clear_ibuf [dreg:s7], $0x6FFFF;
	_ =	strace $0x90000049  }
0xb3: {  	s29 =	simm.s32 $0x9;
	_ =	strace $0x8000004B  }
0xb4: {  	_ =	swait.ge [sflag:s29], $0x1  }
0xb5: {  	[sflag:s29] =	ssyncadd.s32 $0xFFFFFFFF  }
0xb6: {  	_ =	strace $0x9000004B  }
0xb7: {  	_ =	sfence  }
0xb8: {  	s30 =	sld [smem:$0x0];
	_ =	sdelay $0x2  }
0xb9: {  	s31 =	sshll.u32 s1, $0xD;
	s1 =	sshrl.u32 s1, $0x2  }
0xba: {  	s3 =	sand.u32 $0x4000, s31;
	s1 =	sadd.s32 s1, s30  }
0xbb: {  	s0 =	sor.u32 s3, s0;
	s1 =	sshll.u32 s1, $0x11  }
0xbc: {  	s0 =	sor.u32 s1, s0  }
0xbd: {  	s0 =	sadd.s32 $0x8F2B, s0  }
0xbe: {  	[sflag:s0] =	ssyncadd.remote.s32 $0x1  }
0xbf: {  	_ =	sfence.sel $0xFFFF  }
0xc0: {  	[dreg:$0x0] =	wrdreg $0xFFFFFFFF;
	(pc) =	sbr.abs _section_cstart, $3  }
0xc1: {  	[dreg:$0x1] =	wrdreg $0xFFFFFFFF  }
0xc2: {  	_ =	task.clear_ibuf [dreg:s7], $0x2FFFF;
	_ =	strace $0x9FFFFFFF  }
0xc3: {  	(tm) =	ssettm $0x7FFFFFFF  }
tec
execute0_lowered:
.L_overlay_start_1:
0x0: {  	(tag) =	ssettag $0x1  }
0x1: {  	s5 =	rddreg [dreg:$0x0]  }
0x2: {  	s12 =	rddreg [dreg:$0x1]  }
0x3: {  	s1 =	rddreg [dreg:$0x2]  }
0x4: {  	s3 =	simm.s32 $0x0;
	s2 =	srdreg.scid;
	s17 =	simm.s32 $0x2800  }
0x5: {  	s18 =	simm.s32 $0x3;
	s19 =	simm.s32 $0x1;
	s20 =	simm.s32 $0x2  }
0x6: {  	s21 =	simm.s32 $0x2780;
	s22 =	simm.s32 $0x6800;
	s23 =	simm.s32 $0x4  }
0x7: {  	s25 =	simm.s32 $0x0;
	[smem:$0x7FF] =	sst s3;
	s6 =	sand.u32 $0x1, s2  }
0x8: {  	s2 =	stileid.u32;
	s4 =	sadd.s32 $0xC800, s5;
	s7 =	smul.u32 $0x140000, s6  }
0x9: {  	s13 =	sadd.s32 $0x2800, s5;
	s8 =	smul.u32 $0x14000, s2;
	s9 =	sshll.u32 s6, $0x4  }
0xa: {  	s29 =	smul.u32 $0x50000, s2;
	s6 =	ssub.s32 $0x2, s6;
	s28 =	sor.u32 s2, s9  }
0xb: {  	s30 =	sshrl.u32 s6, $0x1;
	s7 =	sadd.s32 s8, s7;
	s8 =	smul.u32 $0x2800, s28  }
0xc: {  	_ =	strace $0x8000004A;
	s31 =	sshrl.u32 s29, $0x2;
	s15 =	ssub.s32 s6, s30  }
0xd: {  	s7 =	sshrl.u32 s7, $0x3;
	s15 =	smax.u32 s15, $0x1;
	s11 =	sshrl.u32 s8, $0x3  }
0xe: {  	s14 =	sadd.s32 s7, s5;
	s5 =	sadd.s32 s31, s1;
	s6 =	sadd.s32 s12, s11  }
0xf: {  	s7 =	sadd.s32 s13, s11;
	s8 =	sadd.s32 $0x4000, s5;
	s9 =	sadd.s32 $0x8000, s5  }
0x10: {  	s10 =	sadd.s32 $0xC000, s5;
	s16 =	sadd.s32 $0x280, s11;
	s11 =	sadd.s32 $0x10000, s5  }
0x11: {  	v0 =	vimm.f32 $0.0e+00;
	s14 =	sadd.s32 $0x34800, s14;
	s12 =	sadd.s32 s12, s16;
	s13 =	sadd.s32 s13, s16  }
.LBB2_1:
0x12: {  	[tilespmem:s3], [sflag:$0x1] =	stream.linear.gather [hbm4b:s6+s3], $0x1400, $0x38;
	[tilespmem:$0x1E800] =	vst v63  }
0x13: {  	s0 =	simm.s32 $0x1400;
	s26 =	simm.s32 $0x0;
	s28 =	simm.s32 $0x200  }
0x14: {  	[tilespmem:s0], [sflag:$0x2] =	stream.linear.gather [hbm4b:s7+s3], $0x1400, $0x38;
	[tilespmem:$0x1E800] =	vst v63  }
.LBB2_2:
0x15: {  	p0 =	sne.s32 s28, $0xFE00;
	[tilespmem:s26+$0x2870] =	vst v0  }
0x16: {  	[tilespmem:s26+$0x2800] =	vst v0  }
0x17: {  	[tilespmem:s26+$0x2810] =	vst v0  }
.Ltmp0:
0x18: {  	[tilespmem:s26+$0x2820] =	vst v0;
	(pc) =	sbr.rel @p0 .LBB2_2-.Ltmp0, $4  }
0x19: {  	[tilespmem:s26+$0x2830] =	vst v0  }
0x1a: {  	[tilespmem:s26+$0x2840] =	vst v0  }
0x1b: {  	[tilespmem:s26+$0x2850] =	vst v0  }
0x1c: {  	[tilespmem:s26+$0x2860] =	vst v0;
	s26 =	sshra.s32 s28, $0x2;
	s28 =	sadd.s32 $0x200, s28  }
0x1d: {  	[tilespmem:s26+$0x2870] =	vst v0  }
0x1e: {  	[tilespmem:s26+$0x2800] =	vst v0  }
0x1f: {  	[tilespmem:s26+$0x2810] =	vst v0  }
0x20: {  	[tilespmem:s26+$0x2820] =	vst v0  }
0x21: {  	[tilespmem:s26+$0x2830] =	vst v0  }
0x22: {  	[tilespmem:s26+$0x2840] =	vst v0  }
0x23: {  	[tilespmem:s26+$0x2850] =	vst v0  }
0x24: {  	[tilespmem:s26+$0x2860] =	vst v0  }
0x25: {  	[spmem:s5] =	stream.linear.scatter [tilespmem:s17], [sflag:$0x3], $0x4000, $0x38;
	[tilespmem:$0x1E800] =	vst v63  }
0x26: {  	_ = 	snop  }
0x27: {  	[spmem:s8] =	stream.linear.scatter [tilespmem:s17], [sflag:$0x3], $0x4000, $0x38;
	[tilespmem:$0x1E800] =	vst v63  }
0x28: {  	_ = 	snop  }
0x29: {  	[spmem:s9] =	stream.linear.scatter [tilespmem:s17], [sflag:$0x3], $0x4000, $0x38;
	[tilespmem:$0x1E800] =	vst v63  }
0x2a: {  	_ = 	snop  }
0x2b: {  	[spmem:s10] =	stream.linear.scatter [tilespmem:s17], [sflag:$0x3], $0x4000, $0x38;
	[tilespmem:$0x1E800] =	vst v63  }
0x2c: {  	_ = 	snop  }
0x2d: {  	[spmem:s11] =	stream.linear.scatter [tilespmem:s17], [sflag:$0x3], $0x4000, $0x38;
	[tilespmem:$0x1E800] =	vst v63  }
0x2e: {  	_ =	swait.ge [sflag:s18], $0x4000  }
0x2f: {  	[sflag:s18] =	ssyncset.done $0x0  }
0x30: {  	[sflag:s18] =	ssyncadd.s32 $0xFFFFC000  }
0x31: {  	_ =	swait.ge [sflag:s18], $0x4000  }
0x32: {  	[sflag:s18] =	ssyncset.done $0x0  }
0x33: {  	[sflag:s18] =	ssyncadd.s32 $0xFFFFC000  }
0x34: {  	_ =	swait.ge [sflag:s18], $0x4000  }
0x35: {  	[sflag:s18] =	ssyncset.done $0x0  }
0x36: {  	[sflag:s18] =	ssyncadd.s32 $0xFFFFC000  }
0x37: {  	_ =	swait.ge [sflag:s18], $0x4000  }
0x38: {  	[sflag:s18] =	ssyncset.done $0x0  }
0x39: {  	[sflag:s18] =	ssyncadd.s32 $0xFFFFC000  }
0x3a: {  	_ =	swait.ge [sflag:s18], $0x4000  }
0x3b: {  	[sflag:s18] =	ssyncset.done $0x0  }
0x3c: {  	[sflag:s18] =	ssyncadd.s32 $0xFFFFC000  }
0x3d: {  	_ =	swait.ge [sflag:s19], $0x1400  }
0x3e: {  	[sflag:s19] =	ssyncset.done $0x0  }
0x3f: {  	[sflag:s19] =	ssyncadd.s32 $0xFFFFEC00  }
0x40: {  	_ =	swait.ge [sflag:s20], $0x1400  }
0x41: {  	[sflag:s20] =	ssyncset.done $0x0  }
0x42: {  	[sflag:s20] =	ssyncadd.s32 $0xFFFFEC00  }
0x43: {  	s26 =	simm.s32 $0x80;
	s28 =	simm.s32 $0x0;
	[bflag:$0x0] =	sbarrier.arrive $0xFFFF  }
0x44: {  	[tilespmem:s17], [sflag:$0x1] =	stream.indirect.gather [hbm4b:s4+s26], $0x80, s28, s26, $0xb8;
	[tilespmem:$0x1E800] =	vst v63  }
0x45: {  	s28 =	sand.u32 $0x1, s28  }
0x46: {  	p0 =	seq.s32 s28, $0x1  }
0x47: {  	p2 =	seq.s32 s28, $0x0;
	s29 =	simm.s32 @!p0 $0x80;
	s30 =	simm.s32 @!p0 $0x6800  }
0x48: {  	[tilespmem:s30], [sflag:$0x2] =	stream.indirect.gather @!p0 [hbm4b:s4+s29], $0x80, s26, s29, $0xb8;
	[tilespmem:$0x1E800] =	vst v63  }
0x49: {  	p1 =	sne.s32 s28, $0x0;
	s29 =	simm.s32 @!p2 $0x80;
	s30 =	simm.s32 @!p2 $0x2800  }
0x4a: {  	[tilespmem:s30], [sflag:$0x1] =	stream.indirect.gather @!p2 [hbm4b:s4+s29], $0x80, s26, s29, $0xb8;
	[tilespmem:$0x1E800] =	vst v63  }
0x4b: {  	s26 =	simm.s32 @!p1 $0x1  }
0x4c: {  	_ =	swait.ge @!p1 [sflag:s26], $0x4000  }
0x4d: {  	s28 =	simm.s32 $0x1400;
	s29 =	simm.s32 @!p1 $0x80;
	[sflag:s26] =	ssyncset.done @!p1 $0x0  }
0x4e: {  	s30 =	simm.s32 @!p1 $0x2800;
	[sflag:s26] =	ssyncadd.s32 @!p1 $0xFFFFC000;
	s26 =	simm.s32 @!p1 $0x5  }
0x4f: {  	[spmem:s1] =	stream.indirect.scatter.add.f32 @!p1 [tilespmem:s30], [sflag:$0x5], $0x80, s28, s29, $0xb8;
	[tilespmem:$0x1E800] =	vst v63  }
0x50: {  	_ =	swait.ge @!p1 [sflag:s26], $0x4000  }
0x51: {  	p0 =	por p0, p0;
	[sflag:s26] =	ssyncset.done @!p1 $0x0  }
0x52: {  	s29 =	simm.s32 @p0 $0x2;
	[sflag:s26] =	ssyncadd.s32 @!p1 $0xFFFFC000  }
0x53: {  	_ =	swait.ge @p0 [sflag:s29], $0x4000  }
0x54: {  	s24 =	simm.s32 $0x1;
	[sflag:s29] =	ssyncset.done @p0 $0x0  }
0x55: {  	s31 =	simm.s32 @p0 $0x6800;
	s30 =	simm.s32 @p0 $0x80;
	[sflag:s29] =	ssyncadd.s32 @p0 $0xFFFFC000  }
0x56: {  	[spmem:s1] =	stream.indirect.scatter.add.f32 @p0 [tilespmem:s31], [sflag:$0x4], $0x80, s28, s30, $0xb8;
	[tilespmem:$0x1E800] =	vst v63  }
0x57: {  	s26 =	simm.s32 $0x1480;
	s29 =	simm.s32 $0x2;
	s31 =	simm.s32 @p0 $0x4  }
0x58: {  	s28 =	simm.s32 $0x100;
	s30 =	sand.u32 $0x1, s24;
	_ =	swait.ge @p0 [sflag:s31], $0x4000  }
.LBB2_4:
0x59: {  	p3 =	seq.s32 s30, $0x1;
	p1 =	seq.s32 s30, $0x0;
	[sflag:s31] =	ssyncset.done @p0 $0x0  }
0x5a: {  	s0 =	simm.s32 @!p3 $0x80;
	s16 =	simm.s32 @!p3 $0x6800;
	[sflag:s31] =	ssyncadd.s32 @p0 $0xFFFFC000  }
0x5b: {  	[tilespmem:s16], [sflag:$0x2] =	stream.indirect.gather @!p3 [hbm4b:s4+s0], $0x80, s28, s0, $0xb8;
	[tilespmem:$0x1E800] =	vst v63  }
0x5c: {  	p2 =	sne.s32 s30, $0x0;
	s0 =	simm.s32 @!p1 $0x80;
	s16 =	simm.s32 @!p1 $0x2800  }
0x5d: {  	[tilespmem:s16], [sflag:$0x1] =	stream.indirect.gather @!p1 [hbm4b:s4+s0], $0x80, s28, s0, $0xb8;
	[tilespmem:$0x1E800] =	vst v63  }
0x5e: {  	s0 =	simm.s32 @!p2 $0x1;
	s16 =	smov.u32 s29;
	s29 =	sadd.s32 $0x1, s29  }
0x5f: {  	p0 =	por p3, p3;
	p1 =	sne.s32 s29, $0x27;
	_ =	swait.ge @!p2 [sflag:s0], $0x4000  }
0x60: {  	s30 =	simm.s32 @!p2 $0x80;
	s31 =	simm.s32 @!p2 $0x2800;
	[sflag:s0] =	ssyncset.done @!p2 $0x0  }
0x61: {  	[sflag:s0] =	ssyncadd.s32 @!p2 $0xFFFFC000;
	s0 =	simm.s32 @!p2 $0x5  }
0x62: {  	[spmem:s1] =	stream.indirect.scatter.add.f32 @!p2 [tilespmem:s31], [sflag:$0x5], $0x80, s26, s30, $0xb8;
	[tilespmem:$0x1E800] =	vst v63  }
0x63: {  	_ =	swait.ge @!p2 [sflag:s0], $0x4000  }
0x64: {  	s30 =	simm.s32 @p0 $0x2;
	[sflag:s0] =	ssyncset.done @!p2 $0x0  }
0x65: {  	[sflag:s0] =	ssyncadd.s32 @!p2 $0xFFFFC000  }
.Ltmp1:
0x66: {  	_ =	swait.ge @p0 [sflag:s30], $0x4000;
	(pc) =	sbr.rel @p1 .LBB2_4-.Ltmp1, $4  }
0x67: {  	s24 =	simm.s32 @p0 $0x6800;
	s0 =	simm.s32 @p0 $0x80;
	[sflag:s30] =	ssyncset.done @p0 $0x0  }
0x68: {  	s28 =	sadd.s32 $0x80, s28;
	s31 =	simm.s32 @p0 $0x4;
	[sflag:s30] =	ssyncadd.s32 @p0 $0xFFFFC000  }
0x69: {  	[spmem:s1] =	stream.indirect.scatter.add.f32 @p0 [tilespmem:s24], [sflag:$0x4], $0x80, s26, s0, $0xb8;
	[tilespmem:$0x1E800] =	vst v63  }
0x6a: {  	s30 =	sand.u32 $0x1, s16;
	s26 =	sadd.s32 $0x80, s26;
	_ =	swait.ge @p0 [sflag:s31], $0x4000  }
0x6b: {  	p1 =	seq.s32 s30, $0x1;
	p2 =	seq.s32 s30, $0x0;
	[sflag:s31] =	ssyncset.done @p0 $0x0  }
0x6c: {  	s0 =	simm.s32 @!p1 $0x80;
	s16 =	simm.s32 @!p1 $0x6800;
	[sflag:s31] =	ssyncadd.s32 @p0 $0xFFFFC000  }
0x6d: {  	[tilespmem:s16], [sflag:$0x2] =	stream.indirect.gather @!p1 [hbm4b:s4+s0], $0x80, s28, s0, $0xb8;
	[tilespmem:$0x1E800] =	vst v63  }
0x6e: {  	p0 =	sne.s32 s30, $0x0;
	s0 =	simm.s32 @!p2 $0x80;
	s16 =	simm.s32 @!p2 $0x2800  }
0x6f: {  	[tilespmem:s16], [sflag:$0x1] =	stream.indirect.gather @!p2 [hbm4b:s4+s0], $0x80, s28, s0, $0xb8;
	[tilespmem:$0x1E800] =	vst v63  }
0x70: {  	s0 =	simm.s32 @!p0 $0x1  }
0x71: {  	_ =	swait.ge @!p0 [sflag:s0], $0x4000  }
0x72: {  	s24 =	simm.s32 @!p0 $0x2800;
	[sflag:s0] =	ssyncset.done @!p0 $0x0  }
0x73: {  	s16 =	simm.s32 @!p0 $0x80;
	[sflag:s0] =	ssyncadd.s32 @!p0 $0xFFFFC000;
	s0 =	simm.s32 @!p0 $0x5  }
0x74: {  	[spmem:s1] =	stream.indirect.scatter.add.f32 @!p0 [tilespmem:s24], [sflag:$0x5], $0x80, s26, s16, $0xb8;
	[tilespmem:$0x1E800] =	vst v63  }
0x75: {  	_ =	swait.ge @!p0 [sflag:s0], $0x4000  }
0x76: {  	p1 =	por p1, p1;
	[sflag:s0] =	ssyncset.done @!p0 $0x0  }
0x77: {  	s16 =	simm.s32 @p1 $0x2;
	[sflag:s0] =	ssyncadd.s32 @!p0 $0xFFFFC000  }
0x78: {  	_ =	swait.ge @p1 [sflag:s16], $0x4000  }
0x79: {  	s24 =	simm.s32 @p1 $0x6800;
	[sflag:s16] =	ssyncset.done @p1 $0x0  }
0x7a: {  	s0 =	simm.s32 @p1 $0x80;
	[sflag:s16] =	ssyncadd.s32 @p1 $0xFFFFC000;
	s16 =	simm.s32 @p1 $0x4  }
0x7b: {  	[spmem:s1] =	stream.indirect.scatter.add.f32 @p1 [tilespmem:s24], [sflag:$0x4], $0x80, s26, s0, $0xb8;
	[tilespmem:$0x1E800] =	vst v63  }
0x7c: {  	_ =	swait.ge @p1 [sflag:s16], $0x4000  }
0x7d: {  	[sflag:s16] =	ssyncset.done @p1 $0x0  }
0x7e: {  	[sflag:s16] =	ssyncadd.s32 @p1 $0xFFFFC000  }
0x7f: {  	_ =	swait.ge [sflag:s20], $0x4000  }
0x80: {  	[sflag:s20] =	ssyncset.done $0x0  }
0x81: {  	s0 =	simm.s32 $0x80;
	[sflag:s20] =	ssyncadd.s32 $0xFFFFC000  }
0x82: {  	[spmem:s1] =	stream.indirect.scatter.add.f32 [tilespmem:s22], [sflag:$0x4], $0x80, s21, s0, $0xb8;
	[tilespmem:$0x1E800] =	vst v63  }
0x83: {  	_ =	swait.ge [sflag:s23], $0x4000  }
0x84: {  	[sflag:s23] =	ssyncset.done $0x0  }
0x85: {  	s26 =	simm.s32 $0x0;
	[sflag:s23] =	ssyncadd.s32 $0xFFFFC000  }
0x86: {  	[tilespmem:s26], [sflag:$0x4] =	stream.linear.gather [hbm4b:s12+s26], $0x1400, $0x38;
	[tilespmem:$0x1E800] =	vst v63  }
0x87: {  	_ =	swait.ge [sflag:s23], $0x1400  }
0x88: {  	[sflag:s23] =	ssyncset.done $0x0  }
0x89: {  	s24 =	simm.s32 $0x1400;
	[sflag:s23] =	ssyncadd.s32 $0xFFFFEC00  }
0x8a: {  	[tilespmem:s24], [sflag:$0x4] =	stream.linear.gather [hbm4b:s13+s26], $0x1400, $0x38;
	[tilespmem:$0x1E800] =	vst v63  }
0x8b: {  	_ =	swait.ge [sflag:s23], $0x1400  }
0x8c: {  	s16 =	sand.u32 $0x1, s26;
	[sflag:s23] =	ssyncset.done $0x0  }
0x8d: {  	p0 =	seq.s32 s16, $0x1;
	[sflag:s23] =	ssyncadd.s32 $0xFFFFEC00  }
0x8e: {  	[tilespmem:s17], [sflag:$0x1] =	stream.indirect.gather [hbm4b:s4+s0], $0x80, s26, s0, $0xb8;
	[tilespmem:$0x1E800] =	vst v63  }
0x8f: {  	p1 =	seq.s32 s16, $0x0;
	s28 =	simm.s32 @!p0 $0x6800;
	s26 =	simm.s32 @!p0 $0x80  }
0x90: {  	[tilespmem:s28], [sflag:$0x2] =	stream.indirect.gather @!p0 [hbm4b:s4+s26], $0x80, s0, s26, $0xb8;
	[tilespmem:$0x1E800] =	vst v63  }
0x91: {  	p2 =	sne.s32 s16, $0x0;
	s26 =	simm.s32 @!p1 $0x80;
	s28 =	simm.s32 @!p1 $0x2800  }
0x92: {  	[tilespmem:s28], [sflag:$0x1] =	stream.indirect.gather @!p1 [hbm4b:s4+s26], $0x80, s0, s26, $0xb8;
	[tilespmem:$0x1E800] =	vst v63  }
0x93: {  	s0 =	simm.s32 @!p2 $0x1  }
0x94: {  	_ =	swait.ge @!p2 [sflag:s0], $0x4000  }
0x95: {  	s16 =	simm.s32 @!p2 $0x80;
	[sflag:s0] =	ssyncset.done @!p2 $0x0  }
0x96: {  	s26 =	simm.s32 @!p2 $0x2800;
	[sflag:s0] =	ssyncadd.s32 @!p2 $0xFFFFC000;
	s0 =	simm.s32 @!p2 $0x5  }
0x97: {  	[spmem:s1] =	stream.indirect.scatter.add.f32 @!p2 [tilespmem:s26], [sflag:$0x5], $0x80, s24, s16, $0xb8;
	[tilespmem:$0x1E800] =	vst v63  }
0x98: {  	_ =	swait.ge @!p2 [sflag:s0], $0x4000  }
0x99: {  	p0 =	por p0, p0;
	[sflag:s0] =	ssyncset.done @!p2 $0x0  }
0x9a: {  	s16 =	simm.s32 @p0 $0x2;
	[sflag:s0] =	ssyncadd.s32 @!p2 $0xFFFFC000  }
0x9b: {  	s29 =	simm.s32 $0x2;
	s31 =	simm.s32 @p0 $0x4;
	_ =	swait.ge @p0 [sflag:s16], $0x4000  }
0x9c: {  	s28 =	simm.s32 @p0 $0x6800;
	s0 =	simm.s32 $0x1;
	[sflag:s16] =	ssyncset.done @p0 $0x0  }
0x9d: {  	s26 =	simm.s32 @p0 $0x80;
	s30 =	sand.u32 $0x1, s0;
	[sflag:s16] =	ssyncadd.s32 @p0 $0xFFFFC000  }
0x9e: {  	[spmem:s1] =	stream.indirect.scatter.add.f32 @p0 [tilespmem:s28], [sflag:$0x4], $0x80, s24, s26, $0xb8;
	[tilespmem:$0x1E800] =	vst v63  }
0x9f: {  	s28 =	simm.s32 $0x100;
	s26 =	simm.s32 $0x1480;
	_ =	swait.ge @p0 [sflag:s31], $0x4000  }
.LBB2_6:
0xa0: {  	p3 =	seq.s32 s30, $0x1;
	p1 =	seq.s32 s30, $0x0;
	[sflag:s31] =	ssyncset.done @p0 $0x0  }
0xa1: {  	s0 =	simm.s32 @!p3 $0x80;
	s16 =	simm.s32 @!p3 $0x6800;
	[sflag:s31] =	ssyncadd.s32 @p0 $0xFFFFC000  }
0xa2: {  	[tilespmem:s16], [sflag:$0x2] =	stream.indirect.gather @!p3 [hbm4b:s4+s0], $0x80, s28, s0, $0xb8;
	[tilespmem:$0x1E800] =	vst v63  }
0xa3: {  	p2 =	sne.s32 s30, $0x0;
	s0 =	simm.s32 @!p1 $0x80;
	s16 =	simm.s32 @!p1 $0x2800  }
0xa4: {  	[tilespmem:s16], [sflag:$0x1] =	stream.indirect.gather @!p1 [hbm4b:s4+s0], $0x80, s28, s0, $0xb8;
	[tilespmem:$0x1E800] =	vst v63  }
0xa5: {  	s0 =	simm.s32 @!p2 $0x1;
	s16 =	smov.u32 s29;
	s29 =	sadd.s32 $0x1, s29  }
0xa6: {  	p0 =	por p3, p3;
	p1 =	sne.s32 s29, $0x27;
	_ =	swait.ge @!p2 [sflag:s0], $0x4000  }
0xa7: {  	s24 =	simm.s32 @!p2 $0x80;
	s30 =	simm.s32 @!p2 $0x2800;
	[sflag:s0] =	ssyncset.done @!p2 $0x0  }
0xa8: {  	[sflag:s0] =	ssyncadd.s32 @!p2 $0xFFFFC000;
	s0 =	simm.s32 @!p2 $0x5  }
0xa9: {  	[spmem:s1] =	stream.indirect.scatter.add.f32 @!p2 [tilespmem:s30], [sflag:$0x5], $0x80, s26, s24, $0xb8;
	[tilespmem:$0x1E800] =	vst v63  }
0xaa: {  	_ =	swait.ge @!p2 [sflag:s0], $0x4000  }
0xab: {  	s24 =	simm.s32 @p0 $0x2;
	[sflag:s0] =	ssyncset.done @!p2 $0x0  }
0xac: {  	[sflag:s0] =	ssyncadd.s32 @!p2 $0xFFFFC000  }
.Ltmp2:
0xad: {  	_ =	swait.ge @p0 [sflag:s24], $0x4000;
	(pc) =	sbr.rel @p1 .LBB2_6-.Ltmp2, $4  }
0xae: {  	s30 =	simm.s32 @p0 $0x6800;
	s0 =	simm.s32 @p0 $0x80;
	[sflag:s24] =	ssyncset.done @p0 $0x0  }
0xaf: {  	s31 =	simm.s32 @p0 $0x4;
	s28 =	sadd.s32 $0x80, s28;
	[sflag:s24] =	ssyncadd.s32 @p0 $0xFFFFC000  }
0xb0: {  	[spmem:s1] =	stream.indirect.scatter.add.f32 @p0 [tilespmem:s30], [sflag:$0x4], $0x80, s26, s0, $0xb8;
	[tilespmem:$0x1E800] =	vst v63  }
0xb1: {  	s30 =	sand.u32 $0x1, s16;
	s26 =	sadd.s32 $0x80, s26;
	_ =	swait.ge @p0 [sflag:s31], $0x4000  }
0xb2: {  	p1 =	seq.s32 s30, $0x1;
	p2 =	seq.s32 s30, $0x0;
	[sflag:s31] =	ssyncset.done @p0 $0x0  }
0xb3: {  	s0 =	simm.s32 @!p1 $0x80;
	s16 =	simm.s32 @!p1 $0x6800;
	[sflag:s31] =	ssyncadd.s32 @p0 $0xFFFFC000  }
0xb4: {  	[tilespmem:s16], [sflag:$0x2] =	stream.indirect.gather @!p1 [hbm4b:s4+s0], $0x80, s28, s0, $0xb8;
	[tilespmem:$0x1E800] =	vst v63  }
0xb5: {  	p0 =	sne.s32 s30, $0x0;
	s0 =	simm.s32 @!p2 $0x80;
	s16 =	simm.s32 @!p2 $0x2800  }
0xb6: {  	[tilespmem:s16], [sflag:$0x1] =	stream.indirect.gather @!p2 [hbm4b:s4+s0], $0x80, s28, s0, $0xb8;
	[tilespmem:$0x1E800] =	vst v63  }
0xb7: {  	s0 =	simm.s32 @!p0 $0x1  }
0xb8: {  	_ =	swait.ge @!p0 [sflag:s0], $0x4000  }
0xb9: {  	s24 =	simm.s32 @!p0 $0x2800;
	[sflag:s0] =	ssyncset.done @!p0 $0x0  }
0xba: {  	s16 =	simm.s32 @!p0 $0x80;
	[sflag:s0] =	ssyncadd.s32 @!p0 $0xFFFFC000;
	s0 =	simm.s32 @!p0 $0x5  }
0xbb: {  	[spmem:s1] =	stream.indirect.scatter.add.f32 @!p0 [tilespmem:s24], [sflag:$0x5], $0x80, s26, s16, $0xb8;
	[tilespmem:$0x1E800] =	vst v63  }
0xbc: {  	_ =	swait.ge @!p0 [sflag:s0], $0x4000  }
0xbd: {  	p1 =	por p1, p1;
	[sflag:s0] =	ssyncset.done @!p0 $0x0  }
0xbe: {  	s16 =	simm.s32 @p1 $0x2;
	[sflag:s0] =	ssyncadd.s32 @!p0 $0xFFFFC000  }
0xbf: {  	_ =	swait.ge @p1 [sflag:s16], $0x4000  }
0xc0: {  	s24 =	simm.s32 @p1 $0x6800;
	[sflag:s16] =	ssyncset.done @p1 $0x0  }
0xc1: {  	s0 =	simm.s32 @p1 $0x80;
	[sflag:s16] =	ssyncadd.s32 @p1 $0xFFFFC000;
	s16 =	simm.s32 @p1 $0x4  }
0xc2: {  	[spmem:s1] =	stream.indirect.scatter.add.f32 @p1 [tilespmem:s24], [sflag:$0x4], $0x80, s26, s0, $0xb8;
	[tilespmem:$0x1E800] =	vst v63  }
0xc3: {  	_ =	swait.ge @p1 [sflag:s16], $0x4000  }
0xc4: {  	[sflag:s16] =	ssyncset.done @p1 $0x0  }
0xc5: {  	[sflag:s16] =	ssyncadd.s32 @p1 $0xFFFFC000  }
0xc6: {  	_ =	swait.ge [sflag:s20], $0x4000  }
0xc7: {  	[sflag:s20] =	ssyncset.done $0x0  }
0xc8: {  	s29 =	simm.s32 $0x80;
	[sflag:s20] =	ssyncadd.s32 $0xFFFFC000  }
0xc9: {  	[spmem:s1] =	stream.indirect.scatter.add.f32 [tilespmem:s22], [sflag:$0x4], $0x80, s21, s29, $0xb8;
	[tilespmem:$0x1E800] =	vst v63  }
0xca: {  	_ =	swait.ge [sflag:s23], $0x4000  }
0xcb: {  	s25 =	sadd.s32 $0x1, s25;
	s30 =	sshll.u32 s2, $0x6;
	[sflag:s23] =	ssyncset.done $0x0  }
0xcc: {  	s31 =	sshrl.u32 s5, $0x3;
	p0 =	sne.s32 s25, s15;
	[sflag:s23] =	ssyncadd.s32 $0xFFFFC000  }
.Ltmp3:
0xcd: {  	s0 =	sor.u32 $0x1C04, s30;
	[bflag:$0x0] =	sbarrier.arrive $0xFFFF;
	(pc) =	sbr.rel @p0 .LBB2_1-.Ltmp3, $4  }
0xce: {  	[hbm:s14], [sflag:s0] =	dma.local [spmem:s31], $0x2800  }
0xcf: {  	_ =	swait.ge [sflag:s23], $0x2800  }
0xd0: {  	[sflag:s23] =	ssyncset.done $0x0  }
0xd1: {  	[sflag:s23] =	ssyncadd.s32 $0xFFFFD800  }
0xd2: {  	_ =	sfence.sel $0x180000  }
0xd3: {  	[bflag:$0x0] =	sbarrier.arrive $0xFFFF  }
0xd4: {  	_ =	strace $0x9000004A  }
0xd5: {  	[bflag:$0x2] =	sbarrier.arrive $0xFFFF  }
0xd6: {  	p0 =	sne.s32 s2, $0x0;
	s0 =	rddreg [dreg:$0x3]  }
0xd7: {  	s0 =	sadd.s32 @!p0 $0x100000, s0  }
0xd8: {  	[sflag:s0] =	ssyncadd.tile.s32 @!p0 $0x1;
	_ =	shalt  }
.Lfunc_end2:
_tile_overlayer_lowered:
.L_overlay_start_2:
0xd9: {  	(tag) =	ssettag $0x2  }
0xda: {  	s0 =	rddreg [dreg:$0x0];
	s2 =	stileid.u32  }
0xdb: {  	s1 =	rddreg [dreg:$0x1];
	p0 =	sne.s32 s2, $0x0  }
0xdc: {  	s3 =	rddreg [dreg:$0x2];
	[bflag:$0x3] =	sbarrier.arrive $0xFFFF;
	s2 =	simm.s32 @!p0 $0x1C04  }
0xdd: {  	[timem:s3], [sflag:s2] =	dma.local @!p0 [hbm:s0], s1  }
0xde: {  	s0 =	simm.s32 @!p0 $0x4  }
0xdf: {  	_ =	swait.ge @!p0 [sflag:s0], s1  }
0xe0: {  	s1 =	ssub.s32 @!p0 $0x0, s1;
	[sflag:s0] =	ssyncset.done @!p0 $0x0  }
0xe1: {  	[sflag:s0] =	ssyncadd.s32 @!p0 s1  }
0xe2: {  	[bflag:$0x3] =	sbarrier.arrive $0xFFFF  }
0xe3: {  	_ =	shalt  }

// kernel: kernel.14.cloned.1.call-start
scs
__scs_entry_jumppad:
0x0: {  	(pc) =	sbr.rel $0x88, $3  }
0x1: {  	(tag) =	ssettag $0x0;
	lr =	simm.s32 $0x1  }
0x2: {  	[smem:$0x3F9B] =	sst lr;
	_ =	strace $0xD0000000  }
0x3: {  	_ = 	snop  }
0x4: {  	_ = 	snop  }
0x5: {  	_ = 	snop  }
0x6: {  	_ = 	snop  }
0x7: {  	_ = 	snop  }
__scs_overlays_trampoline_lowered:
0x8: {  	[smem:$0x3FAA] =	sst s0  }
0x9: {  	[smem:$0x3FAB] =	sst s1  }
0xa: {  	[smem:$0x3FAC] =	sst s2  }
0xb: {  	[smem:$0x3FAD] =	sst s3  }
0xc: {  	[smem:$0x3FAE] =	sst s4  }
0xd: {  	[smem:$0x3FAF] =	sst s5  }
0xe: {  	[smem:$0x3FB0] =	sst s6  }
0xf: {  	[smem:$0x3FB1] =	sst s7  }
0x10: {  	[smem:$0x3FB2] =	sst s8  }
0x11: {  	[smem:$0x3FB3] =	sst s9;
	s0 =	simm.s32 @!p0 $0x0  }
0x12: {  	s1 =	sld [smem:$0x3F99];
	s0 =	simm.s32 @p0 $0x1  }
0x13: {  	[smem:$0x3FB4] =	sst s0;
	s0 =	simm.s32 @!p1 $0x0  }
0x14: {  	s2 =	sld [smem:$0x3F98];
	s0 =	simm.s32 @p1 $0x1  }
0x15: {  	[smem:$0x3FB5] =	sst s0;
	s0 =	simm.s32 @!p2 $0x0  }
0x16: {  	s3 =	sld [smem:$0x3FDB];
	s0 =	simm.s32 @p2 $0x1  }
0x17: {  	s4 =	simm.s32 $0x1BF5;
	[smem:$0x3FB7] =	sst s0  }
0x18: {  	s0 =	sld [smem:$0x3F9A];
	_ =	swait.ge [sflag:s4], $0x0  }
0x19: {  	s7 =	sld [smem:$0x3F9B]  }
0x1a: {  	s8 =	sadd.s32 $0xFFFFE003, lr  }
0x1b: {  	s9 =	sadd.s32 $0xFFFFFEF7, lr;
	s5 =	simm.s32 $0xFFFFFFFF;
	p2 =	slt.u32 s8, $0xFFFFF086  }
0x1c: {  	p1 =	slt.u32 s9, $0xF7A;
	s5 =	simm.s32 @!p2 $0x0  }
0x1d: {  	s5 =	simm.s32 @p1 $0x1;
	p0 =	seq.s32 s7, s2  }
0x1e: {  	s7 =	smul.u32 @!p0 $0xF7A, s2;
	p2 =	seq.s32 @!p0 s5, $0x0  }
0x1f: {  	s9 =	smul.u32 $0xF7A, s1;
	s8 =	simm.s32 @!p0 $0x1BF5;
	p2 =	por !p2, p0  }
0x20: {  	[sflag:s8] =	ssyncset.s32 @!p0 $0xFFFFF086;
	s6 =	sadd.s32 @!p0 s3, s7;
	s7 =	simm.s32 @!p0 $0x108  }
0x21: {  	s3 =	sadd.s32 s3, s9;
	s6 =	sadd.s32 @!p0 $0x88, s6;
	s7 =	simm.s32 @p2 $0x1082  }
0x22: {  	[simem:s7], [sflag:s8] =	dma.local @!p0 [hbm:s6], $0xF7A  }
0x23: {  	s9 =	sor.u32 $0xD0000000, s2;
	s6 =	simm.s32 $0x108;
	_ =	swait.ge @!p0 [sflag:s8], $0x0  }
0x24: {  	s3 =	sadd.s32 $0x88, s3;
	s6 =	simm.s32 @!p1 $0x1082;
	[sflag:s4] =	ssyncset.s32 $0xFFFFF086  }
0x25: {  	[simem:s6], [sflag:s4] =	dma.local [hbm:s3], $0xF7A  }
0x26: {  	[smem:$0x3F9B] =	sst s1;
	(tag) =	ssettag s2;
	_ =	strace s9  }
0x27: {  	s1 =	sld [smem:$0x3FAB]  }
0x28: {  	s2 =	sld [smem:$0x3FAC]  }
0x29: {  	s4 =	sld [smem:$0x3FAE]  }
0x2a: {  	p0 =	seq.s32 s5, $0x0;
	s5 =	sld [smem:$0x3FAF]  }
0x2b: {  	s6 =	sld [smem:$0x3FB0]  }
0x2c: {  	s7 =	sld [smem:$0x3FB1]  }
0x2d: {  	s3 =	simm.s32 $0x108;
	s8 =	sld [smem:$0x3FB2]  }
0x2e: {  	s3 =	simm.s32 @!p0 $0x1082;
	s9 =	sld [smem:$0x3FB3]  }
0x2f: {  	lr =	sadd.s32 s0, s3;
	s0 =	sld [smem:$0x3FAA]  }
0x30: {  	s3 =	sld [smem:$0x3FAD]  }
0x31: {  	[smem:$0x3FB6] =	sst s10  }
0x32: {  	s10 =	sld [smem:$0x3FB4];
	_ =	sdelay $0x3  }
0x33: {  	p0 =	seq.s32 s10, $0x1;
	s10 =	sld [smem:$0x3FB6];
	_ =	sdelay $0x3  }
0x34: {  	[smem:$0x3FB6] =	sst s10  }
0x35: {  	s10 =	sld [smem:$0x3FB5];
	_ =	sdelay $0x3  }
0x36: {  	p1 =	seq.s32 s10, $0x1;
	s10 =	sld [smem:$0x3FB6];
	_ =	sdelay $0x3  }
0x37: {  	[smem:$0x3FB6] =	sst s10  }
0x38: {  	s10 =	sld [smem:$0x3FB7]  }
0x39: {  	_ = 	snop;
	(pc) =	sbr.ind lr, $3  }
0x3a: {  	_ = 	snop  }
0x3b: {  	_ = 	snop  }
0x3c: {  	p2 =	seq.s32 s10, $0x1;
	s10 =	sld [smem:$0x3FB6]  }
0x3d: {  	_ =	shalt  }
0x3e: {  	_ =	shalt  }
0x3f: {  	_ =	shalt  }
0x40: {  	_ =	shalt  }
0x41: {  	_ =	shalt  }
0x42: {  	_ =	shalt  }
0x43: {  	_ =	shalt  }
0x44: {  	_ =	shalt  }
0x45: {  	_ =	shalt  }
0x46: {  	_ =	shalt  }
0x47: {  	_ =	shalt  }
0x48: {  	_ =	shalt  }
0x49: {  	_ =	shalt  }
0x4a: {  	_ =	shalt  }
0x4b: {  	_ =	shalt  }
0x4c: {  	_ =	shalt  }
0x4d: {  	_ =	shalt  }
0x4e: {  	_ =	shalt  }
0x4f: {  	_ =	shalt  }
0x50: {  	_ =	shalt  }
0x51: {  	_ =	shalt  }
0x52: {  	_ =	shalt  }
0x53: {  	_ =	shalt  }
0x54: {  	_ =	shalt  }
0x55: {  	_ =	shalt  }
0x56: {  	_ =	shalt  }
0x57: {  	_ =	shalt  }
0x58: {  	_ =	shalt  }
0x59: {  	_ =	shalt  }
0x5a: {  	_ =	shalt  }
0x5b: {  	_ =	shalt  }
0x5c: {  	_ =	shalt  }
0x5d: {  	_ =	shalt  }
0x5e: {  	_ =	shalt  }
0x5f: {  	_ =	shalt  }
0x60: {  	_ =	shalt  }
0x61: {  	_ =	shalt  }
0x62: {  	_ =	shalt  }
0x63: {  	_ =	shalt  }
0x64: {  	_ =	shalt  }
0x65: {  	_ =	shalt  }
0x66: {  	_ =	shalt  }
0x67: {  	_ =	shalt  }
0x68: {  	_ =	shalt  }
0x69: {  	_ =	shalt  }
0x6a: {  	_ =	shalt  }
0x6b: {  	_ =	shalt  }
0x6c: {  	_ =	shalt  }
0x6d: {  	_ =	shalt  }
0x6e: {  	_ =	shalt  }
0x6f: {  	_ =	shalt  }
0x70: {  	_ =	shalt  }
0x71: {  	_ =	shalt  }
0x72: {  	_ =	shalt  }
0x73: {  	_ =	shalt  }
0x74: {  	_ =	shalt  }
0x75: {  	_ =	shalt  }
0x76: {  	_ =	shalt  }
0x77: {  	_ =	shalt  }
0x78: {  	_ =	shalt  }
0x79: {  	_ =	shalt  }
0x7a: {  	_ =	shalt  }
0x7b: {  	_ =	shalt  }
0x7c: {  	_ =	shalt  }
0x7d: {  	_ =	shalt  }
0x7e: {  	_ =	shalt  }
0x7f: {  	_ =	shalt  }
0x80: {  	_ =	shalt  }
0x81: {  	_ =	shalt  }
0x82: {  	_ =	shalt  }
0x83: {  	_ =	shalt  }
0x84: {  	_ =	shalt  }
0x85: {  	_ =	shalt  }
0x86: {  	_ =	shalt  }
0x87: {  	_ =	shalt  }
.Lfunc_end0:
.L_simem_size_0:
called_computation.2_lowered:
.L_overlay_start_0:
0x88: {  	s2 =	sld [smem:$0x3FD9]  }
0x89: {  	s3 =	sld [smem:$0x3FFE];
	_ =	sdelay $0x1  }
0x8a: {  	s1 =	srdreg.scid  }
0x8b: {  	s0 =	sand.u32 $0x1, s1  }
0x8c: {  	s17 =	sshll.u32 s0, $0xA;
	s2 =	sadd.s32 s3, s2  }
0x8d: {  	s2 =	sadd.s32 s2, s17  }
0x8e: {  	[smem:$0x3FC2] =	sst s2  }
0x8f: {  	_ = 	snop  }
0x90: {  	s2 =	sld [smem:$0x3FD0];
	(tm) =	ssettm $0x1  }
0x91: {  	s18 =	sld [smem:$0x3FFB];
	_ =	sdelay $0x3  }
0x92: {  	_ =	strace s18  }
0x93: {  	s3 =	sld [smem:$0x3FFC];
	_ =	sdelay $0x3  }
0x94: {  	_ =	strace s3  }
0x95: {  	s3 =	sld [smem:$0x3FFD];
	_ =	sdelay $0x3  }
0x96: {  	_ =	strace s3  }
0x97: {  	_ =	strace $0x8FFFFFFF  }
0x98: {  	s19 =	sld [smem:$0x3FDB];
	_ =	sdelay $0x1  }
0x99: {  	s4 =	simm.s32 $_scs_section_size  }
0x9a: {  	s5 =	simm.s32 $_size__tile_overlayer_lowered;
	s6 =	simm.s32 $_tile_overlayer_lowered  }
0x9b: {  	s22 =	simm.s32 $0x1BFF;
	s21 =	sshll.u32 s6, $0x1;
	s3 =	sadd.s32 s4, s19  }
0x9c: {  	s7 =	simm.s32 $0x0;
	s20 =	sshll.u32 s5, $0x1;
	s5 =	sadd.s32 s21, s3  }
0x9d: {  	[timem:s7], [sflag:s22] =	dma.local [hbm:s5], s20  }
0x9e: {  	_ =	swait.ge [sflag:s22], s20  }
0x9f: {  	s4 =	ssub.s32 $0x0, s20;
	[sflag:s22] =	ssyncset.done $0x0  }
0xa0: {  	[sflag:s22] =	ssyncadd.s32 s4;
	_ =	sdelay $0x1  }
0xa1: {  	s23 =	simm.s32 $0x1B8B  }
0xa2: {  	_ =	swait.ge [sflag:s23], $0x1  }
0xa3: {  	[sflag:s23] =	ssyncset.done $0x0  }
0xa4: {  	s25 =	simm.s32 $0x1B8E;
	s24 =	sld [smem:$0x3FFE];
	[sflag:s23] =	ssyncadd.s32 $0xFFFFFFFF  }
0xa5: {  	s26 =	simm.s32 $execute0_lowered;
	[smem:$0x3FD2] =	sst s25  }
0xa6: {  	s5 =	sshll.u32 s26, $0x1;
	_ =	strace $0x8000004C;
	[dreg:$0x1] =	wrdreg $0xFFFFFFFF  }
0xa7: {  	s28 =	simm.s32 $_size_execute0_lowered;
	s3 =	sadd.s32 s3, s5;
	[dreg:$0x0] =	wrdreg $0x0  }
0xa8: {  	s5 =	sshll.u32 s28, $0x1;
	[dreg:$0x2] =	wrdreg s3  }
0xa9: {  	[dreg:$0x3] =	wrdreg s5  }
0xaa: {  	[dreg:$0x4] =	wrdreg $0xC0  }
0xab: {  	_ =	task [dreg:s7], $0x5FFFF  }
0xac: {  	[dreg:$0x1] =	wrdreg $0xFFFFFFFF  }
0xad: {  	[dreg:$0x0] =	wrdreg $0x60  }
0xae: {  	[dreg:$0x2] =	wrdreg s24  }
0xaf: {  	[dreg:$0x3] =	wrdreg s2  }
0xb0: {  	[dreg:$0x4] =	wrdreg $0xA8000  }
0xb1: {  	[dreg:$0x5] =	wrdreg $0x9  }
0xb2: {  	_ =	task.clear_ibuf [dreg:s7], $0x6FFFF;
	_ =	strace $0x9000004C  }
0xb3: {  	s29 =	simm.s32 $0x9;
	_ =	strace $0x8000004E  }
0xb4: {  	_ =	swait.ge [sflag:s29], $0x1  }
0xb5: {  	[sflag:s29] =	ssyncadd.s32 $0xFFFFFFFF  }
0xb6: {  	_ =	strace $0x9000004E  }
0xb7: {  	_ =	sfence  }
0xb8: {  	s30 =	sld [smem:$0x0];
	_ =	sdelay $0x2  }
0xb9: {  	s31 =	sshll.u32 s1, $0xD;
	s1 =	sshrl.u32 s1, $0x2  }
0xba: {  	s3 =	sand.u32 $0x4000, s31;
	s1 =	sadd.s32 s1, s30  }
0xbb: {  	s0 =	sor.u32 s3, s0;
	s1 =	sshll.u32 s1, $0x11  }
0xbc: {  	s0 =	sor.u32 s1, s0  }
0xbd: {  	s0 =	sadd.s32 $0x8F2B, s0  }
0xbe: {  	[sflag:s0] =	ssyncadd.remote.s32 $0x1  }
0xbf: {  	_ =	sfence.sel $0xFFFF  }
0xc0: {  	[dreg:$0x0] =	wrdreg $0xFFFFFFFF;
	(pc) =	sbr.abs _section_cstart, $3  }
0xc1: {  	[dreg:$0x1] =	wrdreg $0xFFFFFFFF  }
0xc2: {  	_ =	task.clear_ibuf [dreg:s7], $0x2FFFF;
	_ =	strace $0x9FFFFFFF  }
0xc3: {  	(tm) =	ssettm $0x7FFFFFFF  }
tec
execute0_lowered:
.L_overlay_start_1:
0x0: {  	(tag) =	ssettag $0x1  }
0x1: {  	s5 =	rddreg [dreg:$0x0]  }
0x2: {  	s12 =	rddreg [dreg:$0x1]  }
0x3: {  	s1 =	rddreg [dreg:$0x2]  }
0x4: {  	s3 =	simm.s32 $0x0;
	s2 =	srdreg.scid;
	s17 =	simm.s32 $0x2800  }
0x5: {  	s18 =	simm.s32 $0x3;
	s19 =	simm.s32 $0x1;
	s20 =	simm.s32 $0x2  }
0x6: {  	s21 =	simm.s32 $0x2780;
	s22 =	simm.s32 $0x6800;
	s23 =	simm.s32 $0x4  }
0x7: {  	s25 =	simm.s32 $0x0;
	[smem:$0x7FF] =	sst s3;
	s6 =	sand.u32 $0x1, s2  }
0x8: {  	s2 =	stileid.u32;
	s4 =	sadd.s32 $0xC800, s5;
	s7 =	smul.u32 $0x140000, s6  }
0x9: {  	s13 =	sadd.s32 $0x2800, s5;
	s8 =	smul.u32 $0x14000, s2;
	s9 =	sshll.u32 s6, $0x4  }
0xa: {  	s29 =	smul.u32 $0x50000, s2;
	s6 =	ssub.s32 $0x2, s6;
	s28 =	sor.u32 s2, s9  }
0xb: {  	s30 =	sshrl.u32 s6, $0x1;
	s7 =	sadd.s32 s8, s7;
	s8 =	smul.u32 $0x2800, s28  }
0xc: {  	_ =	strace $0x8000004D;
	s31 =	sshrl.u32 s29, $0x2;
	s15 =	ssub.s32 s6, s30  }
0xd: {  	s7 =	sshrl.u32 s7, $0x3;
	s15 =	smax.u32 s15, $0x1;
	s11 =	sshrl.u32 s8, $0x3  }
0xe: {  	s14 =	sadd.s32 s7, s5;
	s5 =	sadd.s32 s31, s1;
	s6 =	sadd.s32 s12, s11  }
0xf: {  	s7 =	sadd.s32 s13, s11;
	s8 =	sadd.s32 $0x4000, s5;
	s9 =	sadd.s32 $0x8000, s5  }
0x10: {  	s10 =	sadd.s32 $0xC000, s5;
	s16 =	sadd.s32 $0x280, s11;
	s11 =	sadd.s32 $0x10000, s5  }
0x11: {  	v0 =	vimm.f32 $0.0e+00;
	s14 =	sadd.s32 $0x34800, s14;
	s12 =	sadd.s32 s12, s16;
	s13 =	sadd.s32 s13, s16  }
.LBB2_1:
0x12: {  	[tilespmem:s3], [sflag:$0x1] =	stream.linear.gather [hbm4b:s6+s3], $0x1400, $0x38;
	[tilespmem:$0x1E800] =	vst v63  }
0x13: {  	s0 =	simm.s32 $0x1400;
	s26 =	simm.s32 $0x0;
	s28 =	simm.s32 $0x200  }
0x14: {  	[tilespmem:s0], [sflag:$0x2] =	stream.linear.gather [hbm4b:s7+s3], $0x1400, $0x38;
	[tilespmem:$0x1E800] =	vst v63  }
.LBB2_2:
0x15: {  	p0 =	sne.s32 s28, $0xFE00;
	[tilespmem:s26+$0x2870] =	vst v0  }
0x16: {  	[tilespmem:s26+$0x2800] =	vst v0  }
0x17: {  	[tilespmem:s26+$0x2810] =	vst v0  }
.Ltmp0:
0x18: {  	[tilespmem:s26+$0x2820] =	vst v0;
	(pc) =	sbr.rel @p0 .LBB2_2-.Ltmp0, $4  }
0x19: {  	[tilespmem:s26+$0x2830] =	vst v0  }
0x1a: {  	[tilespmem:s26+$0x2840] =	vst v0  }
0x1b: {  	[tilespmem:s26+$0x2850] =	vst v0  }
0x1c: {  	[tilespmem:s26+$0x2860] =	vst v0;
	s26 =	sshra.s32 s28, $0x2;
	s28 =	sadd.s32 $0x200, s28  }
0x1d: {  	[tilespmem:s26+$0x2870] =	vst v0  }
0x1e: {  	[tilespmem:s26+$0x2800] =	vst v0  }
0x1f: {  	[tilespmem:s26+$0x2810] =	vst v0  }
0x20: {  	[tilespmem:s26+$0x2820] =	vst v0  }
0x21: {  	[tilespmem:s26+$0x2830] =	vst v0  }
0x22: {  	[tilespmem:s26+$0x2840] =	vst v0  }
0x23: {  	[tilespmem:s26+$0x2850] =	vst v0  }
0x24: {  	[tilespmem:s26+$0x2860] =	vst v0  }
0x25: {  	[spmem:s5] =	stream.linear.scatter [tilespmem:s17], [sflag:$0x3], $0x4000, $0x38;
	[tilespmem:$0x1E800] =	vst v63  }
0x26: {  	_ = 	snop  }
0x27: {  	[spmem:s8] =	stream.linear.scatter [tilespmem:s17], [sflag:$0x3], $0x4000, $0x38;
	[tilespmem:$0x1E800] =	vst v63  }
0x28: {  	_ = 	snop  }
0x29: {  	[spmem:s9] =	stream.linear.scatter [tilespmem:s17], [sflag:$0x3], $0x4000, $0x38;
	[tilespmem:$0x1E800] =	vst v63  }
0x2a: {  	_ = 	snop  }
0x2b: {  	[spmem:s10] =	stream.linear.scatter [tilespmem:s17], [sflag:$0x3], $0x4000, $0x38;
	[tilespmem:$0x1E800] =	vst v63  }
0x2c: {  	_ = 	snop  }
0x2d: {  	[spmem:s11] =	stream.linear.scatter [tilespmem:s17], [sflag:$0x3], $0x4000, $0x38;
	[tilespmem:$0x1E800] =	vst v63  }
0x2e: {  	_ =	swait.ge [sflag:s18], $0x4000  }
0x2f: {  	[sflag:s18] =	ssyncset.done $0x0  }
0x30: {  	[sflag:s18] =	ssyncadd.s32 $0xFFFFC000  }
0x31: {  	_ =	swait.ge [sflag:s18], $0x4000  }
0x32: {  	[sflag:s18] =	ssyncset.done $0x0  }
0x33: {  	[sflag:s18] =	ssyncadd.s32 $0xFFFFC000  }
0x34: {  	_ =	swait.ge [sflag:s18], $0x4000  }
0x35: {  	[sflag:s18] =	ssyncset.done $0x0  }
0x36: {  	[sflag:s18] =	ssyncadd.s32 $0xFFFFC000  }
0x37: {  	_ =	swait.ge [sflag:s18], $0x4000  }
0x38: {  	[sflag:s18] =	ssyncset.done $0x0  }
0x39: {  	[sflag:s18] =	ssyncadd.s32 $0xFFFFC000  }
0x3a: {  	_ =	swait.ge [sflag:s18], $0x4000  }
0x3b: {  	[sflag:s18] =	ssyncset.done $0x0  }
0x3c: {  	[sflag:s18] =	ssyncadd.s32 $0xFFFFC000  }
0x3d: {  	_ =	swait.ge [sflag:s19], $0x1400  }
0x3e: {  	[sflag:s19] =	ssyncset.done $0x0  }
0x3f: {  	[sflag:s19] =	ssyncadd.s32 $0xFFFFEC00  }
0x40: {  	_ =	swait.ge [sflag:s20], $0x1400  }
0x41: {  	[sflag:s20] =	ssyncset.done $0x0  }
0x42: {  	[sflag:s20] =	ssyncadd.s32 $0xFFFFEC00  }
0x43: {  	s26 =	simm.s32 $0x80;
	s28 =	simm.s32 $0x0;
	[bflag:$0x0] =	sbarrier.arrive $0xFFFF  }
0x44: {  	[tilespmem:s17], [sflag:$0x1] =	stream.indirect.gather [hbm4b:s4+s26], $0x80, s28, s26, $0xb8;
	[tilespmem:$0x1E800] =	vst v63  }
0x45: {  	s28 =	sand.u32 $0x1, s28  }
0x46: {  	p0 =	seq.s32 s28, $0x1  }
0x47: {  	p2 =	seq.s32 s28, $0x0;
	s29 =	simm.s32 @!p0 $0x80;
	s30 =	simm.s32 @!p0 $0x6800  }
0x48: {  	[tilespmem:s30], [sflag:$0x2] =	stream.indirect.gather @!p0 [hbm4b:s4+s29], $0x80, s26, s29, $0xb8;
	[tilespmem:$0x1E800] =	vst v63  }
0x49: {  	p1 =	sne.s32 s28, $0x0;
	s29 =	simm.s32 @!p2 $0x80;
	s30 =	simm.s32 @!p2 $0x2800  }
0x4a: {  	[tilespmem:s30], [sflag:$0x1] =	stream.indirect.gather @!p2 [hbm4b:s4+s29], $0x80, s26, s29, $0xb8;
	[tilespmem:$0x1E800] =	vst v63  }
0x4b: {  	s26 =	simm.s32 @!p1 $0x1  }
0x4c: {  	_ =	swait.ge @!p1 [sflag:s26], $0x4000  }
0x4d: {  	s28 =	simm.s32 $0x1400;
	s29 =	simm.s32 @!p1 $0x80;
	[sflag:s26] =	ssyncset.done @!p1 $0x0  }
0x4e: {  	s30 =	simm.s32 @!p1 $0x2800;
	[sflag:s26] =	ssyncadd.s32 @!p1 $0xFFFFC000;
	s26 =	simm.s32 @!p1 $0x5  }
0x4f: {  	[spmem:s1] =	stream.indirect.scatter.add.f32 @!p1 [tilespmem:s30], [sflag:$0x5], $0x80, s28, s29, $0xb8;
	[tilespmem:$0x1E800] =	vst v63  }
0x50: {  	_ =	swait.ge @!p1 [sflag:s26], $0x4000  }
0x51: {  	p0 =	por p0, p0;
	[sflag:s26] =	ssyncset.done @!p1 $0x0  }
0x52: {  	s29 =	simm.s32 @p0 $0x2;
	[sflag:s26] =	ssyncadd.s32 @!p1 $0xFFFFC000  }
0x53: {  	_ =	swait.ge @p0 [sflag:s29], $0x4000  }
0x54: {  	s24 =	simm.s32 $0x1;
	[sflag:s29] =	ssyncset.done @p0 $0x0  }
0x55: {  	s31 =	simm.s32 @p0 $0x6800;
	s30 =	simm.s32 @p0 $0x80;
	[sflag:s29] =	ssyncadd.s32 @p0 $0xFFFFC000  }
0x56: {  	[spmem:s1] =	stream.indirect.scatter.add.f32 @p0 [tilespmem:s31], [sflag:$0x4], $0x80, s28, s30, $0xb8;
	[tilespmem:$0x1E800] =	vst v63  }
0x57: {  	s26 =	simm.s32 $0x1480;
	s29 =	simm.s32 $0x2;
	s31 =	simm.s32 @p0 $0x4  }
0x58: {  	s28 =	simm.s32 $0x100;
	s30 =	sand.u32 $0x1, s24;
	_ =	swait.ge @p0 [sflag:s31], $0x4000  }
.LBB2_4:
0x59: {  	p3 =	seq.s32 s30, $0x1;
	p1 =	seq.s32 s30, $0x0;
	[sflag:s31] =	ssyncset.done @p0 $0x0  }
0x5a: {  	s0 =	simm.s32 @!p3 $0x80;
	s16 =	simm.s32 @!p3 $0x6800;
	[sflag:s31] =	ssyncadd.s32 @p0 $0xFFFFC000  }
0x5b: {  	[tilespmem:s16], [sflag:$0x2] =	stream.indirect.gather @!p3 [hbm4b:s4+s0], $0x80, s28, s0, $0xb8;
	[tilespmem:$0x1E800] =	vst v63  }
0x5c: {  	p2 =	sne.s32 s30, $0x0;
	s0 =	simm.s32 @!p1 $0x80;
	s16 =	simm.s32 @!p1 $0x2800  }
0x5d: {  	[tilespmem:s16], [sflag:$0x1] =	stream.indirect.gather @!p1 [hbm4b:s4+s0], $0x80, s28, s0, $0xb8;
	[tilespmem:$0x1E800] =	vst v63  }
0x5e: {  	s0 =	simm.s32 @!p2 $0x1;
	s16 =	smov.u32 s29;
	s29 =	sadd.s32 $0x1, s29  }
0x5f: {  	p0 =	por p3, p3;
	p1 =	sne.s32 s29, $0x27;
	_ =	swait.ge @!p2 [sflag:s0], $0x4000  }
0x60: {  	s30 =	simm.s32 @!p2 $0x80;
	s31 =	simm.s32 @!p2 $0x2800;
	[sflag:s0] =	ssyncset.done @!p2 $0x0  }
0x61: {  	[sflag:s0] =	ssyncadd.s32 @!p2 $0xFFFFC000;
	s0 =	simm.s32 @!p2 $0x5  }
0x62: {  	[spmem:s1] =	stream.indirect.scatter.add.f32 @!p2 [tilespmem:s31], [sflag:$0x5], $0x80, s26, s30, $0xb8;
	[tilespmem:$0x1E800] =	vst v63  }
0x63: {  	_ =	swait.ge @!p2 [sflag:s0], $0x4000  }
0x64: {  	s30 =	simm.s32 @p0 $0x2;
	[sflag:s0] =	ssyncset.done @!p2 $0x0  }
0x65: {  	[sflag:s0] =	ssyncadd.s32 @!p2 $0xFFFFC000  }
.Ltmp1:
0x66: {  	_ =	swait.ge @p0 [sflag:s30], $0x4000;
	(pc) =	sbr.rel @p1 .LBB2_4-.Ltmp1, $4  }
0x67: {  	s24 =	simm.s32 @p0 $0x6800;
	s0 =	simm.s32 @p0 $0x80;
	[sflag:s30] =	ssyncset.done @p0 $0x0  }
0x68: {  	s28 =	sadd.s32 $0x80, s28;
	s31 =	simm.s32 @p0 $0x4;
	[sflag:s30] =	ssyncadd.s32 @p0 $0xFFFFC000  }
0x69: {  	[spmem:s1] =	stream.indirect.scatter.add.f32 @p0 [tilespmem:s24], [sflag:$0x4], $0x80, s26, s0, $0xb8;
	[tilespmem:$0x1E800] =	vst v63  }
0x6a: {  	s30 =	sand.u32 $0x1, s16;
	s26 =	sadd.s32 $0x80, s26;
	_ =	swait.ge @p0 [sflag:s31], $0x4000  }
0x6b: {  	p1 =	seq.s32 s30, $0x1;
	p2 =	seq.s32 s30, $0x0;
	[sflag:s31] =	ssyncset.done @p0 $0x0  }
0x6c: {  	s0 =	simm.s32 @!p1 $0x80;
	s16 =	simm.s32 @!p1 $0x6800;
	[sflag:s31] =	ssyncadd.s32 @p0 $0xFFFFC000  }
0x6d: {  	[tilespmem:s16], [sflag:$0x2] =	stream.indirect.gather @!p1 [hbm4b:s4+s0], $0x80, s28, s0, $0xb8;
	[tilespmem:$0x1E800] =	vst v63  }
0x6e: {  	p0 =	sne.s32 s30, $0x0;
	s0 =	simm.s32 @!p2 $0x80;
	s16 =	simm.s32 @!p2 $0x2800  }
0x6f: {  	[tilespmem:s16], [sflag:$0x1] =	stream.indirect.gather @!p2 [hbm4b:s4+s0], $0x80, s28, s0, $0xb8;
	[tilespmem:$0x1E800] =	vst v63  }
0x70: {  	s0 =	simm.s32 @!p0 $0x1  }
0x71: {  	_ =	swait.ge @!p0 [sflag:s0], $0x4000  }
0x72: {  	s24 =	simm.s32 @!p0 $0x2800;
	[sflag:s0] =	ssyncset.done @!p0 $0x0  }
0x73: {  	s16 =	simm.s32 @!p0 $0x80;
	[sflag:s0] =	ssyncadd.s32 @!p0 $0xFFFFC000;
	s0 =	simm.s32 @!p0 $0x5  }
0x74: {  	[spmem:s1] =	stream.indirect.scatter.add.f32 @!p0 [tilespmem:s24], [sflag:$0x5], $0x80, s26, s16, $0xb8;
	[tilespmem:$0x1E800] =	vst v63  }
0x75: {  	_ =	swait.ge @!p0 [sflag:s0], $0x4000  }
0x76: {  	p1 =	por p1, p1;
	[sflag:s0] =	ssyncset.done @!p0 $0x0  }
0x77: {  	s16 =	simm.s32 @p1 $0x2;
	[sflag:s0] =	ssyncadd.s32 @!p0 $0xFFFFC000  }
0x78: {  	_ =	swait.ge @p1 [sflag:s16], $0x4000  }
0x79: {  	s24 =	simm.s32 @p1 $0x6800;
	[sflag:s16] =	ssyncset.done @p1 $0x0  }
0x7a: {  	s0 =	simm.s32 @p1 $0x80;
	[sflag:s16] =	ssyncadd.s32 @p1 $0xFFFFC000;
	s16 =	simm.s32 @p1 $0x4  }
0x7b: {  	[spmem:s1] =	stream.indirect.scatter.add.f32 @p1 [tilespmem:s24], [sflag:$0x4], $0x80, s26, s0, $0xb8;
	[tilespmem:$0x1E800] =	vst v63  }
0x7c: {  	_ =	swait.ge @p1 [sflag:s16], $0x4000  }
0x7d: {  	[sflag:s16] =	ssyncset.done @p1 $0x0  }
0x7e: {  	[sflag:s16] =	ssyncadd.s32 @p1 $0xFFFFC000  }
0x7f: {  	_ =	swait.ge [sflag:s20], $0x4000  }
0x80: {  	[sflag:s20] =	ssyncset.done $0x0  }
0x81: {  	s0 =	simm.s32 $0x80;
	[sflag:s20] =	ssyncadd.s32 $0xFFFFC000  }
0x82: {  	[spmem:s1] =	stream.indirect.scatter.add.f32 [tilespmem:s22], [sflag:$0x4], $0x80, s21, s0, $0xb8;
	[tilespmem:$0x1E800] =	vst v63  }
0x83: {  	_ =	swait.ge [sflag:s23], $0x4000  }
0x84: {  	[sflag:s23] =	ssyncset.done $0x0  }
0x85: {  	s26 =	simm.s32 $0x0;
	[sflag:s23] =	ssyncadd.s32 $0xFFFFC000  }
0x86: {  	[tilespmem:s26], [sflag:$0x4] =	stream.linear.gather [hbm4b:s12+s26], $0x1400, $0x38;
	[tilespmem:$0x1E800] =	vst v63  }
0x87: {  	_ =	swait.ge [sflag:s23], $0x1400  }
0x88: {  	[sflag:s23] =	ssyncset.done $0x0  }
0x89: {  	s24 =	simm.s32 $0x1400;
	[sflag:s23] =	ssyncadd.s32 $0xFFFFEC00  }
0x8a: {  	[tilespmem:s24], [sflag:$0x4] =	stream.linear.gather [hbm4b:s13+s26], $0x1400, $0x38;
	[tilespmem:$0x1E800] =	vst v63  }
0x8b: {  	_ =	swait.ge [sflag:s23], $0x1400  }
0x8c: {  	s16 =	sand.u32 $0x1, s26;
	[sflag:s23] =	ssyncset.done $0x0  }
0x8d: {  	p0 =	seq.s32 s16, $0x1;
	[sflag:s23] =	ssyncadd.s32 $0xFFFFEC00  }
0x8e: {  	[tilespmem:s17], [sflag:$0x1] =	stream.indirect.gather [hbm4b:s4+s0], $0x80, s26, s0, $0xb8;
	[tilespmem:$0x1E800] =	vst v63  }
0x8f: {  	p1 =	seq.s32 s16, $0x0;
	s28 =	simm.s32 @!p0 $0x6800;
	s26 =	simm.s32 @!p0 $0x80  }
0x90: {  	[tilespmem:s28], [sflag:$0x2] =	stream.indirect.gather @!p0 [hbm4b:s4+s26], $0x80, s0, s26, $0xb8;
	[tilespmem:$0x1E800] =	vst v63  }
0x91: {  	p2 =	sne.s32 s16, $0x0;
	s26 =	simm.s32 @!p1 $0x80;
	s28 =	simm.s32 @!p1 $0x2800  }
0x92: {  	[tilespmem:s28], [sflag:$0x1] =	stream.indirect.gather @!p1 [hbm4b:s4+s26], $0x80, s0, s26, $0xb8;
	[tilespmem:$0x1E800] =	vst v63  }
0x93: {  	s0 =	simm.s32 @!p2 $0x1  }
0x94: {  	_ =	swait.ge @!p2 [sflag:s0], $0x4000  }
0x95: {  	s16 =	simm.s32 @!p2 $0x80;
	[sflag:s0] =	ssyncset.done @!p2 $0x0  }
0x96: {  	s26 =	simm.s32 @!p2 $0x2800;
	[sflag:s0] =	ssyncadd.s32 @!p2 $0xFFFFC000;
	s0 =	simm.s32 @!p2 $0x5  }
0x97: {  	[spmem:s1] =	stream.indirect.scatter.add.f32 @!p2 [tilespmem:s26], [sflag:$0x5], $0x80, s24, s16, $0xb8;
	[tilespmem:$0x1E800] =	vst v63  }
0x98: {  	_ =	swait.ge @!p2 [sflag:s0], $0x4000  }
0x99: {  	p0 =	por p0, p0;
	[sflag:s0] =	ssyncset.done @!p2 $0x0  }
0x9a: {  	s16 =	simm.s32 @p0 $0x2;
	[sflag:s0] =	ssyncadd.s32 @!p2 $0xFFFFC000  }
0x9b: {  	s29 =	simm.s32 $0x2;
	s31 =	simm.s32 @p0 $0x4;
	_ =	swait.ge @p0 [sflag:s16], $0x4000  }
0x9c: {  	s28 =	simm.s32 @p0 $0x6800;
	s0 =	simm.s32 $0x1;
	[sflag:s16] =	ssyncset.done @p0 $0x0  }
0x9d: {  	s26 =	simm.s32 @p0 $0x80;
	s30 =	sand.u32 $0x1, s0;
	[sflag:s16] =	ssyncadd.s32 @p0 $0xFFFFC000  }
0x9e: {  	[spmem:s1] =	stream.indirect.scatter.add.f32 @p0 [tilespmem:s28], [sflag:$0x4], $0x80, s24, s26, $0xb8;
	[tilespmem:$0x1E800] =	vst v63  }
0x9f: {  	s28 =	simm.s32 $0x100;
	s26 =	simm.s32 $0x1480;
	_ =	swait.ge @p0 [sflag:s31], $0x4000  }
.LBB2_6:
0xa0: {  	p3 =	seq.s32 s30, $0x1;
	p1 =	seq.s32 s30, $0x0;
	[sflag:s31] =	ssyncset.done @p0 $0x0  }
0xa1: {  	s0 =	simm.s32 @!p3 $0x80;
	s16 =	simm.s32 @!p3 $0x6800;
	[sflag:s31] =	ssyncadd.s32 @p0 $0xFFFFC000  }
0xa2: {  	[tilespmem:s16], [sflag:$0x2] =	stream.indirect.gather @!p3 [hbm4b:s4+s0], $0x80, s28, s0, $0xb8;
	[tilespmem:$0x1E800] =	vst v63  }
0xa3: {  	p2 =	sne.s32 s30, $0x0;
	s0 =	simm.s32 @!p1 $0x80;
	s16 =	simm.s32 @!p1 $0x2800  }
0xa4: {  	[tilespmem:s16], [sflag:$0x1] =	stream.indirect.gather @!p1 [hbm4b:s4+s0], $0x80, s28, s0, $0xb8;
	[tilespmem:$0x1E800] =	vst v63  }
0xa5: {  	s0 =	simm.s32 @!p2 $0x1;
	s16 =	smov.u32 s29;
	s29 =	sadd.s32 $0x1, s29  }
0xa6: {  	p0 =	por p3, p3;
	p1 =	sne.s32 s29, $0x27;
	_ =	swait.ge @!p2 [sflag:s0], $0x4000  }
0xa7: {  	s24 =	simm.s32 @!p2 $0x80;
	s30 =	simm.s32 @!p2 $0x2800;
	[sflag:s0] =	ssyncset.done @!p2 $0x0  }
0xa8: {  	[sflag:s0] =	ssyncadd.s32 @!p2 $0xFFFFC000;
	s0 =	simm.s32 @!p2 $0x5  }
0xa9: {  	[spmem:s1] =	stream.indirect.scatter.add.f32 @!p2 [tilespmem:s30], [sflag:$0x5], $0x80, s26, s24, $0xb8;
	[tilespmem:$0x1E800] =	vst v63  }
0xaa: {  	_ =	swait.ge @!p2 [sflag:s0], $0x4000  }
0xab: {  	s24 =	simm.s32 @p0 $0x2;
	[sflag:s0] =	ssyncset.done @!p2 $0x0  }
0xac: {  	[sflag:s0] =	ssyncadd.s32 @!p2 $0xFFFFC000  }
.Ltmp2:
0xad: {  	_ =	swait.ge @p0 [sflag:s24], $0x4000;
	(pc) =	sbr.rel @p1 .LBB2_6-.Ltmp2, $4  }
0xae: {  	s30 =	simm.s32 @p0 $0x6800;
	s0 =	simm.s32 @p0 $0x80;
	[sflag:s24] =	ssyncset.done @p0 $0x0  }
0xaf: {  	s31 =	simm.s32 @p0 $0x4;
	s28 =	sadd.s32 $0x80, s28;
	[sflag:s24] =	ssyncadd.s32 @p0 $0xFFFFC000  }
0xb0: {  	[spmem:s1] =	stream.indirect.scatter.add.f32 @p0 [tilespmem:s30], [sflag:$0x4], $0x80, s26, s0, $0xb8;
	[tilespmem:$0x1E800] =	vst v63  }
0xb1: {  	s30 =	sand.u32 $0x1, s16;
	s26 =	sadd.s32 $0x80, s26;
	_ =	swait.ge @p0 [sflag:s31], $0x4000  }
0xb2: {  	p1 =	seq.s32 s30, $0x1;
	p2 =	seq.s32 s30, $0x0;
	[sflag:s31] =	ssyncset.done @p0 $0x0  }
0xb3: {  	s0 =	simm.s32 @!p1 $0x80;
	s16 =	simm.s32 @!p1 $0x6800;
	[sflag:s31] =	ssyncadd.s32 @p0 $0xFFFFC000  }
0xb4: {  	[tilespmem:s16], [sflag:$0x2] =	stream.indirect.gather @!p1 [hbm4b:s4+s0], $0x80, s28, s0, $0xb8;
	[tilespmem:$0x1E800] =	vst v63  }
0xb5: {  	p0 =	sne.s32 s30, $0x0;
	s0 =	simm.s32 @!p2 $0x80;
	s16 =	simm.s32 @!p2 $0x2800  }
0xb6: {  	[tilespmem:s16], [sflag:$0x1] =	stream.indirect.gather @!p2 [hbm4b:s4+s0], $0x80, s28, s0, $0xb8;
	[tilespmem:$0x1E800] =	vst v63  }
0xb7: {  	s0 =	simm.s32 @!p0 $0x1  }
0xb8: {  	_ =	swait.ge @!p0 [sflag:s0], $0x4000  }
0xb9: {  	s24 =	simm.s32 @!p0 $0x2800;
	[sflag:s0] =	ssyncset.done @!p0 $0x0  }
0xba: {  	s16 =	simm.s32 @!p0 $0x80;
	[sflag:s0] =	ssyncadd.s32 @!p0 $0xFFFFC000;
	s0 =	simm.s32 @!p0 $0x5  }
0xbb: {  	[spmem:s1] =	stream.indirect.scatter.add.f32 @!p0 [tilespmem:s24], [sflag:$0x5], $0x80, s26, s16, $0xb8;
	[tilespmem:$0x1E800] =	vst v63  }
0xbc: {  	_ =	swait.ge @!p0 [sflag:s0], $0x4000  }
0xbd: {  	p1 =	por p1, p1;
	[sflag:s0] =	ssyncset.done @!p0 $0x0  }
0xbe: {  	s16 =	simm.s32 @p1 $0x2;
	[sflag:s0] =	ssyncadd.s32 @!p0 $0xFFFFC000  }
0xbf: {  	_ =	swait.ge @p1 [sflag:s16], $0x4000  }
0xc0: {  	s24 =	simm.s32 @p1 $0x6800;
	[sflag:s16] =	ssyncset.done @p1 $0x0  }
0xc1: {  	s0 =	simm.s32 @p1 $0x80;
	[sflag:s16] =	ssyncadd.s32 @p1 $0xFFFFC000;
	s16 =	simm.s32 @p1 $0x4  }
0xc2: {  	[spmem:s1] =	stream.indirect.scatter.add.f32 @p1 [tilespmem:s24], [sflag:$0x4], $0x80, s26, s0, $0xb8;
	[tilespmem:$0x1E800] =	vst v63  }
0xc3: {  	_ =	swait.ge @p1 [sflag:s16], $0x4000  }
0xc4: {  	[sflag:s16] =	ssyncset.done @p1 $0x0  }
0xc5: {  	[sflag:s16] =	ssyncadd.s32 @p1 $0xFFFFC000  }
0xc6: {  	_ =	swait.ge [sflag:s20], $0x4000  }
0xc7: {  	[sflag:s20] =	ssyncset.done $0x0  }
0xc8: {  	s29 =	simm.s32 $0x80;
	[sflag:s20] =	ssyncadd.s32 $0xFFFFC000  }
0xc9: {  	[spmem:s1] =	stream.indirect.scatter.add.f32 [tilespmem:s22], [sflag:$0x4], $0x80, s21, s29, $0xb8;
	[tilespmem:$0x1E800] =	vst v63  }
0xca: {  	_ =	swait.ge [sflag:s23], $0x4000  }
0xcb: {  	s25 =	sadd.s32 $0x1, s25;
	s30 =	sshll.u32 s2, $0x6;
	[sflag:s23] =	ssyncset.done $0x0  }
0xcc: {  	s31 =	sshrl.u32 s5, $0x3;
	p0 =	sne.s32 s25, s15;
	[sflag:s23] =	ssyncadd.s32 $0xFFFFC000  }
.Ltmp3:
0xcd: {  	s0 =	sor.u32 $0x1C04, s30;
	[bflag:$0x0] =	sbarrier.arrive $0xFFFF;
	(pc) =	sbr.rel @p0 .LBB2_1-.Ltmp3, $4  }
0xce: {  	[hbm:s14], [sflag:s0] =	dma.local [spmem:s31], $0x2800  }
0xcf: {  	_ =	swait.ge [sflag:s23], $0x2800  }
0xd0: {  	[sflag:s23] =	ssyncset.done $0x0  }
0xd1: {  	[sflag:s23] =	ssyncadd.s32 $0xFFFFD800  }
0xd2: {  	_ =	sfence.sel $0x180000  }
0xd3: {  	[bflag:$0x0] =	sbarrier.arrive $0xFFFF  }
0xd4: {  	_ =	strace $0x9000004D  }
0xd5: {  	[bflag:$0x2] =	sbarrier.arrive $0xFFFF  }
0xd6: {  	p0 =	sne.s32 s2, $0x0;
	s0 =	rddreg [dreg:$0x3]  }
0xd7: {  	s0 =	sadd.s32 @!p0 $0x100000, s0  }
0xd8: {  	[sflag:s0] =	ssyncadd.tile.s32 @!p0 $0x1;
	_ =	shalt  }
.Lfunc_end2:
_tile_overlayer_lowered:
.L_overlay_start_2:
0xd9: {  	(tag) =	ssettag $0x2  }
0xda: {  	s0 =	rddreg [dreg:$0x0];
	s2 =	stileid.u32  }
0xdb: {  	s1 =	rddreg [dreg:$0x1];
	p0 =	sne.s32 s2, $0x0  }
0xdc: {  	s3 =	rddreg [dreg:$0x2];
	[bflag:$0x3] =	sbarrier.arrive $0xFFFF;
	s2 =	simm.s32 @!p0 $0x1C04  }
0xdd: {  	[timem:s3], [sflag:s2] =	dma.local @!p0 [hbm:s0], s1  }
0xde: {  	s0 =	simm.s32 @!p0 $0x4  }
0xdf: {  	_ =	swait.ge @!p0 [sflag:s0], s1  }
0xe0: {  	s1 =	ssub.s32 @!p0 $0x0, s1;
	[sflag:s0] =	ssyncset.done @!p0 $0x0  }
0xe1: {  	[sflag:s0] =	ssyncadd.s32 @!p0 s1  }
0xe2: {  	[bflag:$0x3] =	sbarrier.arrive $0xFFFF  }
0xe3: {  	_ =	shalt  }

// kernel: kernel.8.cloned.1.call-start
scs
__scs_entry_jumppad:
0x0: {  	(pc) =	sbr.rel $0x88, $3  }
0x1: {  	(tag) =	ssettag $0x0;
	lr =	simm.s32 $0x1  }
0x2: {  	[smem:$0x3F9B] =	sst lr;
	_ =	strace $0xD0000000  }
0x3: {  	_ = 	snop  }
0x4: {  	_ = 	snop  }
0x5: {  	_ = 	snop  }
0x6: {  	_ = 	snop  }
0x7: {  	_ = 	snop  }
__scs_overlays_trampoline_lowered:
0x8: {  	[smem:$0x3FAA] =	sst s0  }
0x9: {  	[smem:$0x3FAB] =	sst s1  }
0xa: {  	[smem:$0x3FAC] =	sst s2  }
0xb: {  	[smem:$0x3FAD] =	sst s3  }
0xc: {  	[smem:$0x3FAE] =	sst s4  }
0xd: {  	[smem:$0x3FAF] =	sst s5  }
0xe: {  	[smem:$0x3FB0] =	sst s6  }
0xf: {  	[smem:$0x3FB1] =	sst s7  }
0x10: {  	[smem:$0x3FB2] =	sst s8  }
0x11: {  	[smem:$0x3FB3] =	sst s9;
	s0 =	simm.s32 @!p0 $0x0  }
0x12: {  	s1 =	sld [smem:$0x3F99];
	s0 =	simm.s32 @p0 $0x1  }
0x13: {  	[smem:$0x3FB4] =	sst s0;
	s0 =	simm.s32 @!p1 $0x0  }
0x14: {  	s2 =	sld [smem:$0x3F98];
	s0 =	simm.s32 @p1 $0x1  }
0x15: {  	[smem:$0x3FB5] =	sst s0;
	s0 =	simm.s32 @!p2 $0x0  }
0x16: {  	s3 =	sld [smem:$0x3FDB];
	s0 =	simm.s32 @p2 $0x1  }
0x17: {  	s4 =	simm.s32 $0x1BF5;
	[smem:$0x3FB7] =	sst s0  }
0x18: {  	s0 =	sld [smem:$0x3F9A];
	_ =	swait.ge [sflag:s4], $0x0  }
0x19: {  	s7 =	sld [smem:$0x3F9B]  }
0x1a: {  	s8 =	sadd.s32 $0xFFFFE003, lr  }
0x1b: {  	s9 =	sadd.s32 $0xFFFFFEF7, lr;
	s5 =	simm.s32 $0xFFFFFFFF;
	p2 =	slt.u32 s8, $0xFFFFF086  }
0x1c: {  	p1 =	slt.u32 s9, $0xF7A;
	s5 =	simm.s32 @!p2 $0x0  }
0x1d: {  	s5 =	simm.s32 @p1 $0x1;
	p0 =	seq.s32 s7, s2  }
0x1e: {  	s7 =	smul.u32 @!p0 $0xF7A, s2;
	p2 =	seq.s32 @!p0 s5, $0x0  }
0x1f: {  	s9 =	smul.u32 $0xF7A, s1;
	s8 =	simm.s32 @!p0 $0x1BF5;
	p2 =	por !p2, p0  }
0x20: {  	[sflag:s8] =	ssyncset.s32 @!p0 $0xFFFFF086;
	s6 =	sadd.s32 @!p0 s3, s7;
	s7 =	simm.s32 @!p0 $0x108  }
0x21: {  	s3 =	sadd.s32 s3, s9;
	s6 =	sadd.s32 @!p0 $0x88, s6;
	s7 =	simm.s32 @p2 $0x1082  }
0x22: {  	[simem:s7], [sflag:s8] =	dma.local @!p0 [hbm:s6], $0xF7A  }
0x23: {  	s9 =	sor.u32 $0xD0000000, s2;
	s6 =	simm.s32 $0x108;
	_ =	swait.ge @!p0 [sflag:s8], $0x0  }
0x24: {  	s3 =	sadd.s32 $0x88, s3;
	s6 =	simm.s32 @!p1 $0x1082;
	[sflag:s4] =	ssyncset.s32 $0xFFFFF086  }
0x25: {  	[simem:s6], [sflag:s4] =	dma.local [hbm:s3], $0xF7A  }
0x26: {  	[smem:$0x3F9B] =	sst s1;
	(tag) =	ssettag s2;
	_ =	strace s9  }
0x27: {  	s1 =	sld [smem:$0x3FAB]  }
0x28: {  	s2 =	sld [smem:$0x3FAC]  }
0x29: {  	s4 =	sld [smem:$0x3FAE]  }
0x2a: {  	p0 =	seq.s32 s5, $0x0;
	s5 =	sld [smem:$0x3FAF]  }
0x2b: {  	s6 =	sld [smem:$0x3FB0]  }
0x2c: {  	s7 =	sld [smem:$0x3FB1]  }
0x2d: {  	s3 =	simm.s32 $0x108;
	s8 =	sld [smem:$0x3FB2]  }
0x2e: {  	s3 =	simm.s32 @!p0 $0x1082;
	s9 =	sld [smem:$0x3FB3]  }
0x2f: {  	lr =	sadd.s32 s0, s3;
	s0 =	sld [smem:$0x3FAA]  }
0x30: {  	s3 =	sld [smem:$0x3FAD]  }
0x31: {  	[smem:$0x3FB6] =	sst s10  }
0x32: {  	s10 =	sld [smem:$0x3FB4];
	_ =	sdelay $0x3  }
0x33: {  	p0 =	seq.s32 s10, $0x1;
	s10 =	sld [smem:$0x3FB6];
	_ =	sdelay $0x3  }
0x34: {  	[smem:$0x3FB6] =	sst s10  }
0x35: {  	s10 =	sld [smem:$0x3FB5];
	_ =	sdelay $0x3  }
0x36: {  	p1 =	seq.s32 s10, $0x1;
	s10 =	sld [smem:$0x3FB6];
	_ =	sdelay $0x3  }
0x37: {  	[smem:$0x3FB6] =	sst s10  }
0x38: {  	s10 =	sld [smem:$0x3FB7]  }
0x39: {  	_ = 	snop;
	(pc) =	sbr.ind lr, $3  }
0x3a: {  	_ = 	snop  }
0x3b: {  	_ = 	snop  }
0x3c: {  	p2 =	seq.s32 s10, $0x1;
	s10 =	sld [smem:$0x3FB6]  }
0x3d: {  	_ =	shalt  }
0x3e: {  	_ =	shalt  }
0x3f: {  	_ =	shalt  }
0x40: {  	_ =	shalt  }
0x41: {  	_ =	shalt  }
0x42: {  	_ =	shalt  }
0x43: {  	_ =	shalt  }
0x44: {  	_ =	shalt  }
0x45: {  	_ =	shalt  }
0x46: {  	_ =	shalt  }
0x47: {  	_ =	shalt  }
0x48: {  	_ =	shalt  }
0x49: {  	_ =	shalt  }
0x4a: {  	_ =	shalt  }
0x4b: {  	_ =	shalt  }
0x4c: {  	_ =	shalt  }
0x4d: {  	_ =	shalt  }
0x4e: {  	_ =	shalt  }
0x4f: {  	_ =	shalt  }
0x50: {  	_ =	shalt  }
0x51: {  	_ =	shalt  }
0x52: {  	_ =	shalt  }
0x53: {  	_ =	shalt  }
0x54: {  	_ =	shalt  }
0x55: {  	_ =	shalt  }
0x56: {  	_ =	shalt  }
0x57: {  	_ =	shalt  }
0x58: {  	_ =	shalt  }
0x59: {  	_ =	shalt  }
0x5a: {  	_ =	shalt  }
0x5b: {  	_ =	shalt  }
0x5c: {  	_ =	shalt  }
0x5d: {  	_ =	shalt  }
0x5e: {  	_ =	shalt  }
0x5f: {  	_ =	shalt  }
0x60: {  	_ =	shalt  }
0x61: {  	_ =	shalt  }
0x62: {  	_ =	shalt  }
0x63: {  	_ =	shalt  }
0x64: {  	_ =	shalt  }
0x65: {  	_ =	shalt  }
0x66: {  	_ =	shalt  }
0x67: {  	_ =	shalt  }
0x68: {  	_ =	shalt  }
0x69: {  	_ =	shalt  }
0x6a: {  	_ =	shalt  }
0x6b: {  	_ =	shalt  }
0x6c: {  	_ =	shalt  }
0x6d: {  	_ =	shalt  }
0x6e: {  	_ =	shalt  }
0x6f: {  	_ =	shalt  }
0x70: {  	_ =	shalt  }
0x71: {  	_ =	shalt  }
0x72: {  	_ =	shalt  }
0x73: {  	_ =	shalt  }
0x74: {  	_ =	shalt  }
0x75: {  	_ =	shalt  }
0x76: {  	_ =	shalt  }
0x77: {  	_ =	shalt  }
0x78: {  	_ =	shalt  }
0x79: {  	_ =	shalt  }
0x7a: {  	_ =	shalt  }
0x7b: {  	_ =	shalt  }
0x7c: {  	_ =	shalt  }
0x7d: {  	_ =	shalt  }
0x7e: {  	_ =	shalt  }
0x7f: {  	_ =	shalt  }
0x80: {  	_ =	shalt  }
0x81: {  	_ =	shalt  }
0x82: {  	_ =	shalt  }
0x83: {  	_ =	shalt  }
0x84: {  	_ =	shalt  }
0x85: {  	_ =	shalt  }
0x86: {  	_ =	shalt  }
0x87: {  	_ =	shalt  }
.Lfunc_end0:
.L_simem_size_0:
called_computation_lowered:
.L_overlay_start_0:
0x88: {  	s2 =	sld [smem:$0x3FD9]  }
0x89: {  	s3 =	sld [smem:$0x3FFE];
	_ =	sdelay $0x1  }
0x8a: {  	s1 =	srdreg.scid  }
0x8b: {  	s0 =	sand.u32 $0x1, s1  }
0x8c: {  	s16 =	sshll.u32 s0, $0xA;
	s2 =	sadd.s32 s3, s2  }
0x8d: {  	s2 =	sadd.s32 s2, s16  }
0x8e: {  	[smem:$0x3FC2] =	sst s2  }
0x8f: {  	_ = 	snop  }
0x90: {  	(tm) =	ssettm $0x1  }
0x91: {  	s17 =	sld [smem:$0x3FFB];
	_ =	sdelay $0x3  }
0x92: {  	_ =	strace s17  }
0x93: {  	s2 =	sld [smem:$0x3FFC];
	_ =	sdelay $0x3  }
0x94: {  	_ =	strace s2  }
0x95: {  	s2 =	sld [smem:$0x3FFD];
	_ =	sdelay $0x3  }
0x96: {  	_ =	strace s2  }
0x97: {  	_ =	strace $0x8FFFFFFF  }
0x98: {  	s18 =	sld [smem:$0x3FDB];
	_ =	sdelay $0x1  }
0x99: {  	s19 =	simm.s32 $_scs_section_size  }
0x9a: {  	s4 =	simm.s32 $_size__tile_overlayer_lowered;
	s5 =	simm.s32 $_tile_overlayer_lowered  }
0x9b: {  	s22 =	simm.s32 $0x1BFF;
	s21 =	sshll.u32 s5, $0x1;
	s2 =	sadd.s32 s19, s18  }
0x9c: {  	s6 =	simm.s32 $0x0;
	s20 =	sshll.u32 s4, $0x1;
	s4 =	sadd.s32 s21, s2  }
0x9d: {  	[timem:s6], [sflag:s22] =	dma.local [hbm:s4], s20  }
0x9e: {  	_ =	swait.ge [sflag:s22], s20  }
0x9f: {  	s3 =	ssub.s32 $0x0, s20;
	[sflag:s22] =	ssyncset.done $0x0  }
0xa0: {  	[sflag:s22] =	ssyncadd.s32 s3;
	_ =	sdelay $0x1  }
0xa1: {  	s23 =	simm.s32 $0x1B8B  }
0xa2: {  	_ =	swait.ge [sflag:s23], $0x1  }
0xa3: {  	[sflag:s23] =	ssyncset.done $0x0  }
0xa4: {  	s25 =	simm.s32 $0x1B8E;
	s24 =	sld [smem:$0x3FFE];
	[sflag:s23] =	ssyncadd.s32 $0xFFFFFFFF  }
0xa5: {  	s26 =	simm.s32 $execute0_lowered;
	[smem:$0x3FD2] =	sst s25  }
0xa6: {  	s4 =	sshll.u32 s26, $0x1;
	_ =	strace $0x80000046;
	[dreg:$0x1] =	wrdreg $0xFFFFFFFF  }
0xa7: {  	s28 =	simm.s32 $_size_execute0_lowered;
	s2 =	sadd.s32 s2, s4;
	[dreg:$0x0] =	wrdreg $0x0  }
0xa8: {  	s4 =	sshll.u32 s28, $0x1;
	[dreg:$0x2] =	wrdreg s2  }
0xa9: {  	[dreg:$0x3] =	wrdreg s4  }
0xaa: {  	[dreg:$0x4] =	wrdreg $0xC0  }
0xab: {  	_ =	task [dreg:s6], $0x5FFFF  }
0xac: {  	[dreg:$0x1] =	wrdreg $0xFFFFFFFF  }
0xad: {  	[dreg:$0x0] =	wrdreg $0x60  }
0xae: {  	[dreg:$0x2] =	wrdreg s24  }
0xaf: {  	[dreg:$0x3] =	wrdreg $0x9  }
0xb0: {  	_ =	task.clear_ibuf [dreg:s6], $0x4FFFF;
	_ =	strace $0x90000046  }
0xb1: {  	s29 =	simm.s32 $0x9;
	_ =	strace $0x80000048  }
0xb2: {  	_ =	swait.ge [sflag:s29], $0x1  }
0xb3: {  	[sflag:s29] =	ssyncadd.s32 $0xFFFFFFFF  }
0xb4: {  	_ =	strace $0x90000048  }
0xb5: {  	_ =	sfence  }
0xb6: {  	s30 =	sld [smem:$0x0];
	_ =	sdelay $0x2  }
0xb7: {  	s31 =	sshll.u32 s1, $0xD;
	s1 =	sshrl.u32 s1, $0x2  }
0xb8: {  	s3 =	sand.u32 $0x4000, s31;
	s1 =	sadd.s32 s1, s30  }
0xb9: {  	s0 =	sor.u32 s3, s0;
	s1 =	sshll.u32 s1, $0x11  }
0xba: {  	s0 =	sor.u32 s1, s0  }
0xbb: {  	s0 =	sadd.s32 $0x8F2B, s0  }
0xbc: {  	[sflag:s0] =	ssyncadd.remote.s32 $0x1  }
0xbd: {  	_ =	sfence.sel $0xFFFF  }
0xbe: {  	[dreg:$0x0] =	wrdreg $0xFFFFFFFF;
	(pc) =	sbr.abs _section_cstart, $3  }
0xbf: {  	[dreg:$0x1] =	wrdreg $0xFFFFFFFF  }
0xc0: {  	_ =	task.clear_ibuf [dreg:s6], $0x2FFFF;
	_ =	strace $0x9FFFFFFF  }
0xc1: {  	(tm) =	ssettm $0x7FFFFFFF  }
tec
execute0_lowered:
.L_overlay_start_1:
0x0: {  	(tag) =	ssettag $0x1  }
0x1: {  	s0 =	srdreg.scid  }
0x2: {  	s4 =	rddreg [dreg:$0x0];
	s3 =	sand.u32 $0x1, s0  }
0x3: {  	s1 =	stileid.u32;
	s7 =	simm.s32 $0x2800;
	s2 =	sshll.u32 s3, $0x4  }
0x4: {  	s0 =	rddreg [dreg:$0x1];
	s3 =	ssub.s32 $0x2, s3;
	s5 =	sor.u32 s1, s2  }
0x5: {  	s2 =	simm.s32 $0x0;
	s6 =	sshrl.u32 s3, $0x1;
	s5 =	smul.u32 $0x500, s5  }
0x6: {  	s8 =	simm.s32 $0x0;
	[smem:$0x7FF] =	sst s2;
	s31 =	ssub.s32 s3, s6  }
0x7: {  	s6 =	simm.s32 $0x1;
	_ =	strace $0x80000047;
	s4 =	sadd.s32 s5, s4  }
0x8: {  	v0 =	vimm.f32 $0.0e+00;
	v1 =	vimm.f32 $1.000000000e+00;
	s5 =	smax.u32 s31, $0x1;
	s3 =	sadd.s32 $0x2800, s4;
	s4 =	sadd.s32 $0xC800, s4  }
.LBB2_1:
0x9: {  	[tilespmem:s2], [sflag:$0x1] =	stream.linear.gather [hbm4b:s3+s2], $0x2800, $0x38;
	[tilespmem:$0x5000] =	vst v63  }
0xa: {  	_ =	swait.ge [sflag:s6], $0x2800  }
0xb: {  	[sflag:s6] =	ssyncset.done $0x0  }
0xc: {  	s9 =	simm.s32 $0x0;
	[sflag:s6] =	ssyncadd.s32 $0xFFFFD800  }
.LBB2_2:
0xd: {  	p0 =	sne.s32 s9, $0x9FC0  }
.Ltmp0:
0xe: {  	_ = 	snop;
	(pc) =	sbr.rel @p0 .LBB2_2-.Ltmp0, $3  }
0xf: {  	_ =	sdelay $0x1  }
0x10: {  	s10 =	sshra.s32 s9, $0x2  }
0x11: {  	s9 =	sadd.s32 $0x40, s9;
	[tilespmem:s10+$0x2800] =	vst v0  }
0x12: {  	s9 =	simm.s32 $0x0  }
.LBB2_4:
0x13: {  	s10 =	sshra.s32 s9, $0x2  }
0x14: {  	v2 =	vld [tilespmem:s10+$0x0];
	_ =	sdelay $0x7  }
0x15: {  	[tilespmem:v2+s7+$0x0] =	vst.idx.add.f32.msk $0xffff, v1  }
0x16: {  	v2 =	vld [tilespmem:s10+$0x10];
	_ =	sdelay $0x7  }
0x17: {  	[tilespmem:v2+s7+$0x0] =	vst.idx.add.f32.msk $0xffff, v1  }
0x18: {  	v2 =	vld [tilespmem:s10+$0x20];
	_ =	sdelay $0x7  }
0x19: {  	[tilespmem:v2+s7+$0x0] =	vst.idx.add.f32.msk $0xffff, v1  }
0x1a: {  	v2 =	vld [tilespmem:s10+$0x30];
	_ =	sdelay $0x7  }
0x1b: {  	[tilespmem:v2+s7+$0x0] =	vst.idx.add.f32.msk $0xffff, v1  }
0x1c: {  	v2 =	vld [tilespmem:s10+$0x40];
	_ =	sdelay $0x7  }
0x1d: {  	[tilespmem:v2+s7+$0x0] =	vst.idx.add.f32.msk $0xffff, v1  }
0x1e: {  	v2 =	vld [tilespmem:s10+$0x50];
	_ =	sdelay $0x7  }
0x1f: {  	[tilespmem:v2+s7+$0x0] =	vst.idx.add.f32.msk $0xffff, v1  }
0x20: {  	v2 =	vld [tilespmem:s10+$0x60];
	_ =	sdelay $0x7  }
0x21: {  	[tilespmem:v2+s7+$0x0] =	vst.idx.add.f32.msk $0xffff, v1  }
0x22: {  	v2 =	vld [tilespmem:s10+$0x70];
	_ =	sdelay $0x2  }
0x23: {  	p0 =	sne.s32 s9, $0x9E00  }
.Ltmp1:
0x24: {  	_ = 	snop;
	(pc) =	sbr.rel @p0 .LBB2_4-.Ltmp1, $2  }
0x25: {  	_ =	sdelay $0x2  }
0x26: {  	s9 =	sadd.s32 $0x200, s9;
	[tilespmem:v2+s7+$0x0] =	vst.idx.add.f32.msk $0xffff, v1  }
0x27: {  	s8 =	sadd.s32 $0x1, s8  }
0x28: {  	p0 =	sne.s32 s8, s5  }
.Ltmp2:
0x29: {  	_ = 	snop;
	(pc) =	sbr.rel @p0 .LBB2_1-.Ltmp2, $4  }
0x2a: {  	[hbm4b:s4+s2] =	stream.linear.scatter [tilespmem:s7], [sflag:$0x1], $0x2800, $0x38;
	[tilespmem:$0x5000] =	vst v63  }
0x2b: {  	_ =	swait.ge [sflag:s6], $0x2800  }
0x2c: {  	[sflag:s6] =	ssyncset.done $0x0  }
0x2d: {  	[sflag:s6] =	ssyncadd.s32 $0xFFFFD800  }
0x2e: {  	_ =	sfence.sel $0x180000  }
0x2f: {  	[bflag:$0x0] =	sbarrier.arrive $0xFFFF  }
0x30: {  	p0 =	sne.s32 s1, $0x0;
	_ =	strace $0x90000047  }
0x31: {  	s0 =	sadd.s32 @!p0 $0x100000, s0;
	[bflag:$0x2] =	sbarrier.arrive $0xFFFF  }
0x32: {  	[sflag:s0] =	ssyncadd.tile.s32 @!p0 $0x1;
	_ =	shalt  }
.Lfunc_end2:
_tile_overlayer_lowered:
.L_overlay_start_2:
0x33: {  	(tag) =	ssettag $0x2  }
0x34: {  	s0 =	rddreg [dreg:$0x0];
	s2 =	stileid.u32  }
0x35: {  	s1 =	rddreg [dreg:$0x1];
	p0 =	sne.s32 s2, $0x0  }
0x36: {  	s3 =	rddreg [dreg:$0x2];
	[bflag:$0x3] =	sbarrier.arrive $0xFFFF;
	s2 =	simm.s32 @!p0 $0x1C01  }
0x37: {  	[timem:s3], [sflag:s2] =	dma.local @!p0 [hbm:s0], s1  }
0x38: {  	s0 =	simm.s32 @!p0 $0x1  }
0x39: {  	_ =	swait.ge @!p0 [sflag:s0], s1  }
0x3a: {  	s1 =	ssub.s32 @!p0 $0x0, s1;
	[sflag:s0] =	ssyncset.done @!p0 $0x0  }
0x3b: {  	[sflag:s0] =	ssyncadd.s32 @!p0 s1  }
0x3c: {  	[bflag:$0x3] =	sbarrier.arrive $0xFFFF  }
0x3d: {  	_ =	shalt  }

</sc_bundles>
